<compile_context>
chip_gen: v7x
topology: tpu7x:2x2x1
jax: 0.10.2.dev20260603
libtpu: 0.0.44.dev20260713+nightly
codegen_flags: <defaults>
</compile_context>

<pallas_src>
import functools

import jax
import jax.numpy as jnp
from jax import lax
from jax.experimental import pallas as pl
from jax.experimental.pallas import tpu as pltpu
from jax.experimental.pallas import tpu_sc as plsc

LANES = 16
ROW_BLK = 512
CH = 2048
GRP = 32
DRAIN = 8
BF_INF2 = 0x7F807F80


def _leaky(x):
    return jnp.where(x >= 0, x, 0.01 * x)


def _dotT(x, w):
    return lax.dot_general(
        x, w, dimension_numbers=(((1,), (1,)), ((), ())),
        preferred_element_type=jnp.float32,
        precision=lax.Precision.HIGHEST)


def _proj_body(x_ref, w_ref, o_ref):
    bf = _dotT(x_ref[:], w_ref[:]).astype(jnp.bfloat16)
    h = bf.shape[1] // 2
    lo = lax.bitcast_convert_type(bf[:, :h], jnp.uint16).astype(jnp.int32)
    hi = lax.bitcast_convert_type(bf[:, h:], jnp.uint16).astype(jnp.int32)
    o_ref[:] = lo | (hi << 16)


def _proj(nf_pad, W):
    NP, D = nf_pad.shape
    O = W.shape[0]
    grid = (-(-NP // ROW_BLK),)
    return pl.pallas_call(
        _proj_body,
        grid=grid,
        in_specs=[
            pl.BlockSpec((ROW_BLK, D), lambda i: (i, 0)),
            pl.BlockSpec((O, D), lambda i: (0, 0)),
        ],
        out_specs=pl.BlockSpec((ROW_BLK, O // 2), lambda i: (i, 0)),
        out_shape=jax.ShapeDtypeStruct((NP, O // 2), jnp.int32),
    )(nf_pad, W)


def _final_body(nf_ref, m_ref, wv_ref, wn1_ref, wn2_ref, o_ref):
    nf = nf_ref[:]
    m32 = m_ref[:]
    m_lo = lax.bitcast_convert_type(
        (m32 & 0xFFFF).astype(jnp.uint16), jnp.bfloat16).astype(jnp.float32)
    m_hi = lax.bitcast_convert_type(
        lax.shift_right_logical(m32, 16).astype(jnp.uint16),
        jnp.bfloat16).astype(jnp.float32)
    m = jnp.concatenate([m_lo, m_hi], axis=1)
    t = _dotT(nf, wv_ref[:]) + m
    aggr = jnp.where(jnp.isfinite(t), _leaky(t), 0.0)
    o_ref[:] = _leaky(_dotT(nf, wn1_ref[:]) + _dotT(aggr, wn2_ref[:]))


def _final(nf_pad, m2d, Wv, Wn1, Wn2):
    NP, D = nf_pad.shape
    O = Wv.shape[0]
    grid = (-(-NP // ROW_BLK),)
    return pl.pallas_call(
        _final_body,
        grid=grid,
        in_specs=[
            pl.BlockSpec((ROW_BLK, D), lambda i: (i, 0)),
            pl.BlockSpec((ROW_BLK, O // 2), lambda i: (i, 0)),
            pl.BlockSpec((O, D), lambda i: (0, 0)),
            pl.BlockSpec((O, D), lambda i: (0, 0)),
            pl.BlockSpec((O, O), lambda i: (0, 0)),
        ],
        out_specs=pl.BlockSpec((ROW_BLK, O), lambda i: (i, 0)),
        out_shape=jax.ShapeDtypeStruct((NP, O), jnp.float32),
    )(nf_pad, m2d, Wv, Wn1, Wn2)


def _segmin_call(A32, src, dst, dist, wd32, NP, D, NW, NPW):
    EP = src.shape[0]
    DW = D // 2
    NV = DW // LANES
    CAP = DRAIN * CH + 2 * GRP
    mesh = plsc.VectorSubcoreMesh(core_axis_name="c", subcore_axis_name="s")
    info = plsc.get_sparse_core_info()
    NC = info.num_cores

    @functools.partial(
        pl.kernel, mesh=mesh,
        compiler_params=pltpu.CompilerParams(needs_layout_passes=False),
        out_type=jax.ShapeDtypeStruct((NP * DW,), jnp.int32),
        scratch_types=[
            pltpu.VMEM(((NPW + 1) * DW,), jnp.int32),
            pltpu.VMEM((2 * CH,), jnp.int32),
            pltpu.VMEM((2 * CH,), jnp.int32),
            pltpu.VMEM((2 * CH,), jnp.float32),
            pltpu.VMEM((CAP,), jnp.int32),
            pltpu.VMEM((CAP,), jnp.int32),
            pltpu.VMEM((CAP,), jnp.float32),
            pltpu.VMEM((2, GRP, DW), jnp.int32),
            pltpu.VMEM((DW,), jnp.int32),
            pltpu.VMEM((CH // LANES + LANES,), jnp.int32),
            pltpu.VMEM((CH // LANES + LANES,), jnp.int32),
            pltpu.SemaphoreType.DMA,
            pltpu.SemaphoreType.DMA,
            pltpu.SemaphoreType.DMA,
        ],
    )
    def seg_kernel(A_hbm, src_hbm, dst_hbm, dist_hbm, wd_hbm, m_hbm,
                   acc, dstb, srcb, distb, cdst, cidx, cdist, rows, wdv,
                   baseb, wlist, sg0, sg1, semc):
        wid = lax.axis_index("s") * NC + lax.axis_index("c")
        lo = wid * NPW

        pltpu.sync_copy(wd_hbm, wdv)

        inf16 = jnp.full((LANES,), BF_INF2, dtype=jnp.int32)

        def init_row(r, _):
            for v in range(NV):
                acc[pl.ds(r * DW + v * LANES, LANES)] = inf16
            return 0
        lax.fori_loop(0, NPW + 1, init_row, 0)

        def start_gather(g, par, gsem):
            pltpu.async_copy(A_hbm.at[cidx.at[pl.ds(g * GRP, GRP)]],
                             rows.at[par], gsem)

        def wait_gather(g, par, gsem):
            pltpu.make_async_copy(A_hbm.at[cidx.at[pl.ds(g * GRP, GRP)]],
                                  rows.at[par], gsem).wait()

        iot0 = lax.iota(jnp.int32, LANES) * 0

        def accum_group(base, par):
            def edge(j, _):
                dl = cdst[pl.ds(base + j, LANES)][0]
                dsp = cdist[pl.ds(base + j, LANES)][iot0]
                dib = plsc.pack(dsp, dsp, format=plsc.PackFormat.INTERLEAVED)
                off = dl * DW

                @plsc.parallel_loop(0, NV, 1, unroll=NV)
                def _(v):
                    sl = pl.ds(off + v * LANES, LANES)
                    rw = plsc.bitcast(rows[par, j, pl.ds(v * LANES, LANES)],
                                      jnp.bfloat16)
                    wv = plsc.bitcast(wdv[pl.ds(v * LANES, LANES)],
                                      jnp.bfloat16)
                    av = plsc.bitcast(acc[sl], jnp.bfloat16)
                    val = jnp.minimum(av, rw + dib * wv)
                    acc[sl] = plsc.bitcast(val, jnp.int32)
                return 0
            lax.fori_loop(0, GRP, edge, 0)

        def run_groups(ngroups):
            @pl.when(ngroups > 0)
            def _():
                start_gather(0, 0, sg0)

            @pl.when(ngroups > 1)
            def _():
                start_gather(1, 1, sg1)

            npairs = ngroups // 2

            def pair(k, _):
                g0 = k * 2
                wait_gather(g0, 0, sg0)
                accum_group(g0 * GRP, 0)

                @pl.when(g0 + 2 < ngroups)
                def _():
                    start_gather(g0 + 2, 0, sg0)

                g1 = g0 + 1
                wait_gather(g1, 1, sg1)
                accum_group(g1 * GRP, 1)

                @pl.when(g1 + 2 < ngroups)
                def _():
                    start_gather(g1 + 2, 1, sg1)
                return 0
            lax.fori_loop(0, npairs, pair, 0)

            @pl.when(npairs * 2 < ngroups)
            def _():
                g = npairs * 2
                wait_gather(g, 0, sg0)
                accum_group(g * GRP, 0)

        NCH = EP // CH

        def load_chunk(c, par):
            e0 = c * CH
            b = pl.ds(par * CH, CH)
            pltpu.async_copy(dst_hbm.at[pl.ds(e0, CH)], dstb.at[b], semc)
            pltpu.async_copy(src_hbm.at[pl.ds(e0, CH)], srcb.at[b], semc)
            pltpu.async_copy(dist_hbm.at[pl.ds(e0, CH)], distb.at[b], semc)

        def wait_chunk(c, par):
            e0 = c * CH
            b = pl.ds(par * CH, CH)
            pltpu.make_async_copy(dst_hbm.at[pl.ds(e0, CH)], dstb.at[b],
                                  semc).wait()
            pltpu.make_async_copy(src_hbm.at[pl.ds(e0, CH)], srcb.at[b],
                                  semc).wait()
            pltpu.make_async_copy(dist_hbm.at[pl.ds(e0, CH)], distb.at[b],
                                  semc).wait()

        load_chunk(0, 0)

        lane15 = jnp.full((LANES,), LANES - 1, dtype=jnp.int32)

        def chunk(c, count_v):
            par = lax.rem(c, jnp.int32(2))
            wait_chunk(c, par)

            @pl.when(c + 1 < NCH)
            def _():
                load_chunk(c + 1, 1 - par)

            NS = CH // LANES
            iot = lax.iota(jnp.int32, LANES)
            l0 = iot == 0

            @plsc.parallel_loop(0, NS, 1, unroll=8)
            def _(i):
                s = pl.ds(par * CH + i * LANES, LANES)
                d16 = dstb[s]
                msk = (d16 >= lo) & (d16 < lo + NPW)
                pop = plsc.all_reduce_population_count(msk)
                plsc.store_scatter(baseb, [iot * 0 + i], pop, mask=l0)

            def prefix(k, carry):
                run_v, nz_v = carry
                sl = pl.ds(k * LANES, LANES)
                v = baseb[sl]
                csum = plsc.cumsum(v)
                baseb[sl] = run_v + csum - v
                nmsk = v > 0
                ncs = plsc.cumsum(jnp.where(nmsk, 1, 0))
                plsc.store_scatter(wlist, [nz_v + ncs - 1], k * LANES + iot,
                                   mask=nmsk)
                return run_v + csum[lane15], nz_v + ncs[lane15]
            count_v, nz_v = lax.fori_loop(
                0, NS // LANES, prefix,
                (count_v, jnp.zeros((LANES,), jnp.int32)))

            nz = nz_v[0]
            nzp = ((nz + 3) // 4) * 4

            @pl.when(nz % 4 != 0)
            def _():
                wlist[pl.ds(nz, LANES)] = jnp.zeros((LANES,), jnp.int32)

            @plsc.parallel_loop(0, nzp, 1, unroll=4)
            def _(k):
                i = wlist[pl.ds(k, LANES)][0]
                bvec = baseb[pl.ds(i, LANES)]
                base = bvec[iot * 0]
                s = pl.ds(par * CH + i * LANES, LANES)
                d16 = dstb[s]
                msk = (d16 >= lo) & (d16 < lo + NPW)
                csum = plsc.cumsum(jnp.where(msk, 1, 0))
                p = base + csum - 1
                plsc.store_scatter(cdst, [p], d16 - lo, mask=msk)
                plsc.store_scatter(cidx, [p], srcb[s], mask=msk)
                plsc.store_scatter(cdist, [p], distb[s], mask=msk)

            count = count_v[0]
            do_drain = (lax.rem(c, jnp.int32(DRAIN)) == DRAIN - 1) \
                | (c == NCH - 1)
            ngroups = jnp.where(do_drain, count // GRP, 0)
            run_groups(ngroups)

            @pl.when(ngroups > 0)
            def _():
                for k in range(GRP // LANES):
                    t = pl.ds(ngroups * GRP + k * LANES, LANES)
                    h = pl.ds(k * LANES, LANES)
                    cdst[h] = cdst[t]
                    cidx[h] = cidx[t]
                    cdist[h] = cdist[t]

            return jnp.full((LANES,), count - ngroups * GRP, dtype=jnp.int32)

        rem_v = lax.fori_loop(0, EP // CH, chunk,
                              jnp.zeros((LANES,), jnp.int32))
        rem = rem_v[0]

        @pl.when(rem > 0)
        def _():
            for k in range(GRP // LANES):
                p = pl.ds(rem + k * LANES, LANES)
                cidx[p] = jnp.zeros((LANES,), jnp.int32)
                cdst[p] = jnp.full((LANES,), NPW, dtype=jnp.int32)
                cdist[p] = jnp.zeros((LANES,), jnp.float32)
            start_gather(0, 0, sg0)
            wait_gather(0, 0, sg0)
            accum_group(0, 0)

        pltpu.sync_copy(acc.at[pl.ds(0, NPW * DW)],
                        m_hbm.at[pl.ds(lo * DW, NPW * DW)])

    return seg_kernel(A32, src, dst, dist, wd32)


def kernel(node_feat, dist, edge_index, W_edge, W_node):
    N, D = node_feat.shape
    O = W_edge.shape[0]
    E = dist.shape[0]

    Wu = W_edge[:, :D]
    wd = W_edge[:, D]
    Wv = W_edge[:, D + 1:]
    Wn1 = W_node[:, :D]
    Wn2 = W_node[:, D:]

    info = plsc.get_sparse_core_info()
    NW = info.num_cores * info.num_subcores
    NPW = -(-N // (NW * 64)) * 64
    NP = NW * NPW
    NP = -(-NP // ROW_BLK) * ROW_BLK
    NPW = NP // NW

    src = edge_index[0]
    dst = edge_index[1]
    EP = -(-E // CH) * CH
    if EP != E:
        src = jnp.pad(src, (0, EP - E))
        dist = jnp.pad(dist, (0, EP - E))
        dst = jnp.pad(dst, (0, EP - E), constant_values=-1)

    A32 = _proj(node_feat, Wu)
    wd16 = wd.astype(jnp.bfloat16)
    wd_lo = lax.bitcast_convert_type(wd16[:O // 2], jnp.uint16
                                     ).astype(jnp.int32)
    wd_hi = lax.bitcast_convert_type(wd16[O // 2:], jnp.uint16
                                     ).astype(jnp.int32)
    wd32 = wd_lo | (wd_hi << 16)
    m_flat = _segmin_call(A32, src, dst, dist, wd32, NP, O, NW, NPW)
    out = _final(node_feat, m_flat.reshape(NP, O // 2), Wv, Wn1, Wn2)
    return out

# --- scband reference (transcript-rebuilt; emitter-appended) ---
"""Pipeline reference for scband-mplayers-9783935500615 (READ-ONLY COPY).

The authoritative reference and input builder live on the scoring server;
editing this copy changes nothing except your own understanding.
"""

import jax, jax.numpy as jnp
import numpy as np

N = 10000
E = 160000
IN_DIM = 256
OUT_DIM = 256


def leaky_relu(x):
    return jnp.where(x >= 0, x, 0.01 * x)


def setup_inputs(seed: int = 0) -> dict:
    key = jax.random.key(seed)
    k1, k2, k3, k4, k5 = jax.random.split(key, 5)
    node_feat = jax.random.normal(k1, (N, IN_DIM), dtype=jnp.float32)
    edge_index = jax.random.randint(k2, (2, E), 0, N, dtype=jnp.int32)
    dist = jax.random.uniform(k3, (E,), dtype=jnp.float32)
    # edge_W: Linear(in_dim*2 + 1 -> out_dim, bias=False)
    W_edge = jax.random.normal(k4, (OUT_DIM, 2 * IN_DIM + 1), dtype=jnp.float32) * 0.05
    # node_W: Linear(out_dim + in_dim -> out_dim, bias=False)
    W_node = jax.random.normal(k5, (OUT_DIM, OUT_DIM + IN_DIM), dtype=jnp.float32) * 0.05
    return {"node_feat": node_feat, "dist": dist, "edge_index": edge_index, "W_edge": W_edge, "W_node": W_node}


def reference(node_feat, dist, edge_index, W_edge, W_node):
    src = edge_index[0]
    dst = edge_index[1]
    # message_func: concat([u, dist, v]) -> edge_W -> LeakyReLU
    u = jnp.take(node_feat, src, axis=0)
    v = jnp.take(node_feat, dst, axis=0)
    feature = jnp.concatenate([u, dist[:, None], v], axis=-1)
    msg = leaky_relu(feature @ W_edge.T)
    # reduce_func: min over mailbox (per-dst segment min)
    aggr = jax.ops.segment_min(msg, dst, num_segments=N)
    # DGL leaves zero for nodes with no incoming messages; segment_min identity is +inf
    aggr = jnp.where(jnp.isfinite(aggr), aggr, 0.0)
    # apply_node_func: concat([nf, aggr_msg]) -> node_W -> LeakyReLU
    h = jnp.concatenate([node_feat, aggr], axis=-1)
    node_feat_p = leaky_relu(h @ W_node.T)
    return node_feat_p

if __name__ == "__main__":
    import jax
    _d = setup_inputs()
    print(jax.jit(kernel)(*tuple(_d.values())))

</pallas_src>

<mosaic_0001>
#map = affine_map<(d0, d1) -> (0, 0)>
#map1 = affine_map<(d0, d1) -> (0)>
module attributes {stable_mosaic.version = 14 : i64} {
  func.func @seg_kernel(%arg0: i32, %arg1: i32, %arg2: memref<10000x128xi32, #tpu.memory_space<hbm>>, %arg3: memref<161792xi32, #tpu.memory_space<hbm>>, %arg4: memref<161792xi32, #tpu.memory_space<hbm>>, %arg5: memref<161792xf32, #tpu.memory_space<hbm>>, %arg6: memref<128xi32, #tpu.memory_space<hbm>>, %arg7: memref<1310720xi32, #tpu.memory_space<hbm>>, %arg8: memref<41088xi32, #tpu.memory_space<vmem>>, %arg9: memref<4096xi32, #tpu.memory_space<vmem>>, %arg10: memref<4096xi32, #tpu.memory_space<vmem>>, %arg11: memref<4096xf32, #tpu.memory_space<vmem>>, %arg12: memref<16448xi32, #tpu.memory_space<vmem>>, %arg13: memref<16448xi32, #tpu.memory_space<vmem>>, %arg14: memref<16448xf32, #tpu.memory_space<vmem>>, %arg15: memref<2x32x128xi32, #tpu.memory_space<vmem>>, %arg16: memref<128xi32, #tpu.memory_space<vmem>>, %arg17: memref<144xi32, #tpu.memory_space<vmem>>, %arg18: memref<144xi32, #tpu.memory_space<vmem>>, %arg19: memref<!tpu.dma_semaphore, #tpu.memory_space<semaphore_mem>>, %arg20: memref<!tpu.dma_semaphore, #tpu.memory_space<semaphore_mem>>, %arg21: memref<!tpu.dma_semaphore, #tpu.memory_space<semaphore_mem>>) attributes {dimension_semantics = [#tpu.dimension_semantics<core_parallel>, #tpu.dimension_semantics<subcore_parallel>], iteration_bounds = array<i64: 2, 16>, scalar_prefetch = 0 : i64, scratch_operands = 14 : i64, tpu.core_type = #tpu.core_type<sc_vector_subcore>, window_params = [{transform_indices = #map}, {transform_indices = #map1}, {transform_indices = #map1}, {transform_indices = #map1}, {transform_indices = #map1}, {transform_indices = #map1}]} {
    %mul3A = arith.constant 2 : i32
    %mul3A_0 = arith.muli %arg1, %mul3A : i32
    %add3A = arith.addi %mul3A_0, %arg0 : i32
    %mul3A_1 = arith.constant 320 : i32
    %mul3A_2 = arith.muli %add3A, %mul3A_1 : i32
    "tpu.region"() ({
      %run_scoped3A = tpu.sem_alloc : memref<!tpu.dma_semaphore, #tpu.memory_space<semaphore_mem>>
      tpu.enqueue_dma source(%arg6 : memref<128xi32, #tpu.memory_space<hbm>>) target(%arg16 : memref<128xi32, #tpu.memory_space<vmem>>) target_semaphore(%run_scoped3A : memref<!tpu.dma_semaphore, #tpu.memory_space<semaphore_mem>>)
      tpu.wait_dma2 semaphore(%run_scoped3A : memref<!tpu.dma_semaphore, #tpu.memory_space<semaphore_mem>>) src(%arg6 : memref<128xi32, #tpu.memory_space<hbm>>) dst(%arg16 : memref<128xi32, #tpu.memory_space<vmem>>)
      tpu.yield
    }) : () -> ()
    %broadcast_in_dim3A = arith.constant 2139127680 : i32
    %broadcast_in_dim3A_3 = vector.broadcast %broadcast_in_dim3A : i32 to vector<16xi32>
    %scan3A = arith.constant 0 : i32
    %scan3A_4 = arith.constant 0 : i32
    %scan3A_5 = arith.constant 321 : i32
    %scan3A_6 = arith.addi %scan3A_4, %scan3A_5 : i32
    %scan3A_7 = arith.constant 1 : i32
    %scan3A_8 = scf.for %scan3A_50 = %scan3A_4 to %scan3A_6 step %scan3A_7 iter_args(%scan3A_51 = %scan3A) -> (i32)  : i32 {
      %mul3A_52 = arith.constant 128 : i32
      %mul3A_53 = arith.muli %scan3A_50, %mul3A_52 : i32
      %add3A_54 = arith.constant 0 : i32
      %add3A_55 = arith.addi %mul3A_53, %add3A_54 : i32
      %swap3A = arith.index_cast %add3A_55 : i32 to index
      %swap3A_56 = tpu.vector_load %arg8[%swap3A] {strides = array<i32>} : memref<41088xi32, #tpu.memory_space<vmem>>, vector<16xi32>,
      tpu.vector_store %arg8[%swap3A], %broadcast_in_dim3A_3 {strides = array<i32>} : memref<41088xi32, #tpu.memory_space<vmem>>, vector<16xi32>,
      %mul3A_57 = arith.constant 128 : i32
      %mul3A_58 = arith.muli %scan3A_50, %mul3A_57 : i32
      %add3A_59 = arith.constant 16 : i32
      %add3A_60 = arith.addi %mul3A_58, %add3A_59 : i32
      %swap3A_61 = arith.index_cast %add3A_60 : i32 to index
      %swap3A_62 = tpu.vector_load %arg8[%swap3A_61] {strides = array<i32>} : memref<41088xi32, #tpu.memory_space<vmem>>, vector<16xi32>,
      tpu.vector_store %arg8[%swap3A_61], %broadcast_in_dim3A_3 {strides = array<i32>} : memref<41088xi32, #tpu.memory_space<vmem>>, vector<16xi32>,
      %mul3A_63 = arith.constant 128 : i32
      %mul3A_64 = arith.muli %scan3A_50, %mul3A_63 : i32
      %add3A_65 = arith.constant 32 : i32
      %add3A_66 = arith.addi %mul3A_64, %add3A_65 : i32
      %swap3A_67 = arith.index_cast %add3A_66 : i32 to index
      %swap3A_68 = tpu.vector_load %arg8[%swap3A_67] {strides = array<i32>} : memref<41088xi32, #tpu.memory_space<vmem>>, vector<16xi32>,
      tpu.vector_store %arg8[%swap3A_67], %broadcast_in_dim3A_3 {strides = array<i32>} : memref<41088xi32, #tpu.memory_space<vmem>>, vector<16xi32>,
      %mul3A_69 = arith.constant 128 : i32
      %mul3A_70 = arith.muli %scan3A_50, %mul3A_69 : i32
      %add3A_71 = arith.constant 48 : i32
      %add3A_72 = arith.addi %mul3A_70, %add3A_71 : i32
      %swap3A_73 = arith.index_cast %add3A_72 : i32 to index
      %swap3A_74 = tpu.vector_load %arg8[%swap3A_73] {strides = array<i32>} : memref<41088xi32, #tpu.memory_space<vmem>>, vector<16xi32>,
      tpu.vector_store %arg8[%swap3A_73], %broadcast_in_dim3A_3 {strides = array<i32>} : memref<41088xi32, #tpu.memory_space<vmem>>, vector<16xi32>,
      %mul3A_75 = arith.constant 128 : i32
      %mul3A_76 = arith.muli %scan3A_50, %mul3A_75 : i32
      %add3A_77 = arith.constant 64 : i32
      %add3A_78 = arith.addi %mul3A_76, %add3A_77 : i32
      %swap3A_79 = arith.index_cast %add3A_78 : i32 to index
      %swap3A_80 = tpu.vector_load %arg8[%swap3A_79] {strides = array<i32>} : memref<41088xi32, #tpu.memory_space<vmem>>, vector<16xi32>,
      tpu.vector_store %arg8[%swap3A_79], %broadcast_in_dim3A_3 {strides = array<i32>} : memref<41088xi32, #tpu.memory_space<vmem>>, vector<16xi32>,
      %mul3A_81 = arith.constant 128 : i32
      %mul3A_82 = arith.muli %scan3A_50, %mul3A_81 : i32
      %add3A_83 = arith.constant 80 : i32
      %add3A_84 = arith.addi %mul3A_82, %add3A_83 : i32
      %swap3A_85 = arith.index_cast %add3A_84 : i32 to index
      %swap3A_86 = tpu.vector_load %arg8[%swap3A_85] {strides = array<i32>} : memref<41088xi32, #tpu.memory_space<vmem>>, vector<16xi32>,
      tpu.vector_store %arg8[%swap3A_85], %broadcast_in_dim3A_3 {strides = array<i32>} : memref<41088xi32, #tpu.memory_space<vmem>>, vector<16xi32>,
      %mul3A_87 = arith.constant 128 : i32
      %mul3A_88 = arith.muli %scan3A_50, %mul3A_87 : i32
      %add3A_89 = arith.constant 96 : i32
      %add3A_90 = arith.addi %mul3A_88, %add3A_89 : i32
      %swap3A_91 = arith.index_cast %add3A_90 : i32 to index
      %swap3A_92 = tpu.vector_load %arg8[%swap3A_91] {strides = array<i32>} : memref<41088xi32, #tpu.memory_space<vmem>>, vector<16xi32>,
      tpu.vector_store %arg8[%swap3A_91], %broadcast_in_dim3A_3 {strides = array<i32>} : memref<41088xi32, #tpu.memory_space<vmem>>, vector<16xi32>,
      %mul3A_93 = arith.constant 128 : i32
      %mul3A_94 = arith.muli %scan3A_50, %mul3A_93 : i32
      %add3A_95 = arith.constant 112 : i32
      %add3A_96 = arith.addi %mul3A_94, %add3A_95 : i32
      %swap3A_97 = arith.index_cast %add3A_96 : i32 to index
      %swap3A_98 = tpu.vector_load %arg8[%swap3A_97] {strides = array<i32>} : memref<41088xi32, #tpu.memory_space<vmem>>, vector<16xi32>,
      tpu.vector_store %arg8[%swap3A_97], %broadcast_in_dim3A_3 {strides = array<i32>} : memref<41088xi32, #tpu.memory_space<vmem>>, vector<16xi32>,
      %scan3A_99 = arith.constant 0 : i32
      scf.yield %scan3A_99 : i32
    }
    %scan3A_9 = arith.constant 321 : i32
    %iota3A = tpu.iota {dimensions = array<i32: 0>} : vector<16xi32>
    %mul3A_10 = arith.constant 0 : i32
    %mul3A_11 = vector.broadcast %mul3A_10 : i32 to vector<16xi32>
    %mul3A_12 = arith.muli %iota3A, %mul3A_11 : vector<16xi32>
    %dma_start3A = arith.constant 0 : i32
    %dma_start3A_13 = tpu.memref_slice %arg9[%dma_start3A] : memref<4096xi32, #tpu.memory_space<vmem>> -> memref<2048xi32, #tpu.memory_space<vmem>>
    %dma_start3A_14 = arith.constant 0 : i32
    %dma_start3A_15 = tpu.memref_slice %arg4[%dma_start3A_14] : memref<161792xi32, #tpu.memory_space<hbm>> -> memref<2048xi32, #tpu.memory_space<hbm>>
    %dma_start3A_16 = arith.constant 0 : i32
    %dma_start3A_17 = tpu.memref_slice %arg9[%dma_start3A_16] : memref<4096xi32, #tpu.memory_space<vmem>> -> memref<2048xi32, #tpu.memory_space<vmem>>
    %dma_start3A_18 = arith.constant 0 : i32
    %dma_start3A_19 = tpu.memref_slice %arg4[%dma_start3A_18] : memref<161792xi32, #tpu.memory_space<hbm>> -> memref<2048xi32, #tpu.memory_space<hbm>>
    tpu.enqueue_dma source(%dma_start3A_19 : memref<2048xi32, #tpu.memory_space<hbm>>) target(%dma_start3A_17 : memref<2048xi32, #tpu.memory_space<vmem>>) target_semaphore(%arg21 : memref<!tpu.dma_semaphore, #tpu.memory_space<semaphore_mem>>)
    %dma_start3A_20 = arith.constant 0 : i32
    %dma_start3A_21 = tpu.memref_slice %arg10[%dma_start3A_20] : memref<4096xi32, #tpu.memory_space<vmem>> -> memref<2048xi32, #tpu.memory_space<vmem>>
    %dma_start3A_22 = arith.constant 0 : i32
    %dma_start3A_23 = tpu.memref_slice %arg3[%dma_start3A_22] : memref<161792xi32, #tpu.memory_space<hbm>> -> memref<2048xi32, #tpu.memory_space<hbm>>
    %dma_start3A_24 = arith.constant 0 : i32
    %dma_start3A_25 = tpu.memref_slice %arg10[%dma_start3A_24] : memref<4096xi32, #tpu.memory_space<vmem>> -> memref<2048xi32, #tpu.memory_space<vmem>>
    %dma_start3A_26 = arith.constant 0 : i32
    %dma_start3A_27 = tpu.memref_slice %arg3[%dma_start3A_26] : memref<161792xi32, #tpu.memory_space<hbm>> -> memref<2048xi32, #tpu.memory_space<hbm>>
    tpu.enqueue_dma source(%dma_start3A_27 : memref<2048xi32, #tpu.memory_space<hbm>>) target(%dma_start3A_25 : memref<2048xi32, #tpu.memory_space<vmem>>) target_semaphore(%arg21 : memref<!tpu.dma_semaphore, #tpu.memory_space<semaphore_mem>>)
    %dma_start3A_28 = arith.constant 0 : i32
    %dma_start3A_29 = tpu.memref_slice %arg11[%dma_start3A_28] : memref<4096xf32, #tpu.memory_space<vmem>> -> memref<2048xf32, #tpu.memory_space<vmem>>
    %dma_start3A_30 = arith.constant 0 : i32
    %dma_start3A_31 = tpu.memref_slice %arg5[%dma_start3A_30] : memref<161792xf32, #tpu.memory_space<hbm>> -> memref<2048xf32, #tpu.memory_space<hbm>>
    %dma_start3A_32 = arith.constant 0 : i32
    %dma_start3A_33 = tpu.memref_slice %arg11[%dma_start3A_32] : memref<4096xf32, #tpu.memory_space<vmem>> -> memref<2048xf32, #tpu.memory_space<vmem>>
    %dma_start3A_34 = arith.constant 0 : i32
    %dma_start3A_35 = tpu.memref_slice %arg5[%dma_start3A_34] : memref<161792xf32, #tpu.memory_space<hbm>> -> memref<2048xf32, #tpu.memory_space<hbm>>
    tpu.enqueue_dma source(%dma_start3A_35 : memref<2048xf32, #tpu.memory_space<hbm>>) target(%dma_start3A_33 : memref<2048xf32, #tpu.memory_space<vmem>>) target_semaphore(%arg21 : memref<!tpu.dma_semaphore, #tpu.memory_space<semaphore_mem>>)
    %broadcast_in_dim3A_36 = arith.constant 15 : i32
    %broadcast_in_dim3A_37 = vector.broadcast %broadcast_in_dim3A_36 : i32 to vector<16xi32>
    %broadcast_in_dim3A_38 = arith.constant 0 : i32
    %broadcast_in_dim3A_39 = vector.broadcast %broadcast_in_dim3A_38 : i32 to vector<16xi32>
    %scan3A_40 = arith.constant 0 : i32
    %scan3A_41 = arith.constant 79 : i32
    %scan3A_42 = arith.addi %scan3A_40, %scan3A_41 : i32
    %scan3A_43 = arith.constant 1 : i32
    %scan3A_44 = scf.for %scan3A_50 = %scan3A_40 to %scan3A_42 step %scan3A_43 iter_args(%scan3A_51 = %broadcast_in_dim3A_39) -> (vector<16xi32>)  : i32 {
      %rem3A = arith.constant 2 : i32
      %rem3A_52 = arith.remsi %scan3A_50, %rem3A : i32
      %mul3A_53 = arith.constant 2048 : i32
      %mul3A_54 = arith.muli %scan3A_50, %mul3A_53 : i32
      %mul3A_55 = arith.constant 2048 : i32
      %mul3A_56 = arith.muli %rem3A_52, %mul3A_55 : i32
      %dma_wait3A = tpu.memref_slice %arg9[%mul3A_56] : memref<4096xi32, #tpu.memory_space<vmem>> -> memref<2048xi32, #tpu.memory_space<vmem>>
      %dma_wait3A_57 = tpu.memref_slice %arg4[%mul3A_54] : memref<161792xi32, #tpu.memory_space<hbm>> -> memref<2048xi32, #tpu.memory_space<hbm>>
      %dma_wait3A_58 = tpu.memref_slice %arg9[%mul3A_56] : memref<4096xi32, #tpu.memory_space<vmem>> -> memref<2048xi32, #tpu.memory_space<vmem>>
      %dma_wait3A_59 = tpu.memref_slice %arg4[%mul3A_54] : memref<161792xi32, #tpu.memory_space<hbm>> -> memref<2048xi32, #tpu.memory_space<hbm>>
      tpu.wait_dma2 semaphore(%arg21 : memref<!tpu.dma_semaphore, #tpu.memory_space<semaphore_mem>>) src(%dma_wait3A_59 : memref<2048xi32, #tpu.memory_space<hbm>>) dst(%dma_wait3A_58 : memref<2048xi32, #tpu.memory_space<vmem>>)
      %dma_wait3A_60 = tpu.memref_slice %arg10[%mul3A_56] : memref<4096xi32, #tpu.memory_space<vmem>> -> memref<2048xi32, #tpu.memory_space<vmem>>
      %dma_wait3A_61 = tpu.memref_slice %arg3[%mul3A_54] : memref<161792xi32, #tpu.memory_space<hbm>> -> memref<2048xi32, #tpu.memory_space<hbm>>
      %dma_wait3A_62 = tpu.memref_slice %arg10[%mul3A_56] : memref<4096xi32, #tpu.memory_space<vmem>> -> memref<2048xi32, #tpu.memory_space<vmem>>
      %dma_wait3A_63 = tpu.memref_slice %arg3[%mul3A_54] : memref<161792xi32, #tpu.memory_space<hbm>> -> memref<2048xi32, #tpu.memory_space<hbm>>
      tpu.wait_dma2 semaphore(%arg21 : memref<!tpu.dma_semaphore, #tpu.memory_space<semaphore_mem>>) src(%dma_wait3A_63 : memref<2048xi32, #tpu.memory_space<hbm>>) dst(%dma_wait3A_62 : memref<2048xi32, #tpu.memory_space<vmem>>)
      %dma_wait3A_64 = tpu.memref_slice %arg11[%mul3A_56] : memref<4096xf32, #tpu.memory_space<vmem>> -> memref<2048xf32, #tpu.memory_space<vmem>>
      %dma_wait3A_65 = tpu.memref_slice %arg5[%mul3A_54] : memref<161792xf32, #tpu.memory_space<hbm>> -> memref<2048xf32, #tpu.memory_space<hbm>>
      %dma_wait3A_66 = tpu.memref_slice %arg11[%mul3A_56] : memref<4096xf32, #tpu.memory_space<vmem>> -> memref<2048xf32, #tpu.memory_space<vmem>>
      %dma_wait3A_67 = tpu.memref_slice %arg5[%mul3A_54] : memref<161792xf32, #tpu.memory_space<hbm>> -> memref<2048xf32, #tpu.memory_space<hbm>>
      tpu.wait_dma2 semaphore(%arg21 : memref<!tpu.dma_semaphore, #tpu.memory_space<semaphore_mem>>) src(%dma_wait3A_67 : memref<2048xf32, #tpu.memory_space<hbm>>) dst(%dma_wait3A_66 : memref<2048xf32, #tpu.memory_space<vmem>>)
      %add3A_68 = arith.constant 1 : i32
      %add3A_69 = arith.addi %scan3A_50, %add3A_68 : i32
      %lt3A = arith.constant 79 : i32
      %lt3A_70 = arith.cmpi slt, %add3A_69, %lt3A : i32
      %convert_element_type3A_71 = arith.extui %lt3A_70 : i1 to i32
      %cond3A_72 = arith.constant 0 : i32
      %cond3A_73 = arith.cmpi ne, %convert_element_type3A_71, %cond3A_72 : i32
      scf.if %cond3A_73 {
        %add3A_227 = arith.constant 1 : i32
        %add3A_228 = arith.addi %scan3A_50, %add3A_227 : i32
        %sub3A_229 = arith.constant 1 : i32
        %sub3A_230 = arith.subi %sub3A_229, %rem3A_52 : i32
        %mul3A_231 = arith.constant 2048 : i32
        %mul3A_232 = arith.muli %add3A_228, %mul3A_231 : i32
        %mul3A_233 = arith.constant 2048 : i32
        %mul3A_234 = arith.muli %sub3A_230, %mul3A_233 : i32
        %dma_start3A_235 = tpu.memref_slice %arg9[%mul3A_234] : memref<4096xi32, #tpu.memory_space<vmem>> -> memref<2048xi32, #tpu.memory_space<vmem>>
        %dma_start3A_236 = tpu.memref_slice %arg4[%mul3A_232] : memref<161792xi32, #tpu.memory_space<hbm>> -> memref<2048xi32, #tpu.memory_space<hbm>>
        %dma_start3A_237 = tpu.memref_slice %arg9[%mul3A_234] : memref<4096xi32, #tpu.memory_space<vmem>> -> memref<2048xi32, #tpu.memory_space<vmem>>
        %dma_start3A_238 = tpu.memref_slice %arg4[%mul3A_232] : memref<161792xi32, #tpu.memory_space<hbm>> -> memref<2048xi32, #tpu.memory_space<hbm>>
        tpu.enqueue_dma source(%dma_start3A_238 : memref<2048xi32, #tpu.memory_space<hbm>>) target(%dma_start3A_237 : memref<2048xi32, #tpu.memory_space<vmem>>) target_semaphore(%arg21 : memref<!tpu.dma_semaphore, #tpu.memory_space<semaphore_mem>>)
        %dma_start3A_239 = tpu.memref_slice %arg10[%mul3A_234] : memref<4096xi32, #tpu.memory_space<vmem>> -> memref<2048xi32, #tpu.memory_space<vmem>>
        %dma_start3A_240 = tpu.memref_slice %arg3[%mul3A_232] : memref<161792xi32, #tpu.memory_space<hbm>> -> memref<2048xi32, #tpu.memory_space<hbm>>
        %dma_start3A_241 = tpu.memref_slice %arg10[%mul3A_234] : memref<4096xi32, #tpu.memory_space<vmem>> -> memref<2048xi32, #tpu.memory_space<vmem>>
        %dma_start3A_242 = tpu.memref_slice %arg3[%mul3A_232] : memref<161792xi32, #tpu.memory_space<hbm>> -> memref<2048xi32, #tpu.memory_space<hbm>>
        tpu.enqueue_dma source(%dma_start3A_242 : memref<2048xi32, #tpu.memory_space<hbm>>) target(%dma_start3A_241 : memref<2048xi32, #tpu.memory_space<vmem>>) target_semaphore(%arg21 : memref<!tpu.dma_semaphore, #tpu.memory_space<semaphore_mem>>)
        %dma_start3A_243 = tpu.memref_slice %arg11[%mul3A_234] : memref<4096xf32, #tpu.memory_space<vmem>> -> memref<2048xf32, #tpu.memory_space<vmem>>
        %dma_start3A_244 = tpu.memref_slice %arg5[%mul3A_232] : memref<161792xf32, #tpu.memory_space<hbm>> -> memref<2048xf32, #tpu.memory_space<hbm>>
        %dma_start3A_245 = tpu.memref_slice %arg11[%mul3A_234] : memref<4096xf32, #tpu.memory_space<vmem>> -> memref<2048xf32, #tpu.memory_space<vmem>>
        %dma_start3A_246 = tpu.memref_slice %arg5[%mul3A_232] : memref<161792xf32, #tpu.memory_space<hbm>> -> memref<2048xf32, #tpu.memory_space<hbm>>
        tpu.enqueue_dma source(%dma_start3A_246 : memref<2048xf32, #tpu.memory_space<hbm>>) target(%dma_start3A_245 : memref<2048xf32, #tpu.memory_space<vmem>>) target_semaphore(%arg21 : memref<!tpu.dma_semaphore, #tpu.memory_space<semaphore_mem>>)
      } else {
      }
      %iota3A_74 = tpu.iota {dimensions = array<i32: 0>} : vector<16xi32>
      %eq3A = arith.constant 0 : i32
      %eq3A_75 = vector.broadcast %eq3A : i32 to vector<16xi32>
      %eq3A_76 = arith.cmpi eq, %iota3A_74, %eq3A_75 : vector<16xi32>
      %parallel_loop3A = arith.constant 0 : i32
      %parallel_loop3A_77 = arith.constant 128 : i32
      %parallel_loop3A_78 = arith.constant 1 : i32
      scf.for %parallel_loop3A_227 = %parallel_loop3A to %parallel_loop3A_77 step %parallel_loop3A_78  : i32 {
        %parallel_loop3A_228 = arith.constant 2048 : i32
        %parallel_loop3A_229 = arith.muli %rem3A_52, %parallel_loop3A_228 : i32
        %parallel_loop3A_230 = arith.constant 16 : i32
        %parallel_loop3A_231 = arith.muli %parallel_loop3A_227, %parallel_loop3A_230 : i32
        %parallel_loop3A_232 = arith.addi %parallel_loop3A_229, %parallel_loop3A_231 : i32
        %parallel_loop3A_233 = arith.index_cast %parallel_loop3A_232 : i32 to index
        %parallel_loop3A_234 = tpu.vector_load %arg9[%parallel_loop3A_233] {strides = array<i32>} : memref<4096xi32, #tpu.memory_space<vmem>>, vector<16xi32>,
        %parallel_loop3A_235 = vector.broadcast %mul3A_2 : i32 to vector<16xi32>
        %parallel_loop3A_236 = arith.cmpi sge, %parallel_loop3A_234, %parallel_loop3A_235 : vector<16xi32>
        %parallel_loop3A_237 = arith.constant 320 : i32
        %parallel_loop3A_238 = arith.addi %mul3A_2, %parallel_loop3A_237 : i32
        %parallel_loop3A_239 = vector.broadcast %parallel_loop3A_238 : i32 to vector<16xi32>
        %parallel_loop3A_240 = arith.cmpi slt, %parallel_loop3A_234, %parallel_loop3A_239 : vector<16xi32>
        %parallel_loop3A_241 = arith.andi %parallel_loop3A_236, %parallel_loop3A_240 : vector<16xi1>
        %parallel_loop3A_242 = tpu.all_reduce %parallel_loop3A_241 {dim = 0 : i64, kind = #tpu.reduction_kind<sum>} : vector<16xi1> -> vector<16xi32>
        %parallel_loop3A_243 = arith.constant 0 : i32
        %parallel_loop3A_244 = vector.broadcast %parallel_loop3A_243 : i32 to vector<16xi32>
        %parallel_loop3A_245 = arith.muli %iota3A_74, %parallel_loop3A_244 : vector<16xi32>
        %parallel_loop3A_246 = vector.broadcast %parallel_loop3A_227 : i32 to vector<16xi32>
        %parallel_loop3A_247 = arith.addi %parallel_loop3A_245, %parallel_loop3A_246 : vector<16xi32>
        tpu.vector_store_idx %arg17[%parallel_loop3A_247], %parallel_loop3A_242 masked %eq3A_76 : memref<144xi32, #tpu.memory_space<vmem>>[vector<16xi32>], vector<16xi32>, vector<16xi1>
      } {sc.loop_unroll_factor = 8 : i64, sc.parallel_access}
      %broadcast_in_dim3A_79 = arith.constant 0 : i32
      %broadcast_in_dim3A_80 = vector.broadcast %broadcast_in_dim3A_79 : i32 to vector<16xi32>
      %scan3A_81 = arith.constant 0 : i32
      %scan3A_82 = arith.constant 8 : i32
      %scan3A_83 = arith.addi %scan3A_81, %scan3A_82 : i32
      %scan3A_84 = arith.constant 1 : i32
      %scan3A_85:2 = scf.for %scan3A_227 = %scan3A_81 to %scan3A_83 step %scan3A_84 iter_args(%scan3A_228 = %scan3A_51, %scan3A_229 = %broadcast_in_dim3A_80) -> (vector<16xi32>, vector<16xi32>)  : i32 {
        %mul3A_230 = arith.constant 16 : i32
        %mul3A_231 = arith.muli %scan3A_227, %mul3A_230 : i32
        %get3A = arith.index_cast %mul3A_231 : i32 to index
        %get3A_232 = tpu.vector_load %arg17[%get3A] {strides = array<i32>} : memref<144xi32, #tpu.memory_space<vmem>>, vector<16xi32>,
        %broadcast_in_dim3A_233 = arith.constant true
        %broadcast_in_dim3A_234 = vector.broadcast %broadcast_in_dim3A_233 : i1 to vector<16xi1>
        %masked_cumsum3A = tpu.scan <sum>, %get3A_232 masked %broadcast_in_dim3A_234 : vector<16xi32>, vector<16xi1> -> vector<16xi32>
        %add3A_235 = arith.addi %scan3A_228, %masked_cumsum3A : vector<16xi32>
        %sub3A_236 = arith.subi %add3A_235, %get3A_232 : vector<16xi32>
        %swap3A = arith.index_cast %mul3A_231 : i32 to index
        %swap3A_237 = tpu.vector_load %arg17[%swap3A] {strides = array<i32>} : memref<144xi32, #tpu.memory_space<vmem>>, vector<16xi32>,
        tpu.vector_store %arg17[%swap3A], %sub3A_236 {strides = array<i32>} : memref<144xi32, #tpu.memory_space<vmem>>, vector<16xi32>,
        %gt3A_238 = arith.constant 0 : i32
        %gt3A_239 = vector.broadcast %gt3A_238 : i32 to vector<16xi32>
        %gt3A_240 = arith.cmpi sgt, %get3A_232, %gt3A_239 : vector<16xi32>
        %jit3A_241 = arith.constant 1 : i32
        %jit3A_242 = arith.constant 0 : i32
        %broadcast_in_dim3A_243 = vector.broadcast %jit3A_241 : i32 to vector<16xi32>
        %broadcast_in_dim3A_244 = vector.broadcast %jit3A_242 : i32 to vector<16xi32>
        %select_n3A_245 = arith.select %gt3A_240, %broadcast_in_dim3A_243, %broadcast_in_dim3A_244 : vector<16xi1>, vector<16xi32>
        %broadcast_in_dim3A_246 = arith.constant true
        %broadcast_in_dim3A_247 = vector.broadcast %broadcast_in_dim3A_246 : i1 to vector<16xi1>
        %masked_cumsum3A_248 = tpu.scan <sum>, %select_n3A_245 masked %broadcast_in_dim3A_247 : vector<16xi32>, vector<16xi1> -> vector<16xi32>
        %add3A_249 = arith.addi %scan3A_229, %masked_cumsum3A_248 : vector<16xi32>
        %sub3A_250 = arith.constant 1 : i32
        %sub3A_251 = vector.broadcast %sub3A_250 : i32 to vector<16xi32>
        %sub3A_252 = arith.subi %add3A_249, %sub3A_251 : vector<16xi32>
        %mul3A_253 = arith.constant 16 : i32
        %mul3A_254 = arith.muli %scan3A_227, %mul3A_253 : i32
        %add3A_255 = vector.broadcast %mul3A_254 : i32 to vector<16xi32>
        %add3A_256 = arith.addi %add3A_255, %iota3A_74 : vector<16xi32>
        tpu.vector_store_idx %arg18[%sub3A_252], %add3A_256 masked %gt3A_240 : memref<144xi32, #tpu.memory_space<vmem>>[vector<16xi32>], vector<16xi32>, vector<16xi1>
        %lt3A_257 = arith.constant 0 : i32
        %lt3A_258 = vector.broadcast %lt3A_257 : i32 to vector<16xi32>
        %lt3A_259 = arith.cmpi slt, %broadcast_in_dim3A_37, %lt3A_258 : vector<16xi32>
        %add3A_260 = arith.constant 16 : i32
        %add3A_261 = vector.broadcast %add3A_260 : i32 to vector<16xi32>
        %add3A_262 = arith.addi %broadcast_in_dim3A_37, %add3A_261 : vector<16xi32>
        %select_n3A_263 = arith.select %lt3A_259, %add3A_262, %broadcast_in_dim3A_37 : vector<16xi1>, vector<16xi32>
        %broadcast_in_dim3A_264 = vector.shape_cast %select_n3A_263 : vector<16xi32> to vector<16x1xi32>
        %gather3A = vector.shape_cast %broadcast_in_dim3A_264 : vector<16x1xi32> to vector<16xi32>
        %gather3A_265 = tpu.dynamic_gather %masked_cumsum3A[%gather3A] in [0] : vector<16xi32>, vector<16xi32> -> vector<16xi32>
        %add3A_266 = arith.addi %scan3A_228, %gather3A_265 : vector<16xi32>
        %lt3A_267 = arith.constant 0 : i32
        %lt3A_268 = vector.broadcast %lt3A_267 : i32 to vector<16xi32>
        %lt3A_269 = arith.cmpi slt, %broadcast_in_dim3A_37, %lt3A_268 : vector<16xi32>
        %add3A_270 = arith.constant 16 : i32
        %add3A_271 = vector.broadcast %add3A_270 : i32 to vector<16xi32>
        %add3A_272 = arith.addi %broadcast_in_dim3A_37, %add3A_271 : vector<16xi32>
        %select_n3A_273 = arith.select %lt3A_269, %add3A_272, %broadcast_in_dim3A_37 : vector<16xi1>, vector<16xi32>
        %broadcast_in_dim3A_274 = vector.shape_cast %select_n3A_273 : vector<16xi32> to vector<16x1xi32>
        %gather3A_275 = vector.shape_cast %broadcast_in_dim3A_274 : vector<16x1xi32> to vector<16xi32>
        %gather3A_276 = tpu.dynamic_gather %masked_cumsum3A_248[%gather3A_275] in [0] : vector<16xi32>, vector<16xi32> -> vector<16xi32>
        %add3A_277 = arith.addi %scan3A_229, %gather3A_276 : vector<16xi32>
        scf.yield %add3A_266, %add3A_277 : vector<16xi32>, vector<16xi32>
      }
      %scan3A_86 = arith.constant 8 : i32
      %slice3A_87 = vector.extract_strided_slice %scan3A_85#1 {offsets = [0], sizes = [1], strides = [1]} : vector<16xi32> to vector<1xi32>
      %squeeze3A_88 = vector.extract %slice3A_87[0] : i32 from vector<1xi32>
      %add3A_89 = arith.constant 3 : i32
      %add3A_90 = arith.addi %squeeze3A_88, %add3A_89 : i32
      %jit3A = arith.constant 4 : i32
      %div3A = arith.divsi %add3A_90, %jit3A : i32
      %sign3A = arith.constant 0 : i32
      %sign3A_91 = arith.cmpi sgt, %add3A_90, %sign3A : i32
      %sign3A_92 = arith.extui %sign3A_91 : i1 to i32
      %sign3A_93 = arith.constant 0 : i32
      %sign3A_94 = arith.cmpi slt, %add3A_90, %sign3A_93 : i32
      %sign3A_95 = arith.extui %sign3A_94 : i1 to i32
      %sign3A_96 = arith.subi %sign3A_92, %sign3A_95 : i32
      %sign3A_97 = arith.constant 0 : i32
      %sign3A_98 = arith.cmpi sgt, %jit3A, %sign3A_97 : i32
      %sign3A_99 = arith.extui %sign3A_98 : i1 to i32
      %sign3A_100 = arith.constant 0 : i32
      %sign3A_101 = arith.cmpi slt, %jit3A, %sign3A_100 : i32
      %sign3A_102 = arith.extui %sign3A_101 : i1 to i32
      %sign3A_103 = arith.subi %sign3A_99, %sign3A_102 : i32
      %ne3A = arith.cmpi ne, %sign3A_96, %sign3A_103 : i32
      %rem3A_104 = arith.remsi %add3A_90, %jit3A : i32
      %ne3A_105 = arith.constant 0 : i32
      %ne3A_106 = arith.cmpi ne, %rem3A_104, %ne3A_105 : i32
      %and3A = arith.andi %ne3A, %ne3A_106 : i1
      %sub3A = arith.constant 1 : i32
      %sub3A_107 = arith.subi %div3A, %sub3A : i32
      %select_n3A = arith.select %and3A, %sub3A_107, %div3A : i32
      %mul3A_108 = arith.constant 4 : i32
      %mul3A_109 = arith.muli %select_n3A, %mul3A_108 : i32
      %jit3A_110 = arith.constant 4 : i32
      %eq3A_111 = arith.constant 0 : i32
      %eq3A_112 = arith.cmpi eq, %jit3A_110, %eq3A_111 : i32
      %jit3A_113 = arith.constant 1 : i32
      %select_n3A_114 = arith.select %eq3A_112, %jit3A_113, %jit3A_110 : i32
      %rem3A_115 = arith.remsi %squeeze3A_88, %select_n3A_114 : i32
      %ne3A_116 = arith.constant 0 : i32
      %ne3A_117 = arith.cmpi ne, %rem3A_115, %ne3A_116 : i32
      %lt3A_118 = arith.constant 0 : i32
      %lt3A_119 = arith.cmpi slt, %rem3A_115, %lt3A_118 : i32
      %lt3A_120 = arith.constant 0 : i32
      %lt3A_121 = arith.cmpi slt, %select_n3A_114, %lt3A_120 : i32
      %ne3A_122 = arith.xori %lt3A_119, %lt3A_121 : i1
      %and3A_123 = arith.andi %ne3A_122, %ne3A_117 : i1
      %add3A_124 = arith.addi %rem3A_115, %select_n3A_114 : i32
      %select_n3A_125 = arith.select %and3A_123, %add3A_124, %rem3A_115 : i32
      %ne3A_126 = arith.constant 0 : i32
      %ne3A_127 = arith.cmpi ne, %select_n3A_125, %ne3A_126 : i32
      %convert_element_type3A_128 = arith.extui %ne3A_127 : i1 to i32
      %cond3A_129 = arith.constant 0 : i32
      %cond3A_130 = arith.cmpi ne, %convert_element_type3A_128, %cond3A_129 : i32
      scf.if %cond3A_130 {
        %broadcast_in_dim3A_227 = arith.constant 0 : i32
        %broadcast_in_dim3A_228 = vector.broadcast %broadcast_in_dim3A_227 : i32 to vector<16xi32>
        %swap3A = arith.index_cast %squeeze3A_88 : i32 to index
        %swap3A_229 = tpu.vector_load %arg18[%swap3A] {strides = array<i32>} : memref<144xi32, #tpu.memory_space<vmem>>, vector<16xi32>,
        tpu.vector_store %arg18[%swap3A], %broadcast_in_dim3A_228 {strides = array<i32>} : memref<144xi32, #tpu.memory_space<vmem>>, vector<16xi32>,
      } else {
      }
      %parallel_loop3A_131 = arith.constant 0 : i32
      %parallel_loop3A_132 = arith.constant 1 : i32
      scf.for %parallel_loop3A_227 = %parallel_loop3A_131 to %mul3A_109 step %parallel_loop3A_132  : i32 {
        %parallel_loop3A_228 = arith.index_cast %parallel_loop3A_227 : i32 to index
        %parallel_loop3A_229 = tpu.vector_load %arg18[%parallel_loop3A_228] {strides = array<i32>} : memref<144xi32, #tpu.memory_space<vmem>>, vector<16xi32>,
        %parallel_loop3A_230 = vector.extract_strided_slice %parallel_loop3A_229 {offsets = [0], sizes = [1], strides = [1]} : vector<16xi32> to vector<1xi32>
        %parallel_loop3A_231 = vector.extract %parallel_loop3A_230[0] : i32 from vector<1xi32>
        %parallel_loop3A_232 = arith.index_cast %parallel_loop3A_231 : i32 to index
        %parallel_loop3A_233 = tpu.vector_load %arg17[%parallel_loop3A_232] {strides = array<i32>} : memref<144xi32, #tpu.memory_space<vmem>>, vector<16xi32>,
        %parallel_loop3A_234 = arith.constant 0 : i32
        %parallel_loop3A_235 = vector.broadcast %parallel_loop3A_234 : i32 to vector<16xi32>
        %parallel_loop3A_236 = arith.muli %iota3A_74, %parallel_loop3A_235 : vector<16xi32>
        %parallel_loop3A_237 = arith.constant 0 : i32
        %parallel_loop3A_238 = vector.broadcast %parallel_loop3A_237 : i32 to vector<16xi32>
        %parallel_loop3A_239 = arith.cmpi slt, %parallel_loop3A_236, %parallel_loop3A_238 : vector<16xi32>
        %parallel_loop3A_240 = arith.constant 16 : i32
        %parallel_loop3A_241 = vector.broadcast %parallel_loop3A_240 : i32 to vector<16xi32>
        %parallel_loop3A_242 = arith.addi %parallel_loop3A_236, %parallel_loop3A_241 : vector<16xi32>
        %parallel_loop3A_243 = arith.select %parallel_loop3A_239, %parallel_loop3A_242, %parallel_loop3A_236 : vector<16xi1>, vector<16xi32>
        %parallel_loop3A_244 = vector.shape_cast %parallel_loop3A_243 : vector<16xi32> to vector<16x1xi32>
        %parallel_loop3A_245 = vector.shape_cast %parallel_loop3A_244 : vector<16x1xi32> to vector<16xi32>
        %parallel_loop3A_246 = tpu.dynamic_gather %parallel_loop3A_233[%parallel_loop3A_245] in [0] : vector<16xi32>, vector<16xi32> -> vector<16xi32>
        %parallel_loop3A_247 = arith.constant 2048 : i32
        %parallel_loop3A_248 = arith.muli %rem3A_52, %parallel_loop3A_247 : i32
        %parallel_loop3A_249 = arith.constant 16 : i32
        %parallel_loop3A_250 = arith.muli %parallel_loop3A_231, %parallel_loop3A_249 : i32
        %parallel_loop3A_251 = arith.addi %parallel_loop3A_248, %parallel_loop3A_250 : i32
        %parallel_loop3A_252 = arith.index_cast %parallel_loop3A_251 : i32 to index
        %parallel_loop3A_253 = tpu.vector_load %arg9[%parallel_loop3A_252] {strides = array<i32>} : memref<4096xi32, #tpu.memory_space<vmem>>, vector<16xi32>,
        %parallel_loop3A_254 = vector.broadcast %mul3A_2 : i32 to vector<16xi32>
        %parallel_loop3A_255 = arith.cmpi sge, %parallel_loop3A_253, %parallel_loop3A_254 : vector<16xi32>
        %parallel_loop3A_256 = arith.constant 320 : i32
        %parallel_loop3A_257 = arith.addi %mul3A_2, %parallel_loop3A_256 : i32
        %parallel_loop3A_258 = vector.broadcast %parallel_loop3A_257 : i32 to vector<16xi32>
        %parallel_loop3A_259 = arith.cmpi slt, %parallel_loop3A_253, %parallel_loop3A_258 : vector<16xi32>
        %parallel_loop3A_260 = arith.andi %parallel_loop3A_255, %parallel_loop3A_259 : vector<16xi1>
        %parallel_loop3A_261 = arith.constant 1 : i32
        %parallel_loop3A_262 = arith.constant 0 : i32
        %parallel_loop3A_263 = vector.broadcast %parallel_loop3A_261 : i32 to vector<16xi32>
        %parallel_loop3A_264 = vector.broadcast %parallel_loop3A_262 : i32 to vector<16xi32>
        %parallel_loop3A_265 = arith.select %parallel_loop3A_260, %parallel_loop3A_263, %parallel_loop3A_264 : vector<16xi1>, vector<16xi32>
        %parallel_loop3A_266 = arith.constant true
        %parallel_loop3A_267 = vector.broadcast %parallel_loop3A_266 : i1 to vector<16xi1>
        %parallel_loop3A_268 = tpu.scan <sum>, %parallel_loop3A_265 masked %parallel_loop3A_267 : vector<16xi32>, vector<16xi1> -> vector<16xi32>
        %parallel_loop3A_269 = arith.addi %parallel_loop3A_246, %parallel_loop3A_268 : vector<16xi32>
        %parallel_loop3A_270 = arith.constant 1 : i32
        %parallel_loop3A_271 = vector.broadcast %parallel_loop3A_270 : i32 to vector<16xi32>
        %parallel_loop3A_272 = arith.subi %parallel_loop3A_269, %parallel_loop3A_271 : vector<16xi32>
        %parallel_loop3A_273 = vector.broadcast %mul3A_2 : i32 to vector<16xi32>
        %parallel_loop3A_274 = arith.subi %parallel_loop3A_253, %parallel_loop3A_273 : vector<16xi32>
        tpu.vector_store_idx %arg12[%parallel_loop3A_272], %parallel_loop3A_274 masked %parallel_loop3A_260 : memref<16448xi32, #tpu.memory_space<vmem>>[vector<16xi32>], vector<16xi32>, vector<16xi1>
        %parallel_loop3A_275 = arith.index_cast %parallel_loop3A_251 : i32 to index
        %parallel_loop3A_276 = tpu.vector_load %arg10[%parallel_loop3A_275] {strides = array<i32>} : memref<4096xi32, #tpu.memory_space<vmem>>, vector<16xi32>,
        tpu.vector_store_idx %arg13[%parallel_loop3A_272], %parallel_loop3A_276 masked %parallel_loop3A_260 : memref<16448xi32, #tpu.memory_space<vmem>>[vector<16xi32>], vector<16xi32>, vector<16xi1>
        %parallel_loop3A_277 = arith.index_cast %parallel_loop3A_251 : i32 to index
        %parallel_loop3A_278 = tpu.vector_load %arg11[%parallel_loop3A_277] {strides = array<i32>} : memref<4096xf32, #tpu.memory_space<vmem>>, vector<16xf32>,
        tpu.vector_store_idx %arg14[%parallel_loop3A_272], %parallel_loop3A_278 masked %parallel_loop3A_260 : memref<16448xf32, #tpu.memory_space<vmem>>[vector<16xi32>], vector<16xf32>, vector<16xi1>
      } {sc.loop_unroll_factor = 4 : i64, sc.parallel_access}
      %slice3A_133 = vector.extract_strided_slice %scan3A_85#0 {offsets = [0], sizes = [1], strides = [1]} : vector<16xi32> to vector<1xi32>
      %squeeze3A_134 = vector.extract %slice3A_133[0] : i32 from vector<1xi32>
      %rem3A_135 = arith.constant 8 : i32
      %rem3A_136 = arith.remsi %scan3A_50, %rem3A_135 : i32
      %eq3A_137 = arith.constant 7 : i32
      %eq3A_138 = arith.cmpi eq, %rem3A_136, %eq3A_137 : i32
      %eq3A_139 = arith.constant 78 : i32
      %eq3A_140 = arith.cmpi eq, %scan3A_50, %eq3A_139 : i32
      %or3A = arith.ori %eq3A_138, %eq3A_140 : i1
      %jit3A_141 = arith.constant 32 : i32
      %div3A_142 = arith.divsi %squeeze3A_134, %jit3A_141 : i32
      %sign3A_143 = arith.constant 0 : i32
      %sign3A_144 = arith.cmpi sgt, %squeeze3A_134, %sign3A_143 : i32
      %sign3A_145 = arith.extui %sign3A_144 : i1 to i32
      %sign3A_146 = arith.constant 0 : i32
      %sign3A_147 = arith.cmpi slt, %squeeze3A_134, %sign3A_146 : i32
      %sign3A_148 = arith.extui %sign3A_147 : i1 to i32
      %sign3A_149 = arith.subi %sign3A_145, %sign3A_148 : i32
      %sign3A_150 = arith.constant 0 : i32
      %sign3A_151 = arith.cmpi sgt, %jit3A_141, %sign3A_150 : i32
      %sign3A_152 = arith.extui %sign3A_151 : i1 to i32
      %sign3A_153 = arith.constant 0 : i32
      %sign3A_154 = arith.cmpi slt, %jit3A_141, %sign3A_153 : i32
      %sign3A_155 = arith.extui %sign3A_154 : i1 to i32
      %sign3A_156 = arith.subi %sign3A_152, %sign3A_155 : i32
      %ne3A_157 = arith.cmpi ne, %sign3A_149, %sign3A_156 : i32
      %rem3A_158 = arith.remsi %squeeze3A_134, %jit3A_141 : i32
      %ne3A_159 = arith.constant 0 : i32
      %ne3A_160 = arith.cmpi ne, %rem3A_158, %ne3A_159 : i32
      %and3A_161 = arith.andi %ne3A_157, %ne3A_160 : i1
      %sub3A_162 = arith.constant 1 : i32
      %sub3A_163 = arith.subi %div3A_142, %sub3A_162 : i32
      %select_n3A_164 = arith.select %and3A_161, %sub3A_163, %div3A_142 : i32
      %jit3A_165 = arith.constant 0 : i32
      %select_n3A_166 = arith.select %or3A, %select_n3A_164, %jit3A_165 : i32
      %gt3A_167 = arith.constant 0 : i32
      %gt3A_168 = arith.cmpi sgt, %select_n3A_166, %gt3A_167 : i32
      %convert_element_type3A_169 = arith.extui %gt3A_168 : i1 to i32
      %cond3A_170 = arith.constant 0 : i32
      %cond3A_171 = arith.cmpi ne, %convert_element_type3A_169, %cond3A_170 : i32
      scf.if %cond3A_171 {
        %dma_start3A_227 = arith.constant 0 : i32
        %dma_start3A_228 = arith.constant 0 : i32
        %dma_start3A_229 = arith.constant 0 : i32
        %dma_start3A_230 = tpu.memref_slice %arg15[%dma_start3A_227, %dma_start3A_228, %dma_start3A_229] : memref<2x32x128xi32, #tpu.memory_space<vmem>> -> memref<1x32x128xi32, #tpu.memory_space<vmem>>
        %dma_start3A_231 = tpu.memref_squeeze %dma_start3A_230 : memref<1x32x128xi32, #tpu.memory_space<vmem>> -> memref<32x128xi32, #tpu.memory_space<vmem>>
        %dma_start3A_232 = arith.constant 0 : i32
        %dma_start3A_233 = tpu.memref_slice %arg13[%dma_start3A_232] : memref<16448xi32, #tpu.memory_space<vmem>> -> memref<32xi32, #tpu.memory_space<vmem>>
        %dma_start3A_234 = arith.constant 0 : i32
        %dma_start3A_235 = arith.constant 0 : i32
        %dma_start3A_236 = tpu.memref_slice %arg2[%dma_start3A_234, %dma_start3A_235] : memref<10000x128xi32, #tpu.memory_space<hbm>> -> memref<10000x128xi32, #tpu.memory_space<hbm>>
        tpu.enqueue_indirect_dma source(%dma_start3A_236 : memref<10000x128xi32, #tpu.memory_space<hbm>>) target(%dma_start3A_231 : memref<32x128xi32, #tpu.memory_space<vmem>>) offsets(%dma_start3A_233 : memref<32xi32, #tpu.memory_space<vmem>>) semaphore(%arg19 : memref<!tpu.dma_semaphore, #tpu.memory_space<semaphore_mem>>)
      } else {
      }
      %gt3A_172 = arith.constant 1 : i32
      %gt3A_173 = arith.cmpi sgt, %select_n3A_166, %gt3A_172 : i32
      %convert_element_type3A_174 = arith.extui %gt3A_173 : i1 to i32
      %cond3A_175 = arith.constant 0 : i32
      %cond3A_176 = arith.cmpi ne, %convert_element_type3A_174, %cond3A_175 : i32
      scf.if %cond3A_176 {
        %dma_start3A_227 = arith.constant 1 : i32
        %dma_start3A_228 = arith.constant 0 : i32
        %dma_start3A_229 = arith.constant 0 : i32
        %dma_start3A_230 = tpu.memref_slice %arg15[%dma_start3A_227, %dma_start3A_228, %dma_start3A_229] : memref<2x32x128xi32, #tpu.memory_space<vmem>> -> memref<1x32x128xi32, #tpu.memory_space<vmem>>
        %dma_start3A_231 = tpu.memref_squeeze %dma_start3A_230 : memref<1x32x128xi32, #tpu.memory_space<vmem>> -> memref<32x128xi32, #tpu.memory_space<vmem>>
        %dma_start3A_232 = arith.constant 32 : i32
        %dma_start3A_233 = tpu.memref_slice %arg13[%dma_start3A_232] : memref<16448xi32, #tpu.memory_space<vmem>> -> memref<32xi32, #tpu.memory_space<vmem>>
        %dma_start3A_234 = arith.constant 0 : i32
        %dma_start3A_235 = arith.constant 0 : i32
        %dma_start3A_236 = tpu.memref_slice %arg2[%dma_start3A_234, %dma_start3A_235] : memref<10000x128xi32, #tpu.memory_space<hbm>> -> memref<10000x128xi32, #tpu.memory_space<hbm>>
        tpu.enqueue_indirect_dma source(%dma_start3A_236 : memref<10000x128xi32, #tpu.memory_space<hbm>>) target(%dma_start3A_231 : memref<32x128xi32, #tpu.memory_space<vmem>>) offsets(%dma_start3A_233 : memref<32xi32, #tpu.memory_space<vmem>>) semaphore(%arg20 : memref<!tpu.dma_semaphore, #tpu.memory_space<semaphore_mem>>)
      } else {
      }
      %jit3A_177 = arith.constant 2 : i32
      %div3A_178 = arith.divsi %select_n3A_166, %jit3A_177 : i32
      %sign3A_179 = arith.constant 0 : i32
      %sign3A_180 = arith.cmpi sgt, %select_n3A_166, %sign3A_179 : i32
      %sign3A_181 = arith.extui %sign3A_180 : i1 to i32
      %sign3A_182 = arith.constant 0 : i32
      %sign3A_183 = arith.cmpi slt, %select_n3A_166, %sign3A_182 : i32
      %sign3A_184 = arith.extui %sign3A_183 : i1 to i32
      %sign3A_185 = arith.subi %sign3A_181, %sign3A_184 : i32
      %sign3A_186 = arith.constant 0 : i32
      %sign3A_187 = arith.cmpi sgt, %jit3A_177, %sign3A_186 : i32
      %sign3A_188 = arith.extui %sign3A_187 : i1 to i32
      %sign3A_189 = arith.constant 0 : i32
      %sign3A_190 = arith.cmpi slt, %jit3A_177, %sign3A_189 : i32
      %sign3A_191 = arith.extui %sign3A_190 : i1 to i32
      %sign3A_192 = arith.subi %sign3A_188, %sign3A_191 : i32
      %ne3A_193 = arith.cmpi ne, %sign3A_185, %sign3A_192 : i32
      %rem3A_194 = arith.remsi %select_n3A_166, %jit3A_177 : i32
      %ne3A_195 = arith.constant 0 : i32
      %ne3A_196 = arith.cmpi ne, %rem3A_194, %ne3A_195 : i32
      %and3A_197 = arith.andi %ne3A_193, %ne3A_196 : i1
      %sub3A_198 = arith.constant 1 : i32
      %sub3A_199 = arith.subi %div3A_178, %sub3A_198 : i32
      %select_n3A_200 = arith.select %and3A_197, %sub3A_199, %div3A_178 : i32
      %while3A = arith.constant 0 : i32
      %while3A_201 = arith.constant 0 : i32
      %while3A_202 = arith.subi %select_n3A_200, %while3A : i32
      %while3A_203 = arith.addi %while3A, %while3A_202 : i32
      %while3A_204 = arith.constant 1 : i32
      %while3A_205 = arith.divsi %while3A_202, %while3A_204 : i32
      %while3A_206 = arith.muli %while3A_205, %while3A_204 : i32
      %while3A_207 = arith.addi %while3A, %while3A_206 : i32
      %while3A_208 = arith.constant 1 : i32
      %while3A_209 = scf.for %while3A_227 = %while3A to %while3A_207 step %while3A_208 iter_args(%while3A_228 = %while3A_201) -> (i32)  : i32 {
        %mul3A_229 = arith.constant 2 : i32
        %mul3A_230 = arith.muli %while3A_227, %mul3A_229 : i32
        %mul3A_231 = arith.constant 32 : i32
        %mul3A_232 = arith.muli %mul3A_230, %mul3A_231 : i32
        %dma_wait3A_233 = arith.constant 0 : i32
        %dma_wait3A_234 = arith.constant 0 : i32
        %dma_wait3A_235 = arith.constant 0 : i32
        %dma_wait3A_236 = tpu.memref_slice %arg15[%dma_wait3A_233, %dma_wait3A_234, %dma_wait3A_235] : memref<2x32x128xi32, #tpu.memory_space<vmem>> -> memref<1x32x128xi32, #tpu.memory_space<vmem>>
        %dma_wait3A_237 = tpu.memref_squeeze %dma_wait3A_236 : memref<1x32x128xi32, #tpu.memory_space<vmem>> -> memref<32x128xi32, #tpu.memory_space<vmem>>
        %dma_wait3A_238 = tpu.memref_slice %arg13[%mul3A_232] : memref<16448xi32, #tpu.memory_space<vmem>> -> memref<32xi32, #tpu.memory_space<vmem>>
        %dma_wait3A_239 = arith.constant 0 : i32
        %dma_wait3A_240 = arith.constant 0 : i32
        %dma_wait3A_241 = tpu.memref_slice %arg2[%dma_wait3A_239, %dma_wait3A_240] : memref<10000x128xi32, #tpu.memory_space<hbm>> -> memref<10000x128xi32, #tpu.memory_space<hbm>>
        tpu.wait_indirect_dma semaphore(%arg19 : memref<!tpu.dma_semaphore, #tpu.memory_space<semaphore_mem>>) src(%dma_wait3A_241 : memref<10000x128xi32, #tpu.memory_space<hbm>>) dst(%dma_wait3A_237 : memref<32x128xi32, #tpu.memory_space<vmem>>)
        %mul3A_242 = arith.constant 32 : i32
        %mul3A_243 = arith.muli %mul3A_230, %mul3A_242 : i32
        %scan3A_244 = arith.constant 0 : i32
        %scan3A_245 = arith.constant 0 : i32
        %scan3A_246 = arith.constant 32 : i32
        %scan3A_247 = arith.addi %scan3A_245, %scan3A_246 : i32
        %scan3A_248 = arith.constant 1 : i32
        %scan3A_249 = scf.for %scan3A_286 = %scan3A_245 to %scan3A_247 step %scan3A_248 iter_args(%scan3A_287 = %scan3A_244) -> (i32)  : i32 {
          %add3A_288 = arith.addi %mul3A_243, %scan3A_286 : i32
          %get3A = arith.index_cast %add3A_288 : i32 to index
          %get3A_289 = tpu.vector_load %arg12[%get3A] {strides = array<i32>} : memref<16448xi32, #tpu.memory_space<vmem>>, vector<16xi32>,
          %slice3A_290 = vector.extract_strided_slice %get3A_289 {offsets = [0], sizes = [1], strides = [1]} : vector<16xi32> to vector<1xi32>
          %squeeze3A_291 = vector.extract %slice3A_290[0] : i32 from vector<1xi32>
          %add3A_292 = arith.addi %mul3A_243, %scan3A_286 : i32
          %get3A_293 = arith.index_cast %add3A_292 : i32 to index
          %get3A_294 = tpu.vector_load %arg14[%get3A_293] {strides = array<i32>} : memref<16448xf32, #tpu.memory_space<vmem>>, vector<16xf32>,
          %lt3A_295 = arith.constant 0 : i32
          %lt3A_296 = vector.broadcast %lt3A_295 : i32 to vector<16xi32>
          %lt3A_297 = arith.cmpi slt, %mul3A_12, %lt3A_296 : vector<16xi32>
          %add3A_298 = arith.constant 16 : i32
          %add3A_299 = vector.broadcast %add3A_298 : i32 to vector<16xi32>
          %add3A_300 = arith.addi %mul3A_12, %add3A_299 : vector<16xi32>
          %select_n3A_301 = arith.select %lt3A_297, %add3A_300, %mul3A_12 : vector<16xi1>, vector<16xi32>
          %broadcast_in_dim3A_302 = vector.shape_cast %select_n3A_301 : vector<16xi32> to vector<16x1xi32>
          %gather3A = vector.shape_cast %broadcast_in_dim3A_302 : vector<16x1xi32> to vector<16xi32>
          %gather3A_303 = tpu.dynamic_gather %get3A_294[%gather3A] in [0] : vector<16xf32>, vector<16xi32> -> vector<16xf32>
          %pack3A = tpu.pack_subelements %gather3A_303, %gather3A_303 {pack_format = #tpu.pack_format<interleaved>, positions = array<i32: 0, 1>} : vector<16xf32>, vector<16xf32> -> vector<32xbf16>
          %mul3A_304 = arith.constant 128 : i32
          %mul3A_305 = arith.muli %squeeze3A_291, %mul3A_304 : i32
          %parallel_loop3A_306 = arith.constant 0 : i32
          %parallel_loop3A_307 = arith.constant 8 : i32
          %parallel_loop3A_308 = arith.constant 1 : i32
          scf.for %parallel_loop3A_310 = %parallel_loop3A_306 to %parallel_loop3A_307 step %parallel_loop3A_308  : i32 {
            %parallel_loop3A_311 = arith.constant 16 : i32
            %parallel_loop3A_312 = arith.muli %parallel_loop3A_310, %parallel_loop3A_311 : i32
            %parallel_loop3A_313 = arith.addi %mul3A_305, %parallel_loop3A_312 : i32
            %parallel_loop3A_314 = arith.constant 16 : i32
            %parallel_loop3A_315 = arith.muli %parallel_loop3A_310, %parallel_loop3A_314 : i32
            %parallel_loop3A_316 = arith.constant 0 : i32
            %parallel_loop3A_317 = arith.index_cast %parallel_loop3A_316 : i32 to index
            %parallel_loop3A_318 = arith.index_cast %scan3A_286 : i32 to index
            %parallel_loop3A_319 = arith.index_cast %parallel_loop3A_315 : i32 to index
            %parallel_loop3A_320 = tpu.vector_load %arg15[%parallel_loop3A_317, %parallel_loop3A_318, %parallel_loop3A_319] {strides = array<i32>} : memref<2x32x128xi32, #tpu.memory_space<vmem>>, vector<16xi32>,
            %parallel_loop3A_321 = vector.bitcast %parallel_loop3A_320 : vector<16xi32> to vector<32xbf16>
            %parallel_loop3A_322 = arith.constant 16 : i32
            %parallel_loop3A_323 = arith.muli %parallel_loop3A_310, %parallel_loop3A_322 : i32
            %parallel_loop3A_324 = arith.index_cast %parallel_loop3A_323 : i32 to index
            %parallel_loop3A_325 = tpu.vector_load %arg16[%parallel_loop3A_324] {strides = array<i32>} : memref<128xi32, #tpu.memory_space<vmem>>, vector<16xi32>,
            %parallel_loop3A_326 = vector.bitcast %parallel_loop3A_325 : vector<16xi32> to vector<32xbf16>
            %parallel_loop3A_327 = arith.index_cast %parallel_loop3A_313 : i32 to index
            %parallel_loop3A_328 = tpu.vector_load %arg8[%parallel_loop3A_327] {strides = array<i32>} : memref<41088xi32, #tpu.memory_space<vmem>>, vector<16xi32>,
            %parallel_loop3A_329 = vector.bitcast %parallel_loop3A_328 : vector<16xi32> to vector<32xbf16>
            %parallel_loop3A_330 = arith.mulf %pack3A, %parallel_loop3A_326 : vector<32xbf16>
            %parallel_loop3A_331 = arith.addf %parallel_loop3A_321, %parallel_loop3A_330 : vector<32xbf16>
            %parallel_loop3A_332 = arith.minimumf %parallel_loop3A_329, %parallel_loop3A_331 : vector<32xbf16>
            %parallel_loop3A_333 = vector.bitcast %parallel_loop3A_332 : vector<32xbf16> to vector<16xi32>
            %parallel_loop3A_334 = arith.index_cast %parallel_loop3A_313 : i32 to index
            %parallel_loop3A_335 = tpu.vector_load %arg8[%parallel_loop3A_334] {strides = array<i32>} : memref<41088xi32, #tpu.memory_space<vmem>>, vector<16xi32>,
            tpu.vector_store %arg8[%parallel_loop3A_334], %parallel_loop3A_333 {strides = array<i32>} : memref<41088xi32, #tpu.memory_space<vmem>>, vector<16xi32>,
          } {sc.loop_unroll_factor = 8 : i64, sc.parallel_access}
          %scan3A_309 = arith.constant 0 : i32
          scf.yield %scan3A_309 : i32
        }
        %scan3A_250 = arith.constant 32 : i32
        %add3A_251 = arith.constant 2 : i32
        %add3A_252 = arith.addi %mul3A_230, %add3A_251 : i32
        %lt3A_253 = arith.cmpi slt, %add3A_252, %select_n3A_166 : i32
        %convert_element_type3A_254 = arith.extui %lt3A_253 : i1 to i32
        %cond3A_255 = arith.constant 0 : i32
        %cond3A_256 = arith.cmpi ne, %convert_element_type3A_254, %cond3A_255 : i32
        scf.if %cond3A_256 {
          %add3A_286 = arith.constant 2 : i32
          %add3A_287 = arith.addi %mul3A_230, %add3A_286 : i32
          %mul3A_288 = arith.constant 32 : i32
          %mul3A_289 = arith.muli %add3A_287, %mul3A_288 : i32
          %dma_start3A_290 = arith.constant 0 : i32
          %dma_start3A_291 = arith.constant 0 : i32
          %dma_start3A_292 = arith.constant 0 : i32
          %dma_start3A_293 = tpu.memref_slice %arg15[%dma_start3A_290, %dma_start3A_291, %dma_start3A_292] : memref<2x32x128xi32, #tpu.memory_space<vmem>> -> memref<1x32x128xi32, #tpu.memory_space<vmem>>
          %dma_start3A_294 = tpu.memref_squeeze %dma_start3A_293 : memref<1x32x128xi32, #tpu.memory_space<vmem>> -> memref<32x128xi32, #tpu.memory_space<vmem>>
          %dma_start3A_295 = tpu.memref_slice %arg13[%mul3A_289] : memref<16448xi32, #tpu.memory_space<vmem>> -> memref<32xi32, #tpu.memory_space<vmem>>
          %dma_start3A_296 = arith.constant 0 : i32
          %dma_start3A_297 = arith.constant 0 : i32
          %dma_start3A_298 = tpu.memref_slice %arg2[%dma_start3A_296, %dma_start3A_297] : memref<10000x128xi32, #tpu.memory_space<hbm>> -> memref<10000x128xi32, #tpu.memory_space<hbm>>
          tpu.enqueue_indirect_dma source(%dma_start3A_298 : memref<10000x128xi32, #tpu.memory_space<hbm>>) target(%dma_start3A_294 : memref<32x128xi32, #tpu.memory_space<vmem>>) offsets(%dma_start3A_295 : memref<32xi32, #tpu.memory_space<vmem>>) semaphore(%arg19 : memref<!tpu.dma_semaphore, #tpu.memory_space<semaphore_mem>>)
        } else {
        }
        %add3A_257 = arith.constant 1 : i32
        %add3A_258 = arith.addi %mul3A_230, %add3A_257 : i32
        %mul3A_259 = arith.constant 32 : i32
        %mul3A_260 = arith.muli %add3A_258, %mul3A_259 : i32
        %dma_wait3A_261 = arith.constant 1 : i32
        %dma_wait3A_262 = arith.constant 0 : i32
        %dma_wait3A_263 = arith.constant 0 : i32
        %dma_wait3A_264 = tpu.memref_slice %arg15[%dma_wait3A_261, %dma_wait3A_262, %dma_wait3A_263] : memref<2x32x128xi32, #tpu.memory_space<vmem>> -> memref<1x32x128xi32, #tpu.memory_space<vmem>>
        %dma_wait3A_265 = tpu.memref_squeeze %dma_wait3A_264 : memref<1x32x128xi32, #tpu.memory_space<vmem>> -> memref<32x128xi32, #tpu.memory_space<vmem>>
        %dma_wait3A_266 = tpu.memref_slice %arg13[%mul3A_260] : memref<16448xi32, #tpu.memory_space<vmem>> -> memref<32xi32, #tpu.memory_space<vmem>>
        %dma_wait3A_267 = arith.constant 0 : i32
        %dma_wait3A_268 = arith.constant 0 : i32
        %dma_wait3A_269 = tpu.memref_slice %arg2[%dma_wait3A_267, %dma_wait3A_268] : memref<10000x128xi32, #tpu.memory_space<hbm>> -> memref<10000x128xi32, #tpu.memory_space<hbm>>
        tpu.wait_indirect_dma semaphore(%arg20 : memref<!tpu.dma_semaphore, #tpu.memory_space<semaphore_mem>>) src(%dma_wait3A_269 : memref<10000x128xi32, #tpu.memory_space<hbm>>) dst(%dma_wait3A_265 : memref<32x128xi32, #tpu.memory_space<vmem>>)
        %mul3A_270 = arith.constant 32 : i32
        %mul3A_271 = arith.muli %add3A_258, %mul3A_270 : i32
        %scan3A_272 = arith.constant 0 : i32
        %scan3A_273 = arith.constant 0 : i32
        %scan3A_274 = arith.constant 32 : i32
        %scan3A_275 = arith.addi %scan3A_273, %scan3A_274 : i32
        %scan3A_276 = arith.constant 1 : i32
        %scan3A_277 = scf.for %scan3A_286 = %scan3A_273 to %scan3A_275 step %scan3A_276 iter_args(%scan3A_287 = %scan3A_272) -> (i32)  : i32 {
          %add3A_288 = arith.addi %mul3A_271, %scan3A_286 : i32
          %get3A = arith.index_cast %add3A_288 : i32 to index
          %get3A_289 = tpu.vector_load %arg12[%get3A] {strides = array<i32>} : memref<16448xi32, #tpu.memory_space<vmem>>, vector<16xi32>,
          %slice3A_290 = vector.extract_strided_slice %get3A_289 {offsets = [0], sizes = [1], strides = [1]} : vector<16xi32> to vector<1xi32>
          %squeeze3A_291 = vector.extract %slice3A_290[0] : i32 from vector<1xi32>
          %add3A_292 = arith.addi %mul3A_271, %scan3A_286 : i32
          %get3A_293 = arith.index_cast %add3A_292 : i32 to index
          %get3A_294 = tpu.vector_load %arg14[%get3A_293] {strides = array<i32>} : memref<16448xf32, #tpu.memory_space<vmem>>, vector<16xf32>,
          %lt3A_295 = arith.constant 0 : i32
          %lt3A_296 = vector.broadcast %lt3A_295 : i32 to vector<16xi32>
          %lt3A_297 = arith.cmpi slt, %mul3A_12, %lt3A_296 : vector<16xi32>
          %add3A_298 = arith.constant 16 : i32
          %add3A_299 = vector.broadcast %add3A_298 : i32 to vector<16xi32>
          %add3A_300 = arith.addi %mul3A_12, %add3A_299 : vector<16xi32>
          %select_n3A_301 = arith.select %lt3A_297, %add3A_300, %mul3A_12 : vector<16xi1>, vector<16xi32>
          %broadcast_in_dim3A_302 = vector.shape_cast %select_n3A_301 : vector<16xi32> to vector<16x1xi32>
          %gather3A = vector.shape_cast %broadcast_in_dim3A_302 : vector<16x1xi32> to vector<16xi32>
          %gather3A_303 = tpu.dynamic_gather %get3A_294[%gather3A] in [0] : vector<16xf32>, vector<16xi32> -> vector<16xf32>
          %pack3A = tpu.pack_subelements %gather3A_303, %gather3A_303 {pack_format = #tpu.pack_format<interleaved>, positions = array<i32: 0, 1>} : vector<16xf32>, vector<16xf32> -> vector<32xbf16>
          %mul3A_304 = arith.constant 128 : i32
          %mul3A_305 = arith.muli %squeeze3A_291, %mul3A_304 : i32
          %parallel_loop3A_306 = arith.constant 0 : i32
          %parallel_loop3A_307 = arith.constant 8 : i32
          %parallel_loop3A_308 = arith.constant 1 : i32
          scf.for %parallel_loop3A_310 = %parallel_loop3A_306 to %parallel_loop3A_307 step %parallel_loop3A_308  : i32 {
            %parallel_loop3A_311 = arith.constant 16 : i32
            %parallel_loop3A_312 = arith.muli %parallel_loop3A_310, %parallel_loop3A_311 : i32
            %parallel_loop3A_313 = arith.addi %mul3A_305, %parallel_loop3A_312 : i32
            %parallel_loop3A_314 = arith.constant 16 : i32
            %parallel_loop3A_315 = arith.muli %parallel_loop3A_310, %parallel_loop3A_314 : i32
            %parallel_loop3A_316 = arith.constant 1 : i32
            %parallel_loop3A_317 = arith.index_cast %parallel_loop3A_316 : i32 to index
            %parallel_loop3A_318 = arith.index_cast %scan3A_286 : i32 to index
            %parallel_loop3A_319 = arith.index_cast %parallel_loop3A_315 : i32 to index
            %parallel_loop3A_320 = tpu.vector_load %arg15[%parallel_loop3A_317, %parallel_loop3A_318, %parallel_loop3A_319] {strides = array<i32>} : memref<2x32x128xi32, #tpu.memory_space<vmem>>, vector<16xi32>,
            %parallel_loop3A_321 = vector.bitcast %parallel_loop3A_320 : vector<16xi32> to vector<32xbf16>
            %parallel_loop3A_322 = arith.constant 16 : i32
            %parallel_loop3A_323 = arith.muli %parallel_loop3A_310, %parallel_loop3A_322 : i32
            %parallel_loop3A_324 = arith.index_cast %parallel_loop3A_323 : i32 to index
            %parallel_loop3A_325 = tpu.vector_load %arg16[%parallel_loop3A_324] {strides = array<i32>} : memref<128xi32, #tpu.memory_space<vmem>>, vector<16xi32>,
            %parallel_loop3A_326 = vector.bitcast %parallel_loop3A_325 : vector<16xi32> to vector<32xbf16>
            %parallel_loop3A_327 = arith.index_cast %parallel_loop3A_313 : i32 to index
            %parallel_loop3A_328 = tpu.vector_load %arg8[%parallel_loop3A_327] {strides = array<i32>} : memref<41088xi32, #tpu.memory_space<vmem>>, vector<16xi32>,
            %parallel_loop3A_329 = vector.bitcast %parallel_loop3A_328 : vector<16xi32> to vector<32xbf16>
            %parallel_loop3A_330 = arith.mulf %pack3A, %parallel_loop3A_326 : vector<32xbf16>
            %parallel_loop3A_331 = arith.addf %parallel_loop3A_321, %parallel_loop3A_330 : vector<32xbf16>
            %parallel_loop3A_332 = arith.minimumf %parallel_loop3A_329, %parallel_loop3A_331 : vector<32xbf16>
            %parallel_loop3A_333 = vector.bitcast %parallel_loop3A_332 : vector<32xbf16> to vector<16xi32>
            %parallel_loop3A_334 = arith.index_cast %parallel_loop3A_313 : i32 to index
            %parallel_loop3A_335 = tpu.vector_load %arg8[%parallel_loop3A_334] {strides = array<i32>} : memref<41088xi32, #tpu.memory_space<vmem>>, vector<16xi32>,
            tpu.vector_store %arg8[%parallel_loop3A_334], %parallel_loop3A_333 {strides = array<i32>} : memref<41088xi32, #tpu.memory_space<vmem>>, vector<16xi32>,
          } {sc.loop_unroll_factor = 8 : i64, sc.parallel_access}
          %scan3A_309 = arith.constant 0 : i32
          scf.yield %scan3A_309 : i32
        }
        %scan3A_278 = arith.constant 32 : i32
        %add3A_279 = arith.constant 2 : i32
        %add3A_280 = arith.addi %add3A_258, %add3A_279 : i32
        %lt3A_281 = arith.cmpi slt, %add3A_280, %select_n3A_166 : i32
        %convert_element_type3A_282 = arith.extui %lt3A_281 : i1 to i32
        %cond3A_283 = arith.constant 0 : i32
        %cond3A_284 = arith.cmpi ne, %convert_element_type3A_282, %cond3A_283 : i32
        scf.if %cond3A_284 {
          %add3A_286 = arith.constant 2 : i32
          %add3A_287 = arith.addi %add3A_258, %add3A_286 : i32
          %mul3A_288 = arith.constant 32 : i32
          %mul3A_289 = arith.muli %add3A_287, %mul3A_288 : i32
          %dma_start3A_290 = arith.constant 1 : i32
          %dma_start3A_291 = arith.constant 0 : i32
          %dma_start3A_292 = arith.constant 0 : i32
          %dma_start3A_293 = tpu.memref_slice %arg15[%dma_start3A_290, %dma_start3A_291, %dma_start3A_292] : memref<2x32x128xi32, #tpu.memory_space<vmem>> -> memref<1x32x128xi32, #tpu.memory_space<vmem>>
          %dma_start3A_294 = tpu.memref_squeeze %dma_start3A_293 : memref<1x32x128xi32, #tpu.memory_space<vmem>> -> memref<32x128xi32, #tpu.memory_space<vmem>>
          %dma_start3A_295 = tpu.memref_slice %arg13[%mul3A_289] : memref<16448xi32, #tpu.memory_space<vmem>> -> memref<32xi32, #tpu.memory_space<vmem>>
          %dma_start3A_296 = arith.constant 0 : i32
          %dma_start3A_297 = arith.constant 0 : i32
          %dma_start3A_298 = tpu.memref_slice %arg2[%dma_start3A_296, %dma_start3A_297] : memref<10000x128xi32, #tpu.memory_space<hbm>> -> memref<10000x128xi32, #tpu.memory_space<hbm>>
          tpu.enqueue_indirect_dma source(%dma_start3A_298 : memref<10000x128xi32, #tpu.memory_space<hbm>>) target(%dma_start3A_294 : memref<32x128xi32, #tpu.memory_space<vmem>>) offsets(%dma_start3A_295 : memref<32xi32, #tpu.memory_space<vmem>>) semaphore(%arg20 : memref<!tpu.dma_semaphore, #tpu.memory_space<semaphore_mem>>)
        } else {
        }
        %while3A_285 = arith.constant 0 : i32
        scf.yield %while3A_285 : i32
      }
      %while3A_210 = arith.constant 1 : i32
      %while3A_211 = scf.for %while3A_227 = %while3A_207 to %while3A_203 step %while3A_210 iter_args(%while3A_228 = %while3A_209) -> (i32)  : i32 {
        %mul3A_229 = arith.constant 2 : i32
        %mul3A_230 = arith.muli %while3A_227, %mul3A_229 : i32
        %mul3A_231 = arith.constant 32 : i32
        %mul3A_232 = arith.muli %mul3A_230, %mul3A_231 : i32
        %dma_wait3A_233 = arith.constant 0 : i32
        %dma_wait3A_234 = arith.constant 0 : i32
        %dma_wait3A_235 = arith.constant 0 : i32
        %dma_wait3A_236 = tpu.memref_slice %arg15[%dma_wait3A_233, %dma_wait3A_234, %dma_wait3A_235] : memref<2x32x128xi32, #tpu.memory_space<vmem>> -> memref<1x32x128xi32, #tpu.memory_space<vmem>>
        %dma_wait3A_237 = tpu.memref_squeeze %dma_wait3A_236 : memref<1x32x128xi32, #tpu.memory_space<vmem>> -> memref<32x128xi32, #tpu.memory_space<vmem>>
        %dma_wait3A_238 = tpu.memref_slice %arg13[%mul3A_232] : memref<16448xi32, #tpu.memory_space<vmem>> -> memref<32xi32, #tpu.memory_space<vmem>>
        %dma_wait3A_239 = arith.constant 0 : i32
        %dma_wait3A_240 = arith.constant 0 : i32
        %dma_wait3A_241 = tpu.memref_slice %arg2[%dma_wait3A_239, %dma_wait3A_240] : memref<10000x128xi32, #tpu.memory_space<hbm>> -> memref<10000x128xi32, #tpu.memory_space<hbm>>
        tpu.wait_indirect_dma semaphore(%arg19 : memref<!tpu.dma_semaphore, #tpu.memory_space<semaphore_mem>>) src(%dma_wait3A_241 : memref<10000x128xi32, #tpu.memory_space<hbm>>) dst(%dma_wait3A_237 : memref<32x128xi32, #tpu.memory_space<vmem>>)
        %mul3A_242 = arith.constant 32 : i32
        %mul3A_243 = arith.muli %mul3A_230, %mul3A_242 : i32
        %scan3A_244 = arith.constant 0 : i32
        %scan3A_245 = arith.constant 0 : i32
        %scan3A_246 = arith.constant 32 : i32
        %scan3A_247 = arith.addi %scan3A_245, %scan3A_246 : i32
        %scan3A_248 = arith.constant 1 : i32
        %scan3A_249 = scf.for %scan3A_286 = %scan3A_245 to %scan3A_247 step %scan3A_248 iter_args(%scan3A_287 = %scan3A_244) -> (i32)  : i32 {
          %add3A_288 = arith.addi %mul3A_243, %scan3A_286 : i32
          %get3A = arith.index_cast %add3A_288 : i32 to index
          %get3A_289 = tpu.vector_load %arg12[%get3A] {strides = array<i32>} : memref<16448xi32, #tpu.memory_space<vmem>>, vector<16xi32>,
          %slice3A_290 = vector.extract_strided_slice %get3A_289 {offsets = [0], sizes = [1], strides = [1]} : vector<16xi32> to vector<1xi32>
          %squeeze3A_291 = vector.extract %slice3A_290[0] : i32 from vector<1xi32>
          %add3A_292 = arith.addi %mul3A_243, %scan3A_286 : i32
          %get3A_293 = arith.index_cast %add3A_292 : i32 to index
          %get3A_294 = tpu.vector_load %arg14[%get3A_293] {strides = array<i32>} : memref<16448xf32, #tpu.memory_space<vmem>>, vector<16xf32>,
          %lt3A_295 = arith.constant 0 : i32
          %lt3A_296 = vector.broadcast %lt3A_295 : i32 to vector<16xi32>
          %lt3A_297 = arith.cmpi slt, %mul3A_12, %lt3A_296 : vector<16xi32>
          %add3A_298 = arith.constant 16 : i32
          %add3A_299 = vector.broadcast %add3A_298 : i32 to vector<16xi32>
          %add3A_300 = arith.addi %mul3A_12, %add3A_299 : vector<16xi32>
          %select_n3A_301 = arith.select %lt3A_297, %add3A_300, %mul3A_12 : vector<16xi1>, vector<16xi32>
          %broadcast_in_dim3A_302 = vector.shape_cast %select_n3A_301 : vector<16xi32> to vector<16x1xi32>
          %gather3A = vector.shape_cast %broadcast_in_dim3A_302 : vector<16x1xi32> to vector<16xi32>
          %gather3A_303 = tpu.dynamic_gather %get3A_294[%gather3A] in [0] : vector<16xf32>, vector<16xi32> -> vector<16xf32>
          %pack3A = tpu.pack_subelements %gather3A_303, %gather3A_303 {pack_format = #tpu.pack_format<interleaved>, positions = array<i32: 0, 1>} : vector<16xf32>, vector<16xf32> -> vector<32xbf16>
          %mul3A_304 = arith.constant 128 : i32
          %mul3A_305 = arith.muli %squeeze3A_291, %mul3A_304 : i32
          %parallel_loop3A_306 = arith.constant 0 : i32
          %parallel_loop3A_307 = arith.constant 8 : i32
          %parallel_loop3A_308 = arith.constant 1 : i32
          scf.for %parallel_loop3A_310 = %parallel_loop3A_306 to %parallel_loop3A_307 step %parallel_loop3A_308  : i32 {
            %parallel_loop3A_311 = arith.constant 16 : i32
            %parallel_loop3A_312 = arith.muli %parallel_loop3A_310, %parallel_loop3A_311 : i32
            %parallel_loop3A_313 = arith.addi %mul3A_305, %parallel_loop3A_312 : i32
            %parallel_loop3A_314 = arith.constant 16 : i32
            %parallel_loop3A_315 = arith.muli %parallel_loop3A_310, %parallel_loop3A_314 : i32
            %parallel_loop3A_316 = arith.constant 0 : i32
            %parallel_loop3A_317 = arith.index_cast %parallel_loop3A_316 : i32 to index
            %parallel_loop3A_318 = arith.index_cast %scan3A_286 : i32 to index
            %parallel_loop3A_319 = arith.index_cast %parallel_loop3A_315 : i32 to index
            %parallel_loop3A_320 = tpu.vector_load %arg15[%parallel_loop3A_317, %parallel_loop3A_318, %parallel_loop3A_319] {strides = array<i32>} : memref<2x32x128xi32, #tpu.memory_space<vmem>>, vector<16xi32>,
            %parallel_loop3A_321 = vector.bitcast %parallel_loop3A_320 : vector<16xi32> to vector<32xbf16>
            %parallel_loop3A_322 = arith.constant 16 : i32
            %parallel_loop3A_323 = arith.muli %parallel_loop3A_310, %parallel_loop3A_322 : i32
            %parallel_loop3A_324 = arith.index_cast %parallel_loop3A_323 : i32 to index
            %parallel_loop3A_325 = tpu.vector_load %arg16[%parallel_loop3A_324] {strides = array<i32>} : memref<128xi32, #tpu.memory_space<vmem>>, vector<16xi32>,
            %parallel_loop3A_326 = vector.bitcast %parallel_loop3A_325 : vector<16xi32> to vector<32xbf16>
            %parallel_loop3A_327 = arith.index_cast %parallel_loop3A_313 : i32 to index
            %parallel_loop3A_328 = tpu.vector_load %arg8[%parallel_loop3A_327] {strides = array<i32>} : memref<41088xi32, #tpu.memory_space<vmem>>, vector<16xi32>,
            %parallel_loop3A_329 = vector.bitcast %parallel_loop3A_328 : vector<16xi32> to vector<32xbf16>
            %parallel_loop3A_330 = arith.mulf %pack3A, %parallel_loop3A_326 : vector<32xbf16>
            %parallel_loop3A_331 = arith.addf %parallel_loop3A_321, %parallel_loop3A_330 : vector<32xbf16>
            %parallel_loop3A_332 = arith.minimumf %parallel_loop3A_329, %parallel_loop3A_331 : vector<32xbf16>
            %parallel_loop3A_333 = vector.bitcast %parallel_loop3A_332 : vector<32xbf16> to vector<16xi32>
            %parallel_loop3A_334 = arith.index_cast %parallel_loop3A_313 : i32 to index
            %parallel_loop3A_335 = tpu.vector_load %arg8[%parallel_loop3A_334] {strides = array<i32>} : memref<41088xi32, #tpu.memory_space<vmem>>, vector<16xi32>,
            tpu.vector_store %arg8[%parallel_loop3A_334], %parallel_loop3A_333 {strides = array<i32>} : memref<41088xi32, #tpu.memory_space<vmem>>, vector<16xi32>,
          } {sc.loop_unroll_factor = 8 : i64, sc.parallel_access}
          %scan3A_309 = arith.constant 0 : i32
          scf.yield %scan3A_309 : i32
        }
        %scan3A_250 = arith.constant 32 : i32
        %add3A_251 = arith.constant 2 : i32
        %add3A_252 = arith.addi %mul3A_230, %add3A_251 : i32
        %lt3A_253 = arith.cmpi slt, %add3A_252, %select_n3A_166 : i32
        %convert_element_type3A_254 = arith.extui %lt3A_253 : i1 to i32
        %cond3A_255 = arith.constant 0 : i32
        %cond3A_256 = arith.cmpi ne, %convert_element_type3A_254, %cond3A_255 : i32
        scf.if %cond3A_256 {
          %add3A_286 = arith.constant 2 : i32
          %add3A_287 = arith.addi %mul3A_230, %add3A_286 : i32
          %mul3A_288 = arith.constant 32 : i32
          %mul3A_289 = arith.muli %add3A_287, %mul3A_288 : i32
          %dma_start3A_290 = arith.constant 0 : i32
          %dma_start3A_291 = arith.constant 0 : i32
          %dma_start3A_292 = arith.constant 0 : i32
          %dma_start3A_293 = tpu.memref_slice %arg15[%dma_start3A_290, %dma_start3A_291, %dma_start3A_292] : memref<2x32x128xi32, #tpu.memory_space<vmem>> -> memref<1x32x128xi32, #tpu.memory_space<vmem>>
          %dma_start3A_294 = tpu.memref_squeeze %dma_start3A_293 : memref<1x32x128xi32, #tpu.memory_space<vmem>> -> memref<32x128xi32, #tpu.memory_space<vmem>>
          %dma_start3A_295 = tpu.memref_slice %arg13[%mul3A_289] : memref<16448xi32, #tpu.memory_space<vmem>> -> memref<32xi32, #tpu.memory_space<vmem>>
          %dma_start3A_296 = arith.constant 0 : i32
          %dma_start3A_297 = arith.constant 0 : i32
          %dma_start3A_298 = tpu.memref_slice %arg2[%dma_start3A_296, %dma_start3A_297] : memref<10000x128xi32, #tpu.memory_space<hbm>> -> memref<10000x128xi32, #tpu.memory_space<hbm>>
          tpu.enqueue_indirect_dma source(%dma_start3A_298 : memref<10000x128xi32, #tpu.memory_space<hbm>>) target(%dma_start3A_294 : memref<32x128xi32, #tpu.memory_space<vmem>>) offsets(%dma_start3A_295 : memref<32xi32, #tpu.memory_space<vmem>>) semaphore(%arg19 : memref<!tpu.dma_semaphore, #tpu.memory_space<semaphore_mem>>)
        } else {
        }
        %add3A_257 = arith.constant 1 : i32
        %add3A_258 = arith.addi %mul3A_230, %add3A_257 : i32
        %mul3A_259 = arith.constant 32 : i32
        %mul3A_260 = arith.muli %add3A_258, %mul3A_259 : i32
        %dma_wait3A_261 = arith.constant 1 : i32
        %dma_wait3A_262 = arith.constant 0 : i32
        %dma_wait3A_263 = arith.constant 0 : i32
        %dma_wait3A_264 = tpu.memref_slice %arg15[%dma_wait3A_261, %dma_wait3A_262, %dma_wait3A_263] : memref<2x32x128xi32, #tpu.memory_space<vmem>> -> memref<1x32x128xi32, #tpu.memory_space<vmem>>
        %dma_wait3A_265 = tpu.memref_squeeze %dma_wait3A_264 : memref<1x32x128xi32, #tpu.memory_space<vmem>> -> memref<32x128xi32, #tpu.memory_space<vmem>>
        %dma_wait3A_266 = tpu.memref_slice %arg13[%mul3A_260] : memref<16448xi32, #tpu.memory_space<vmem>> -> memref<32xi32, #tpu.memory_space<vmem>>
        %dma_wait3A_267 = arith.constant 0 : i32
        %dma_wait3A_268 = arith.constant 0 : i32
        %dma_wait3A_269 = tpu.memref_slice %arg2[%dma_wait3A_267, %dma_wait3A_268] : memref<10000x128xi32, #tpu.memory_space<hbm>> -> memref<10000x128xi32, #tpu.memory_space<hbm>>
        tpu.wait_indirect_dma semaphore(%arg20 : memref<!tpu.dma_semaphore, #tpu.memory_space<semaphore_mem>>) src(%dma_wait3A_269 : memref<10000x128xi32, #tpu.memory_space<hbm>>) dst(%dma_wait3A_265 : memref<32x128xi32, #tpu.memory_space<vmem>>)
        %mul3A_270 = arith.constant 32 : i32
        %mul3A_271 = arith.muli %add3A_258, %mul3A_270 : i32
        %scan3A_272 = arith.constant 0 : i32
        %scan3A_273 = arith.constant 0 : i32
        %scan3A_274 = arith.constant 32 : i32
        %scan3A_275 = arith.addi %scan3A_273, %scan3A_274 : i32
        %scan3A_276 = arith.constant 1 : i32
        %scan3A_277 = scf.for %scan3A_286 = %scan3A_273 to %scan3A_275 step %scan3A_276 iter_args(%scan3A_287 = %scan3A_272) -> (i32)  : i32 {
          %add3A_288 = arith.addi %mul3A_271, %scan3A_286 : i32
          %get3A = arith.index_cast %add3A_288 : i32 to index
          %get3A_289 = tpu.vector_load %arg12[%get3A] {strides = array<i32>} : memref<16448xi32, #tpu.memory_space<vmem>>, vector<16xi32>,
          %slice3A_290 = vector.extract_strided_slice %get3A_289 {offsets = [0], sizes = [1], strides = [1]} : vector<16xi32> to vector<1xi32>
          %squeeze3A_291 = vector.extract %slice3A_290[0] : i32 from vector<1xi32>
          %add3A_292 = arith.addi %mul3A_271, %scan3A_286 : i32
          %get3A_293 = arith.index_cast %add3A_292 : i32 to index
          %get3A_294 = tpu.vector_load %arg14[%get3A_293] {strides = array<i32>} : memref<16448xf32, #tpu.memory_space<vmem>>, vector<16xf32>,
          %lt3A_295 = arith.constant 0 : i32
          %lt3A_296 = vector.broadcast %lt3A_295 : i32 to vector<16xi32>
          %lt3A_297 = arith.cmpi slt, %mul3A_12, %lt3A_296 : vector<16xi32>
          %add3A_298 = arith.constant 16 : i32
          %add3A_299 = vector.broadcast %add3A_298 : i32 to vector<16xi32>
          %add3A_300 = arith.addi %mul3A_12, %add3A_299 : vector<16xi32>
          %select_n3A_301 = arith.select %lt3A_297, %add3A_300, %mul3A_12 : vector<16xi1>, vector<16xi32>
          %broadcast_in_dim3A_302 = vector.shape_cast %select_n3A_301 : vector<16xi32> to vector<16x1xi32>
          %gather3A = vector.shape_cast %broadcast_in_dim3A_302 : vector<16x1xi32> to vector<16xi32>
          %gather3A_303 = tpu.dynamic_gather %get3A_294[%gather3A] in [0] : vector<16xf32>, vector<16xi32> -> vector<16xf32>
          %pack3A = tpu.pack_subelements %gather3A_303, %gather3A_303 {pack_format = #tpu.pack_format<interleaved>, positions = array<i32: 0, 1>} : vector<16xf32>, vector<16xf32> -> vector<32xbf16>
          %mul3A_304 = arith.constant 128 : i32
          %mul3A_305 = arith.muli %squeeze3A_291, %mul3A_304 : i32
          %parallel_loop3A_306 = arith.constant 0 : i32
          %parallel_loop3A_307 = arith.constant 8 : i32
          %parallel_loop3A_308 = arith.constant 1 : i32
          scf.for %parallel_loop3A_310 = %parallel_loop3A_306 to %parallel_loop3A_307 step %parallel_loop3A_308  : i32 {
            %parallel_loop3A_311 = arith.constant 16 : i32
            %parallel_loop3A_312 = arith.muli %parallel_loop3A_310, %parallel_loop3A_311 : i32
            %parallel_loop3A_313 = arith.addi %mul3A_305, %parallel_loop3A_312 : i32
            %parallel_loop3A_314 = arith.constant 16 : i32
            %parallel_loop3A_315 = arith.muli %parallel_loop3A_310, %parallel_loop3A_314 : i32
            %parallel_loop3A_316 = arith.constant 1 : i32
            %parallel_loop3A_317 = arith.index_cast %parallel_loop3A_316 : i32 to index
            %parallel_loop3A_318 = arith.index_cast %scan3A_286 : i32 to index
            %parallel_loop3A_319 = arith.index_cast %parallel_loop3A_315 : i32 to index
            %parallel_loop3A_320 = tpu.vector_load %arg15[%parallel_loop3A_317, %parallel_loop3A_318, %parallel_loop3A_319] {strides = array<i32>} : memref<2x32x128xi32, #tpu.memory_space<vmem>>, vector<16xi32>,
            %parallel_loop3A_321 = vector.bitcast %parallel_loop3A_320 : vector<16xi32> to vector<32xbf16>
            %parallel_loop3A_322 = arith.constant 16 : i32
            %parallel_loop3A_323 = arith.muli %parallel_loop3A_310, %parallel_loop3A_322 : i32
            %parallel_loop3A_324 = arith.index_cast %parallel_loop3A_323 : i32 to index
            %parallel_loop3A_325 = tpu.vector_load %arg16[%parallel_loop3A_324] {strides = array<i32>} : memref<128xi32, #tpu.memory_space<vmem>>, vector<16xi32>,
            %parallel_loop3A_326 = vector.bitcast %parallel_loop3A_325 : vector<16xi32> to vector<32xbf16>
            %parallel_loop3A_327 = arith.index_cast %parallel_loop3A_313 : i32 to index
            %parallel_loop3A_328 = tpu.vector_load %arg8[%parallel_loop3A_327] {strides = array<i32>} : memref<41088xi32, #tpu.memory_space<vmem>>, vector<16xi32>,
            %parallel_loop3A_329 = vector.bitcast %parallel_loop3A_328 : vector<16xi32> to vector<32xbf16>
            %parallel_loop3A_330 = arith.mulf %pack3A, %parallel_loop3A_326 : vector<32xbf16>
            %parallel_loop3A_331 = arith.addf %parallel_loop3A_321, %parallel_loop3A_330 : vector<32xbf16>
            %parallel_loop3A_332 = arith.minimumf %parallel_loop3A_329, %parallel_loop3A_331 : vector<32xbf16>
            %parallel_loop3A_333 = vector.bitcast %parallel_loop3A_332 : vector<32xbf16> to vector<16xi32>
            %parallel_loop3A_334 = arith.index_cast %parallel_loop3A_313 : i32 to index
            %parallel_loop3A_335 = tpu.vector_load %arg8[%parallel_loop3A_334] {strides = array<i32>} : memref<41088xi32, #tpu.memory_space<vmem>>, vector<16xi32>,
            tpu.vector_store %arg8[%parallel_loop3A_334], %parallel_loop3A_333 {strides = array<i32>} : memref<41088xi32, #tpu.memory_space<vmem>>, vector<16xi32>,
          } {sc.loop_unroll_factor = 8 : i64, sc.parallel_access}
          %scan3A_309 = arith.constant 0 : i32
          scf.yield %scan3A_309 : i32
        }
        %scan3A_278 = arith.constant 32 : i32
        %add3A_279 = arith.constant 2 : i32
        %add3A_280 = arith.addi %add3A_258, %add3A_279 : i32
        %lt3A_281 = arith.cmpi slt, %add3A_280, %select_n3A_166 : i32
        %convert_element_type3A_282 = arith.extui %lt3A_281 : i1 to i32
        %cond3A_283 = arith.constant 0 : i32
        %cond3A_284 = arith.cmpi ne, %convert_element_type3A_282, %cond3A_283 : i32
        scf.if %cond3A_284 {
          %add3A_286 = arith.constant 2 : i32
          %add3A_287 = arith.addi %add3A_258, %add3A_286 : i32
          %mul3A_288 = arith.constant 32 : i32
          %mul3A_289 = arith.muli %add3A_287, %mul3A_288 : i32
          %dma_start3A_290 = arith.constant 1 : i32
          %dma_start3A_291 = arith.constant 0 : i32
          %dma_start3A_292 = arith.constant 0 : i32
          %dma_start3A_293 = tpu.memref_slice %arg15[%dma_start3A_290, %dma_start3A_291, %dma_start3A_292] : memref<2x32x128xi32, #tpu.memory_space<vmem>> -> memref<1x32x128xi32, #tpu.memory_space<vmem>>
          %dma_start3A_294 = tpu.memref_squeeze %dma_start3A_293 : memref<1x32x128xi32, #tpu.memory_space<vmem>> -> memref<32x128xi32, #tpu.memory_space<vmem>>
          %dma_start3A_295 = tpu.memref_slice %arg13[%mul3A_289] : memref<16448xi32, #tpu.memory_space<vmem>> -> memref<32xi32, #tpu.memory_space<vmem>>
          %dma_start3A_296 = arith.constant 0 : i32
          %dma_start3A_297 = arith.constant 0 : i32
          %dma_start3A_298 = tpu.memref_slice %arg2[%dma_start3A_296, %dma_start3A_297] : memref<10000x128xi32, #tpu.memory_space<hbm>> -> memref<10000x128xi32, #tpu.memory_space<hbm>>
          tpu.enqueue_indirect_dma source(%dma_start3A_298 : memref<10000x128xi32, #tpu.memory_space<hbm>>) target(%dma_start3A_294 : memref<32x128xi32, #tpu.memory_space<vmem>>) offsets(%dma_start3A_295 : memref<32xi32, #tpu.memory_space<vmem>>) semaphore(%arg20 : memref<!tpu.dma_semaphore, #tpu.memory_space<semaphore_mem>>)
        } else {
        }
        %while3A_285 = arith.constant 0 : i32
        scf.yield %while3A_285 : i32
      }
      %mul3A_212 = arith.constant 2 : i32
      %mul3A_213 = arith.muli %select_n3A_200, %mul3A_212 : i32
      %lt3A_214 = arith.cmpi slt, %mul3A_213, %select_n3A_166 : i32
      %convert_element_type3A_215 = arith.extui %lt3A_214 : i1 to i32
      %cond3A_216 = arith.constant 0 : i32
      %cond3A_217 = arith.cmpi ne, %convert_element_type3A_215, %cond3A_216 : i32
      scf.if %cond3A_217 {
        %mul3A_227 = arith.constant 2 : i32
        %mul3A_228 = arith.muli %select_n3A_200, %mul3A_227 : i32
        %mul3A_229 = arith.constant 32 : i32
        %mul3A_230 = arith.muli %mul3A_228, %mul3A_229 : i32
        %dma_wait3A_231 = arith.constant 0 : i32
        %dma_wait3A_232 = arith.constant 0 : i32
        %dma_wait3A_233 = arith.constant 0 : i32
        %dma_wait3A_234 = tpu.memref_slice %arg15[%dma_wait3A_231, %dma_wait3A_232, %dma_wait3A_233] : memref<2x32x128xi32, #tpu.memory_space<vmem>> -> memref<1x32x128xi32, #tpu.memory_space<vmem>>
        %dma_wait3A_235 = tpu.memref_squeeze %dma_wait3A_234 : memref<1x32x128xi32, #tpu.memory_space<vmem>> -> memref<32x128xi32, #tpu.memory_space<vmem>>
        %dma_wait3A_236 = tpu.memref_slice %arg13[%mul3A_230] : memref<16448xi32, #tpu.memory_space<vmem>> -> memref<32xi32, #tpu.memory_space<vmem>>
        %dma_wait3A_237 = arith.constant 0 : i32
        %dma_wait3A_238 = arith.constant 0 : i32
        %dma_wait3A_239 = tpu.memref_slice %arg2[%dma_wait3A_237, %dma_wait3A_238] : memref<10000x128xi32, #tpu.memory_space<hbm>> -> memref<10000x128xi32, #tpu.memory_space<hbm>>
        tpu.wait_indirect_dma semaphore(%arg19 : memref<!tpu.dma_semaphore, #tpu.memory_space<semaphore_mem>>) src(%dma_wait3A_239 : memref<10000x128xi32, #tpu.memory_space<hbm>>) dst(%dma_wait3A_235 : memref<32x128xi32, #tpu.memory_space<vmem>>)
        %mul3A_240 = arith.constant 32 : i32
        %mul3A_241 = arith.muli %mul3A_228, %mul3A_240 : i32
        %scan3A_242 = arith.constant 0 : i32
        %scan3A_243 = arith.constant 0 : i32
        %scan3A_244 = arith.constant 32 : i32
        %scan3A_245 = arith.addi %scan3A_243, %scan3A_244 : i32
        %scan3A_246 = arith.constant 1 : i32
        %scan3A_247 = scf.for %scan3A_249 = %scan3A_243 to %scan3A_245 step %scan3A_246 iter_args(%scan3A_250 = %scan3A_242) -> (i32)  : i32 {
          %add3A_251 = arith.addi %mul3A_241, %scan3A_249 : i32
          %get3A = arith.index_cast %add3A_251 : i32 to index
          %get3A_252 = tpu.vector_load %arg12[%get3A] {strides = array<i32>} : memref<16448xi32, #tpu.memory_space<vmem>>, vector<16xi32>,
          %slice3A_253 = vector.extract_strided_slice %get3A_252 {offsets = [0], sizes = [1], strides = [1]} : vector<16xi32> to vector<1xi32>
          %squeeze3A_254 = vector.extract %slice3A_253[0] : i32 from vector<1xi32>
          %add3A_255 = arith.addi %mul3A_241, %scan3A_249 : i32
          %get3A_256 = arith.index_cast %add3A_255 : i32 to index
          %get3A_257 = tpu.vector_load %arg14[%get3A_256] {strides = array<i32>} : memref<16448xf32, #tpu.memory_space<vmem>>, vector<16xf32>,
          %lt3A_258 = arith.constant 0 : i32
          %lt3A_259 = vector.broadcast %lt3A_258 : i32 to vector<16xi32>
          %lt3A_260 = arith.cmpi slt, %mul3A_12, %lt3A_259 : vector<16xi32>
          %add3A_261 = arith.constant 16 : i32
          %add3A_262 = vector.broadcast %add3A_261 : i32 to vector<16xi32>
          %add3A_263 = arith.addi %mul3A_12, %add3A_262 : vector<16xi32>
          %select_n3A_264 = arith.select %lt3A_260, %add3A_263, %mul3A_12 : vector<16xi1>, vector<16xi32>
          %broadcast_in_dim3A_265 = vector.shape_cast %select_n3A_264 : vector<16xi32> to vector<16x1xi32>
          %gather3A = vector.shape_cast %broadcast_in_dim3A_265 : vector<16x1xi32> to vector<16xi32>
          %gather3A_266 = tpu.dynamic_gather %get3A_257[%gather3A] in [0] : vector<16xf32>, vector<16xi32> -> vector<16xf32>
          %pack3A = tpu.pack_subelements %gather3A_266, %gather3A_266 {pack_format = #tpu.pack_format<interleaved>, positions = array<i32: 0, 1>} : vector<16xf32>, vector<16xf32> -> vector<32xbf16>
          %mul3A_267 = arith.constant 128 : i32
          %mul3A_268 = arith.muli %squeeze3A_254, %mul3A_267 : i32
          %parallel_loop3A_269 = arith.constant 0 : i32
          %parallel_loop3A_270 = arith.constant 8 : i32
          %parallel_loop3A_271 = arith.constant 1 : i32
          scf.for %parallel_loop3A_273 = %parallel_loop3A_269 to %parallel_loop3A_270 step %parallel_loop3A_271  : i32 {
            %parallel_loop3A_274 = arith.constant 16 : i32
            %parallel_loop3A_275 = arith.muli %parallel_loop3A_273, %parallel_loop3A_274 : i32
            %parallel_loop3A_276 = arith.addi %mul3A_268, %parallel_loop3A_275 : i32
            %parallel_loop3A_277 = arith.constant 16 : i32
            %parallel_loop3A_278 = arith.muli %parallel_loop3A_273, %parallel_loop3A_277 : i32
            %parallel_loop3A_279 = arith.constant 0 : i32
            %parallel_loop3A_280 = arith.index_cast %parallel_loop3A_279 : i32 to index
            %parallel_loop3A_281 = arith.index_cast %scan3A_249 : i32 to index
            %parallel_loop3A_282 = arith.index_cast %parallel_loop3A_278 : i32 to index
            %parallel_loop3A_283 = tpu.vector_load %arg15[%parallel_loop3A_280, %parallel_loop3A_281, %parallel_loop3A_282] {strides = array<i32>} : memref<2x32x128xi32, #tpu.memory_space<vmem>>, vector<16xi32>,
            %parallel_loop3A_284 = vector.bitcast %parallel_loop3A_283 : vector<16xi32> to vector<32xbf16>
            %parallel_loop3A_285 = arith.constant 16 : i32
            %parallel_loop3A_286 = arith.muli %parallel_loop3A_273, %parallel_loop3A_285 : i32
            %parallel_loop3A_287 = arith.index_cast %parallel_loop3A_286 : i32 to index
            %parallel_loop3A_288 = tpu.vector_load %arg16[%parallel_loop3A_287] {strides = array<i32>} : memref<128xi32, #tpu.memory_space<vmem>>, vector<16xi32>,
            %parallel_loop3A_289 = vector.bitcast %parallel_loop3A_288 : vector<16xi32> to vector<32xbf16>
            %parallel_loop3A_290 = arith.index_cast %parallel_loop3A_276 : i32 to index
            %parallel_loop3A_291 = tpu.vector_load %arg8[%parallel_loop3A_290] {strides = array<i32>} : memref<41088xi32, #tpu.memory_space<vmem>>, vector<16xi32>,
            %parallel_loop3A_292 = vector.bitcast %parallel_loop3A_291 : vector<16xi32> to vector<32xbf16>
            %parallel_loop3A_293 = arith.mulf %pack3A, %parallel_loop3A_289 : vector<32xbf16>
            %parallel_loop3A_294 = arith.addf %parallel_loop3A_284, %parallel_loop3A_293 : vector<32xbf16>
            %parallel_loop3A_295 = arith.minimumf %parallel_loop3A_292, %parallel_loop3A_294 : vector<32xbf16>
            %parallel_loop3A_296 = vector.bitcast %parallel_loop3A_295 : vector<32xbf16> to vector<16xi32>
            %parallel_loop3A_297 = arith.index_cast %parallel_loop3A_276 : i32 to index
            %parallel_loop3A_298 = tpu.vector_load %arg8[%parallel_loop3A_297] {strides = array<i32>} : memref<41088xi32, #tpu.memory_space<vmem>>, vector<16xi32>,
            tpu.vector_store %arg8[%parallel_loop3A_297], %parallel_loop3A_296 {strides = array<i32>} : memref<41088xi32, #tpu.memory_space<vmem>>, vector<16xi32>,
          } {sc.loop_unroll_factor = 8 : i64, sc.parallel_access}
          %scan3A_272 = arith.constant 0 : i32
          scf.yield %scan3A_272 : i32
        }
        %scan3A_248 = arith.constant 32 : i32
      } else {
      }
      %gt3A_218 = arith.constant 0 : i32
      %gt3A_219 = arith.cmpi sgt, %select_n3A_166, %gt3A_218 : i32
      %convert_element_type3A_220 = arith.extui %gt3A_219 : i1 to i32
      %cond3A_221 = arith.constant 0 : i32
      %cond3A_222 = arith.cmpi ne, %convert_element_type3A_220, %cond3A_221 : i32
      scf.if %cond3A_222 {
        %mul3A_227 = arith.constant 32 : i32
        %mul3A_228 = arith.muli %select_n3A_166, %mul3A_227 : i32
        %add3A_229 = arith.constant 0 : i32
        %add3A_230 = arith.addi %mul3A_228, %add3A_229 : i32
        %get3A = arith.index_cast %add3A_230 : i32 to index
        %get3A_231 = tpu.vector_load %arg12[%get3A] {strides = array<i32>} : memref<16448xi32, #tpu.memory_space<vmem>>, vector<16xi32>,
        %swap3A = arith.constant 0 : index
        %swap3A_232 = tpu.vector_load %arg12[%swap3A] {strides = array<i32>} : memref<16448xi32, #tpu.memory_space<vmem>>, vector<16xi32>,
        tpu.vector_store %arg12[%swap3A], %get3A_231 {strides = array<i32>} : memref<16448xi32, #tpu.memory_space<vmem>>, vector<16xi32>,
        %get3A_233 = arith.index_cast %add3A_230 : i32 to index
        %get3A_234 = tpu.vector_load %arg13[%get3A_233] {strides = array<i32>} : memref<16448xi32, #tpu.memory_space<vmem>>, vector<16xi32>,
        %swap3A_235 = arith.constant 0 : index
        %swap3A_236 = tpu.vector_load %arg13[%swap3A_235] {strides = array<i32>} : memref<16448xi32, #tpu.memory_space<vmem>>, vector<16xi32>,
        tpu.vector_store %arg13[%swap3A_235], %get3A_234 {strides = array<i32>} : memref<16448xi32, #tpu.memory_space<vmem>>, vector<16xi32>,
        %get3A_237 = arith.index_cast %add3A_230 : i32 to index
        %get3A_238 = tpu.vector_load %arg14[%get3A_237] {strides = array<i32>} : memref<16448xf32, #tpu.memory_space<vmem>>, vector<16xf32>,
        %swap3A_239 = arith.constant 0 : index
        %swap3A_240 = tpu.vector_load %arg14[%swap3A_239] {strides = array<i32>} : memref<16448xf32, #tpu.memory_space<vmem>>, vector<16xf32>,
        tpu.vector_store %arg14[%swap3A_239], %get3A_238 {strides = array<i32>} : memref<16448xf32, #tpu.memory_space<vmem>>, vector<16xf32>,
        %mul3A_241 = arith.constant 32 : i32
        %mul3A_242 = arith.muli %select_n3A_166, %mul3A_241 : i32
        %add3A_243 = arith.constant 16 : i32
        %add3A_244 = arith.addi %mul3A_242, %add3A_243 : i32
        %get3A_245 = arith.index_cast %add3A_244 : i32 to index
        %get3A_246 = tpu.vector_load %arg12[%get3A_245] {strides = array<i32>} : memref<16448xi32, #tpu.memory_space<vmem>>, vector<16xi32>,
        %swap3A_247 = arith.constant 16 : index
        %swap3A_248 = tpu.vector_load %arg12[%swap3A_247] {strides = array<i32>} : memref<16448xi32, #tpu.memory_space<vmem>>, vector<16xi32>,
        tpu.vector_store %arg12[%swap3A_247], %get3A_246 {strides = array<i32>} : memref<16448xi32, #tpu.memory_space<vmem>>, vector<16xi32>,
        %get3A_249 = arith.index_cast %add3A_244 : i32 to index
        %get3A_250 = tpu.vector_load %arg13[%get3A_249] {strides = array<i32>} : memref<16448xi32, #tpu.memory_space<vmem>>, vector<16xi32>,
        %swap3A_251 = arith.constant 16 : index
        %swap3A_252 = tpu.vector_load %arg13[%swap3A_251] {strides = array<i32>} : memref<16448xi32, #tpu.memory_space<vmem>>, vector<16xi32>,
        tpu.vector_store %arg13[%swap3A_251], %get3A_250 {strides = array<i32>} : memref<16448xi32, #tpu.memory_space<vmem>>, vector<16xi32>,
        %get3A_253 = arith.index_cast %add3A_244 : i32 to index
        %get3A_254 = tpu.vector_load %arg14[%get3A_253] {strides = array<i32>} : memref<16448xf32, #tpu.memory_space<vmem>>, vector<16xf32>,
        %swap3A_255 = arith.constant 16 : index
        %swap3A_256 = tpu.vector_load %arg14[%swap3A_255] {strides = array<i32>} : memref<16448xf32, #tpu.memory_space<vmem>>, vector<16xf32>,
        tpu.vector_store %arg14[%swap3A_255], %get3A_254 {strides = array<i32>} : memref<16448xf32, #tpu.memory_space<vmem>>, vector<16xf32>,
      } else {
      }
      %mul3A_223 = arith.constant 32 : i32
      %mul3A_224 = arith.muli %select_n3A_166, %mul3A_223 : i32
      %sub3A_225 = arith.subi %squeeze3A_134, %mul3A_224 : i32
      %broadcast_in_dim3A_226 = vector.broadcast %sub3A_225 : i32 to vector<16xi32>
      scf.yield %broadcast_in_dim3A_226 : vector<16xi32>
    }
    %scan3A_45 = arith.constant 79 : i32
    %slice3A = vector.extract_strided_slice %scan3A_44 {offsets = [0], sizes = [1], strides = [1]} : vector<16xi32> to vector<1xi32>
    %squeeze3A = vector.extract %slice3A[0] : i32 from vector<1xi32>
    %gt3A = arith.constant 0 : i32
    %gt3A_46 = arith.cmpi sgt, %squeeze3A, %gt3A : i32
    %convert_element_type3A = arith.extui %gt3A_46 : i1 to i32
    %cond3A = arith.constant 0 : i32
    %cond3A_47 = arith.cmpi ne, %convert_element_type3A, %cond3A : i32
    scf.if %cond3A_47 {
      %add3A_50 = arith.constant 0 : i32
      %add3A_51 = arith.addi %squeeze3A, %add3A_50 : i32
      %broadcast_in_dim3A_52 = arith.constant 0 : i32
      %broadcast_in_dim3A_53 = vector.broadcast %broadcast_in_dim3A_52 : i32 to vector<16xi32>
      %swap3A = arith.index_cast %add3A_51 : i32 to index
      %swap3A_54 = tpu.vector_load %arg13[%swap3A] {strides = array<i32>} : memref<16448xi32, #tpu.memory_space<vmem>>, vector<16xi32>,
      tpu.vector_store %arg13[%swap3A], %broadcast_in_dim3A_53 {strides = array<i32>} : memref<16448xi32, #tpu.memory_space<vmem>>, vector<16xi32>,
      %broadcast_in_dim3A_55 = arith.constant 320 : i32
      %broadcast_in_dim3A_56 = vector.broadcast %broadcast_in_dim3A_55 : i32 to vector<16xi32>
      %swap3A_57 = arith.index_cast %add3A_51 : i32 to index
      %swap3A_58 = tpu.vector_load %arg12[%swap3A_57] {strides = array<i32>} : memref<16448xi32, #tpu.memory_space<vmem>>, vector<16xi32>,
      tpu.vector_store %arg12[%swap3A_57], %broadcast_in_dim3A_56 {strides = array<i32>} : memref<16448xi32, #tpu.memory_space<vmem>>, vector<16xi32>,
      %broadcast_in_dim3A_59 = arith.constant 0.000000e+00 : f32
      %broadcast_in_dim3A_60 = vector.broadcast %broadcast_in_dim3A_59 : f32 to vector<16xf32>
      %swap3A_61 = arith.index_cast %add3A_51 : i32 to index
      %swap3A_62 = tpu.vector_load %arg14[%swap3A_61] {strides = array<i32>} : memref<16448xf32, #tpu.memory_space<vmem>>, vector<16xf32>,
      tpu.vector_store %arg14[%swap3A_61], %broadcast_in_dim3A_60 {strides = array<i32>} : memref<16448xf32, #tpu.memory_space<vmem>>, vector<16xf32>,
      %add3A_63 = arith.constant 16 : i32
      %add3A_64 = arith.addi %squeeze3A, %add3A_63 : i32
      %broadcast_in_dim3A_65 = arith.constant 0 : i32
      %broadcast_in_dim3A_66 = vector.broadcast %broadcast_in_dim3A_65 : i32 to vector<16xi32>
      %swap3A_67 = arith.index_cast %add3A_64 : i32 to index
      %swap3A_68 = tpu.vector_load %arg13[%swap3A_67] {strides = array<i32>} : memref<16448xi32, #tpu.memory_space<vmem>>, vector<16xi32>,
      tpu.vector_store %arg13[%swap3A_67], %broadcast_in_dim3A_66 {strides = array<i32>} : memref<16448xi32, #tpu.memory_space<vmem>>, vector<16xi32>,
      %broadcast_in_dim3A_69 = arith.constant 320 : i32
      %broadcast_in_dim3A_70 = vector.broadcast %broadcast_in_dim3A_69 : i32 to vector<16xi32>
      %swap3A_71 = arith.index_cast %add3A_64 : i32 to index
      %swap3A_72 = tpu.vector_load %arg12[%swap3A_71] {strides = array<i32>} : memref<16448xi32, #tpu.memory_space<vmem>>, vector<16xi32>,
      tpu.vector_store %arg12[%swap3A_71], %broadcast_in_dim3A_70 {strides = array<i32>} : memref<16448xi32, #tpu.memory_space<vmem>>, vector<16xi32>,
      %broadcast_in_dim3A_73 = arith.constant 0.000000e+00 : f32
      %broadcast_in_dim3A_74 = vector.broadcast %broadcast_in_dim3A_73 : f32 to vector<16xf32>
      %swap3A_75 = arith.index_cast %add3A_64 : i32 to index
      %swap3A_76 = tpu.vector_load %arg14[%swap3A_75] {strides = array<i32>} : memref<16448xf32, #tpu.memory_space<vmem>>, vector<16xf32>,
      tpu.vector_store %arg14[%swap3A_75], %broadcast_in_dim3A_74 {strides = array<i32>} : memref<16448xf32, #tpu.memory_space<vmem>>, vector<16xf32>,
      %dma_start3A_77 = arith.constant 0 : i32
      %dma_start3A_78 = arith.constant 0 : i32
      %dma_start3A_79 = arith.constant 0 : i32
      %dma_start3A_80 = tpu.memref_slice %arg15[%dma_start3A_77, %dma_start3A_78, %dma_start3A_79] : memref<2x32x128xi32, #tpu.memory_space<vmem>> -> memref<1x32x128xi32, #tpu.memory_space<vmem>>
      %dma_start3A_81 = tpu.memref_squeeze %dma_start3A_80 : memref<1x32x128xi32, #tpu.memory_space<vmem>> -> memref<32x128xi32, #tpu.memory_space<vmem>>
      %dma_start3A_82 = arith.constant 0 : i32
      %dma_start3A_83 = tpu.memref_slice %arg13[%dma_start3A_82] : memref<16448xi32, #tpu.memory_space<vmem>> -> memref<32xi32, #tpu.memory_space<vmem>>
      %dma_start3A_84 = arith.constant 0 : i32
      %dma_start3A_85 = arith.constant 0 : i32
      %dma_start3A_86 = tpu.memref_slice %arg2[%dma_start3A_84, %dma_start3A_85] : memref<10000x128xi32, #tpu.memory_space<hbm>> -> memref<10000x128xi32, #tpu.memory_space<hbm>>
      tpu.enqueue_indirect_dma source(%dma_start3A_86 : memref<10000x128xi32, #tpu.memory_space<hbm>>) target(%dma_start3A_81 : memref<32x128xi32, #tpu.memory_space<vmem>>) offsets(%dma_start3A_83 : memref<32xi32, #tpu.memory_space<vmem>>) semaphore(%arg19 : memref<!tpu.dma_semaphore, #tpu.memory_space<semaphore_mem>>)
      %dma_wait3A = arith.constant 0 : i32
      %dma_wait3A_87 = arith.constant 0 : i32
      %dma_wait3A_88 = arith.constant 0 : i32
      %dma_wait3A_89 = tpu.memref_slice %arg15[%dma_wait3A, %dma_wait3A_87, %dma_wait3A_88] : memref<2x32x128xi32, #tpu.memory_space<vmem>> -> memref<1x32x128xi32, #tpu.memory_space<vmem>>
      %dma_wait3A_90 = tpu.memref_squeeze %dma_wait3A_89 : memref<1x32x128xi32, #tpu.memory_space<vmem>> -> memref<32x128xi32, #tpu.memory_space<vmem>>
      %dma_wait3A_91 = arith.constant 0 : i32
      %dma_wait3A_92 = tpu.memref_slice %arg13[%dma_wait3A_91] : memref<16448xi32, #tpu.memory_space<vmem>> -> memref<32xi32, #tpu.memory_space<vmem>>
      %dma_wait3A_93 = arith.constant 0 : i32
      %dma_wait3A_94 = arith.constant 0 : i32
      %dma_wait3A_95 = tpu.memref_slice %arg2[%dma_wait3A_93, %dma_wait3A_94] : memref<10000x128xi32, #tpu.memory_space<hbm>> -> memref<10000x128xi32, #tpu.memory_space<hbm>>
      tpu.wait_indirect_dma semaphore(%arg19 : memref<!tpu.dma_semaphore, #tpu.memory_space<semaphore_mem>>) src(%dma_wait3A_95 : memref<10000x128xi32, #tpu.memory_space<hbm>>) dst(%dma_wait3A_90 : memref<32x128xi32, #tpu.memory_space<vmem>>)
      %scan3A_96 = arith.constant 0 : i32
      %scan3A_97 = arith.constant 0 : i32
      %scan3A_98 = arith.constant 32 : i32
      %scan3A_99 = arith.addi %scan3A_97, %scan3A_98 : i32
      %scan3A_100 = arith.constant 1 : i32
      %scan3A_101 = scf.for %scan3A_103 = %scan3A_97 to %scan3A_99 step %scan3A_100 iter_args(%scan3A_104 = %scan3A_96) -> (i32)  : i32 {
        %add3A_105 = arith.constant 0 : i32
        %add3A_106 = arith.addi %add3A_105, %scan3A_103 : i32
        %get3A = arith.index_cast %add3A_106 : i32 to index
        %get3A_107 = tpu.vector_load %arg12[%get3A] {strides = array<i32>} : memref<16448xi32, #tpu.memory_space<vmem>>, vector<16xi32>,
        %slice3A_108 = vector.extract_strided_slice %get3A_107 {offsets = [0], sizes = [1], strides = [1]} : vector<16xi32> to vector<1xi32>
        %squeeze3A_109 = vector.extract %slice3A_108[0] : i32 from vector<1xi32>
        %add3A_110 = arith.constant 0 : i32
        %add3A_111 = arith.addi %add3A_110, %scan3A_103 : i32
        %get3A_112 = arith.index_cast %add3A_111 : i32 to index
        %get3A_113 = tpu.vector_load %arg14[%get3A_112] {strides = array<i32>} : memref<16448xf32, #tpu.memory_space<vmem>>, vector<16xf32>,
        %lt3A = arith.constant 0 : i32
        %lt3A_114 = vector.broadcast %lt3A : i32 to vector<16xi32>
        %lt3A_115 = arith.cmpi slt, %mul3A_12, %lt3A_114 : vector<16xi32>
        %add3A_116 = arith.constant 16 : i32
        %add3A_117 = vector.broadcast %add3A_116 : i32 to vector<16xi32>
        %add3A_118 = arith.addi %mul3A_12, %add3A_117 : vector<16xi32>
        %select_n3A = arith.select %lt3A_115, %add3A_118, %mul3A_12 : vector<16xi1>, vector<16xi32>
        %broadcast_in_dim3A_119 = vector.shape_cast %select_n3A : vector<16xi32> to vector<16x1xi32>
        %gather3A = vector.shape_cast %broadcast_in_dim3A_119 : vector<16x1xi32> to vector<16xi32>
        %gather3A_120 = tpu.dynamic_gather %get3A_113[%gather3A] in [0] : vector<16xf32>, vector<16xi32> -> vector<16xf32>
        %pack3A = tpu.pack_subelements %gather3A_120, %gather3A_120 {pack_format = #tpu.pack_format<interleaved>, positions = array<i32: 0, 1>} : vector<16xf32>, vector<16xf32> -> vector<32xbf16>
        %mul3A_121 = arith.constant 128 : i32
        %mul3A_122 = arith.muli %squeeze3A_109, %mul3A_121 : i32
        %parallel_loop3A = arith.constant 0 : i32
        %parallel_loop3A_123 = arith.constant 8 : i32
        %parallel_loop3A_124 = arith.constant 1 : i32
        scf.for %parallel_loop3A_126 = %parallel_loop3A to %parallel_loop3A_123 step %parallel_loop3A_124  : i32 {
          %parallel_loop3A_127 = arith.constant 16 : i32
          %parallel_loop3A_128 = arith.muli %parallel_loop3A_126, %parallel_loop3A_127 : i32
          %parallel_loop3A_129 = arith.addi %mul3A_122, %parallel_loop3A_128 : i32
          %parallel_loop3A_130 = arith.constant 16 : i32
          %parallel_loop3A_131 = arith.muli %parallel_loop3A_126, %parallel_loop3A_130 : i32
          %parallel_loop3A_132 = arith.constant 0 : i32
          %parallel_loop3A_133 = arith.index_cast %parallel_loop3A_132 : i32 to index
          %parallel_loop3A_134 = arith.index_cast %scan3A_103 : i32 to index
          %parallel_loop3A_135 = arith.index_cast %parallel_loop3A_131 : i32 to index
          %parallel_loop3A_136 = tpu.vector_load %arg15[%parallel_loop3A_133, %parallel_loop3A_134, %parallel_loop3A_135] {strides = array<i32>} : memref<2x32x128xi32, #tpu.memory_space<vmem>>, vector<16xi32>,
          %parallel_loop3A_137 = vector.bitcast %parallel_loop3A_136 : vector<16xi32> to vector<32xbf16>
          %parallel_loop3A_138 = arith.constant 16 : i32
          %parallel_loop3A_139 = arith.muli %parallel_loop3A_126, %parallel_loop3A_138 : i32
          %parallel_loop3A_140 = arith.index_cast %parallel_loop3A_139 : i32 to index
          %parallel_loop3A_141 = tpu.vector_load %arg16[%parallel_loop3A_140] {strides = array<i32>} : memref<128xi32, #tpu.memory_space<vmem>>, vector<16xi32>,
          %parallel_loop3A_142 = vector.bitcast %parallel_loop3A_141 : vector<16xi32> to vector<32xbf16>
          %parallel_loop3A_143 = arith.index_cast %parallel_loop3A_129 : i32 to index
          %parallel_loop3A_144 = tpu.vector_load %arg8[%parallel_loop3A_143] {strides = array<i32>} : memref<41088xi32, #tpu.memory_space<vmem>>, vector<16xi32>,
          %parallel_loop3A_145 = vector.bitcast %parallel_loop3A_144 : vector<16xi32> to vector<32xbf16>
          %parallel_loop3A_146 = arith.mulf %pack3A, %parallel_loop3A_142 : vector<32xbf16>
          %parallel_loop3A_147 = arith.addf %parallel_loop3A_137, %parallel_loop3A_146 : vector<32xbf16>
          %parallel_loop3A_148 = arith.minimumf %parallel_loop3A_145, %parallel_loop3A_147 : vector<32xbf16>
          %parallel_loop3A_149 = vector.bitcast %parallel_loop3A_148 : vector<32xbf16> to vector<16xi32>
          %parallel_loop3A_150 = arith.index_cast %parallel_loop3A_129 : i32 to index
          %parallel_loop3A_151 = tpu.vector_load %arg8[%parallel_loop3A_150] {strides = array<i32>} : memref<41088xi32, #tpu.memory_space<vmem>>, vector<16xi32>,
          tpu.vector_store %arg8[%parallel_loop3A_150], %parallel_loop3A_149 {strides = array<i32>} : memref<41088xi32, #tpu.memory_space<vmem>>, vector<16xi32>,
        } {sc.loop_unroll_factor = 8 : i64, sc.parallel_access}
        %scan3A_125 = arith.constant 0 : i32
        scf.yield %scan3A_125 : i32
      }
      %scan3A_102 = arith.constant 32 : i32
    } else {
    }
    %mul3A_48 = arith.constant 128 : i32
    %mul3A_49 = arith.muli %mul3A_2, %mul3A_48 : i32
    "tpu.region"() ({
      %run_scoped3A = tpu.sem_alloc : memref<!tpu.dma_semaphore, #tpu.memory_space<semaphore_mem>>
      %dma_start3A_50 = arith.constant 0 : i32
      %dma_start3A_51 = tpu.memref_slice %arg8[%dma_start3A_50] : memref<41088xi32, #tpu.memory_space<vmem>> -> memref<40960xi32, #tpu.memory_space<vmem>>
      %dma_start3A_52 = tpu.memref_slice %arg7[%mul3A_49] : memref<1310720xi32, #tpu.memory_space<hbm>> -> memref<40960xi32, #tpu.memory_space<hbm>>
      %dma_start3A_53 = tpu.memref_slice %arg7[%mul3A_49] : memref<1310720xi32, #tpu.memory_space<hbm>> -> memref<40960xi32, #tpu.memory_space<hbm>>
      %dma_start3A_54 = arith.constant 0 : i32
      %dma_start3A_55 = tpu.memref_slice %arg8[%dma_start3A_54] : memref<41088xi32, #tpu.memory_space<vmem>> -> memref<40960xi32, #tpu.memory_space<vmem>>
      tpu.enqueue_dma source(%dma_start3A_55 : memref<40960xi32, #tpu.memory_space<vmem>>) target(%dma_start3A_53 : memref<40960xi32, #tpu.memory_space<hbm>>) target_semaphore(%run_scoped3A : memref<!tpu.dma_semaphore, #tpu.memory_space<semaphore_mem>>)
      %dma_wait3A = arith.constant 0 : i32
      %dma_wait3A_56 = tpu.memref_slice %arg8[%dma_wait3A] : memref<41088xi32, #tpu.memory_space<vmem>> -> memref<40960xi32, #tpu.memory_space<vmem>>
      %dma_wait3A_57 = tpu.memref_slice %arg7[%mul3A_49] : memref<1310720xi32, #tpu.memory_space<hbm>> -> memref<40960xi32, #tpu.memory_space<hbm>>
      %dma_wait3A_58 = tpu.memref_slice %arg7[%mul3A_49] : memref<1310720xi32, #tpu.memory_space<hbm>> -> memref<40960xi32, #tpu.memory_space<hbm>>
      %dma_wait3A_59 = arith.constant 0 : i32
      %dma_wait3A_60 = tpu.memref_slice %arg8[%dma_wait3A_59] : memref<41088xi32, #tpu.memory_space<vmem>> -> memref<40960xi32, #tpu.memory_space<vmem>>
      tpu.wait_dma2 semaphore(%run_scoped3A : memref<!tpu.dma_semaphore, #tpu.memory_space<semaphore_mem>>) src(%dma_wait3A_60 : memref<40960xi32, #tpu.memory_space<vmem>>) dst(%dma_wait3A_58 : memref<40960xi32, #tpu.memory_space<hbm>>)
      tpu.yield
    }) : () -> ()
    return
  }
}

module attributes {stable_mosaic.version = 14 : i64} {
  func.func @_proj_body(%arg0: i32, %arg1: memref<512x256xf32, #tpu.memory_space<vmem>>, %arg2: memref<256x256xf32, #tpu.memory_space<vmem>>, %arg3: memref<512x128xi32, #tpu.memory_space<vmem>>) attributes {dimension_semantics = [#tpu.dimension_semantics<arbitrary>], iteration_bounds = array<i64: 20>, scalar_prefetch = 0 : i64, scratch_operands = 0 : i64, tpu.core_type = #tpu.core_type<tc>, window_params = [{transform_indices = @transform_0, window_bounds = array<i64: 512, 256>}, {pipeline_mode = #tpu.pipeline_mode<synchronous>, transform_indices = @transform_1, window_bounds = array<i64: 256, 256>}, {transform_indices = @transform_2, window_bounds = array<i64: 512, 128>}]} {
    %get3A = arith.constant 0 : index
    %get3A_0 = arith.constant 0 : index
    %get3A_1 = vector.load %arg1[%get3A, %get3A_0] : memref<512x256xf32, #tpu.memory_space<vmem>>, vector<512x256xf32>
    %get3A_2 = arith.constant 0 : index
    %get3A_3 = arith.constant 0 : index
    %get3A_4 = vector.load %arg2[%get3A_2, %get3A_3] : memref<256x256xf32, #tpu.memory_space<vmem>>, vector<256x256xf32>
    %dot_general3A = arith.constant dense<0.000000e+00> : vector<512x256xf32>
    %dot_general3A_5 = tpu.matmul %get3A_1, %get3A_4, %dot_general3A {dimension_numbers = #tpu.dot_dimension_numbers<[1], [1], [0], [0], [0, 0, 1, 0], [], []>, precision = #tpu.contract_precision<fp32>, transpose_lhs_hint = false} : vector<512x256xf32>, vector<256x256xf32>, vector<512x256xf32> -> vector<512x256xf32>
    %convert_element_type3A = arith.truncf %dot_general3A_5 : vector<512x256xf32> to vector<512x256xbf16>
    %slice3A = vector.extract_strided_slice %convert_element_type3A {offsets = [0, 0], sizes = [512, 128], strides = [1, 1]} : vector<512x256xbf16> to vector<512x128xbf16>
    %bitcast_convert_type3A = tpu.bitcast %slice3A : vector<512x128xbf16> -> vector<512x128xi16>
    %convert_element_type3A_6 = arith.extui %bitcast_convert_type3A : vector<512x128xi16> to vector<512x128xi32>
    %slice3A_7 = vector.extract_strided_slice %convert_element_type3A {offsets = [0, 128], sizes = [512, 128], strides = [1, 1]} : vector<512x256xbf16> to vector<512x128xbf16>
    %bitcast_convert_type3A_8 = tpu.bitcast %slice3A_7 : vector<512x128xbf16> -> vector<512x128xi16>
    %convert_element_type3A_9 = arith.extui %bitcast_convert_type3A_8 : vector<512x128xi16> to vector<512x128xi32>
    %shift_left3A = arith.constant 16 : i32
    %shift_left3A_10 = vector.broadcast %shift_left3A : i32 to vector<512x128xi32>
    %shift_left3A_11 = arith.shli %convert_element_type3A_9, %shift_left3A_10 : vector<512x128xi32>
    %or3A = arith.ori %convert_element_type3A_6, %shift_left3A_11 : vector<512x128xi32>
    %swap3A = arith.constant 0 : index
    %swap3A_12 = arith.constant 0 : index
    %swap3A_13 = vector.load %arg3[%swap3A, %swap3A_12] : memref<512x128xi32, #tpu.memory_space<vmem>>, vector<512x128xi32>
    tpu.vector_store %arg3[%swap3A, %swap3A_12], %or3A {strides = array<i32>} : memref<512x128xi32, #tpu.memory_space<vmem>>, vector<512x128xi32>,
    return
  }
  func.func @transform_0(%arg0: i32) -> (i32, i32) {
    %c0_i32 = arith.constant 0 : i32
    %c0_i32_0 = arith.constant 0 : i32
    return %arg0, %c0_i32 : i32, i32
  }
  func.func @transform_1(%arg0: i32) -> (i32, i32) {
    %c0_i32 = arith.constant 0 : i32
    %c0_i32_0 = arith.constant 0 : i32
    %c0_i32_1 = arith.constant 0 : i32
    return %c0_i32, %c0_i32_0 : i32, i32
  }
  func.func @transform_2(%arg0: i32) -> (i32, i32) {
    %c0_i32 = arith.constant 0 : i32
    %c0_i32_0 = arith.constant 0 : i32
    return %arg0, %c0_i32 : i32, i32
  }
}

module attributes {stable_mosaic.version = 14 : i64} {
  func.func @_final_body(%arg0: i32, %arg1: memref<512x256xf32, #tpu.memory_space<vmem>>, %arg2: memref<512x128xi32, #tpu.memory_space<vmem>>, %arg3: memref<256x256xf32, #tpu.memory_space<vmem>>, %arg4: memref<256x256xf32, #tpu.memory_space<vmem>>, %arg5: memref<256x256xf32, #tpu.memory_space<vmem>>, %arg6: memref<512x256xf32, #tpu.memory_space<vmem>>) attributes {dimension_semantics = [#tpu.dimension_semantics<arbitrary>], iteration_bounds = array<i64: 20>, scalar_prefetch = 0 : i64, scratch_operands = 0 : i64, tpu.core_type = #tpu.core_type<tc>, window_params = [{transform_indices = @transform_0, window_bounds = array<i64: 512, 256>}, {transform_indices = @transform_1, window_bounds = array<i64: 512, 128>}, {pipeline_mode = #tpu.pipeline_mode<synchronous>, transform_indices = @transform_2, window_bounds = array<i64: 256, 256>}, {pipeline_mode = #tpu.pipeline_mode<synchronous>, transform_indices = @transform_3, window_bounds = array<i64: 256, 256>}, {pipeline_mode = #tpu.pipeline_mode<synchronous>, transform_indices = @transform_4, window_bounds = array<i64: 256, 256>}, {transform_indices = @transform_5, window_bounds = array<i64: 512, 256>}]} {
    %get3A = arith.constant 0 : index
    %get3A_0 = arith.constant 0 : index
    %get3A_1 = vector.load %arg1[%get3A, %get3A_0] : memref<512x256xf32, #tpu.memory_space<vmem>>, vector<512x256xf32>
    %get3A_2 = arith.constant 0 : index
    %get3A_3 = arith.constant 0 : index
    %get3A_4 = vector.load %arg2[%get3A_2, %get3A_3] : memref<512x128xi32, #tpu.memory_space<vmem>>, vector<512x128xi32>
    %and3A = arith.constant 65535 : i32
    %and3A_5 = vector.broadcast %and3A : i32 to vector<512x128xi32>
    %and3A_6 = arith.andi %get3A_4, %and3A_5 : vector<512x128xi32>
    %convert_element_type3A = arith.trunci %and3A_6 : vector<512x128xi32> to vector<512x128xi16>
    %bitcast_convert_type3A = tpu.bitcast %convert_element_type3A : vector<512x128xi16> -> vector<512x128xbf16>
    %convert_element_type3A_7 = arith.extf %bitcast_convert_type3A : vector<512x128xbf16> to vector<512x128xf32>
    %shift_right_logical3A = arith.constant 16 : i32
    %shift_right_logical3A_8 = vector.broadcast %shift_right_logical3A : i32 to vector<512x128xi32>
    %shift_right_logical3A_9 = arith.shrui %get3A_4, %shift_right_logical3A_8 : vector<512x128xi32>
    %convert_element_type3A_10 = arith.trunci %shift_right_logical3A_9 : vector<512x128xi32> to vector<512x128xi16>
    %bitcast_convert_type3A_11 = tpu.bitcast %convert_element_type3A_10 : vector<512x128xi16> -> vector<512x128xbf16>
    %convert_element_type3A_12 = arith.extf %bitcast_convert_type3A_11 : vector<512x128xbf16> to vector<512x128xf32>
    %concatenate3A = tpu.concatenate %convert_element_type3A_7, %convert_element_type3A_12 in 1 : vector<512x128xf32>, vector<512x128xf32> -> vector<512x256xf32>
    %get3A_13 = arith.constant 0 : index
    %get3A_14 = arith.constant 0 : index
    %get3A_15 = vector.load %arg3[%get3A_13, %get3A_14] : memref<256x256xf32, #tpu.memory_space<vmem>>, vector<256x256xf32>
    %dot_general3A = arith.constant dense<0.000000e+00> : vector<512x256xf32>
    %dot_general3A_16 = tpu.matmul %get3A_1, %get3A_15, %dot_general3A {dimension_numbers = #tpu.dot_dimension_numbers<[1], [1], [0], [0], [0, 0, 1, 0], [], []>, precision = #tpu.contract_precision<fp32>, transpose_lhs_hint = false} : vector<512x256xf32>, vector<256x256xf32>, vector<512x256xf32> -> vector<512x256xf32>
    %add3A = arith.addf %dot_general3A_16, %concatenate3A : vector<512x256xf32>
    %is_finite3A = tpu.weird %add3A : vector<512x256xf32> -> vector<512x256xi1>
    %is_finite3A_17 = arith.constant dense<true> : vector<512x256xi1>
    %is_finite3A_18 = arith.xori %is_finite3A, %is_finite3A_17 : vector<512x256xi1>
    %ge3A = arith.constant 0.000000e+00 : f32
    %ge3A_19 = vector.broadcast %ge3A : f32 to vector<512x256xf32>
    %ge3A_20 = arith.cmpf oge, %add3A, %ge3A_19 : vector<512x256xf32>
    %mul3A = arith.constant 0.00999999977 : f32
    %mul3A_21 = vector.broadcast %mul3A : f32 to vector<512x256xf32>
    %mul3A_22 = arith.mulf %mul3A_21, %add3A : vector<512x256xf32>
    %select_n3A = arith.select %ge3A_20, %add3A, %mul3A_22 : vector<512x256xi1>, vector<512x256xf32>
    %jit3A = arith.constant 0.000000e+00 : f32
    %broadcast_in_dim3A = vector.broadcast %jit3A : f32 to vector<512x256xf32>
    %select_n3A_23 = arith.select %is_finite3A_18, %select_n3A, %broadcast_in_dim3A : vector<512x256xi1>, vector<512x256xf32>
    %get3A_24 = arith.constant 0 : index
    %get3A_25 = arith.constant 0 : index
    %get3A_26 = vector.load %arg4[%get3A_24, %get3A_25] : memref<256x256xf32, #tpu.memory_space<vmem>>, vector<256x256xf32>
    %dot_general3A_27 = arith.constant dense<0.000000e+00> : vector<512x256xf32>
    %dot_general3A_28 = tpu.matmul %get3A_1, %get3A_26, %dot_general3A_27 {dimension_numbers = #tpu.dot_dimension_numbers<[1], [1], [0], [0], [0, 0, 1, 0], [], []>, precision = #tpu.contract_precision<fp32>, transpose_lhs_hint = false} : vector<512x256xf32>, vector<256x256xf32>, vector<512x256xf32> -> vector<512x256xf32>
    %get3A_29 = arith.constant 0 : index
    %get3A_30 = arith.constant 0 : index
    %get3A_31 = vector.load %arg5[%get3A_29, %get3A_30] : memref<256x256xf32, #tpu.memory_space<vmem>>, vector<256x256xf32>
    %dot_general3A_32 = arith.constant dense<0.000000e+00> : vector<512x256xf32>
    %dot_general3A_33 = tpu.matmul %select_n3A_23, %get3A_31, %dot_general3A_32 {dimension_numbers = #tpu.dot_dimension_numbers<[1], [1], [0], [0], [0, 0, 1, 0], [], []>, precision = #tpu.contract_precision<fp32>, transpose_lhs_hint = false} : vector<512x256xf32>, vector<256x256xf32>, vector<512x256xf32> -> vector<512x256xf32>
    %add3A_34 = arith.addf %dot_general3A_28, %dot_general3A_33 : vector<512x256xf32>
    %ge3A_35 = arith.constant 0.000000e+00 : f32
    %ge3A_36 = vector.broadcast %ge3A_35 : f32 to vector<512x256xf32>
    %ge3A_37 = arith.cmpf oge, %add3A_34, %ge3A_36 : vector<512x256xf32>
    %mul3A_38 = arith.constant 0.00999999977 : f32
    %mul3A_39 = vector.broadcast %mul3A_38 : f32 to vector<512x256xf32>
    %mul3A_40 = arith.mulf %mul3A_39, %add3A_34 : vector<512x256xf32>
    %select_n3A_41 = arith.select %ge3A_37, %add3A_34, %mul3A_40 : vector<512x256xi1>, vector<512x256xf32>
    %swap3A = arith.constant 0 : index
    %swap3A_42 = arith.constant 0 : index
    %swap3A_43 = vector.load %arg6[%swap3A, %swap3A_42] : memref<512x256xf32, #tpu.memory_space<vmem>>, vector<512x256xf32>
    tpu.vector_store %arg6[%swap3A, %swap3A_42], %select_n3A_41 {strides = array<i32>} : memref<512x256xf32, #tpu.memory_space<vmem>>, vector<512x256xf32>,
    return
  }
  func.func @transform_0(%arg0: i32) -> (i32, i32) {
    %c0_i32 = arith.constant 0 : i32
    %c0_i32_0 = arith.constant 0 : i32
    return %arg0, %c0_i32 : i32, i32
  }
  func.func @transform_1(%arg0: i32) -> (i32, i32) {
    %c0_i32 = arith.constant 0 : i32
    %c0_i32_0 = arith.constant 0 : i32
    return %arg0, %c0_i32 : i32, i32
  }
  func.func @transform_2(%arg0: i32) -> (i32, i32) {
    %c0_i32 = arith.constant 0 : i32
    %c0_i32_0 = arith.constant 0 : i32
    %c0_i32_1 = arith.constant 0 : i32
    return %c0_i32, %c0_i32_0 : i32, i32
  }
  func.func @transform_3(%arg0: i32) -> (i32, i32) {
    %c0_i32 = arith.constant 0 : i32
    %c0_i32_0 = arith.constant 0 : i32
    %c0_i32_1 = arith.constant 0 : i32
    return %c0_i32, %c0_i32_0 : i32, i32
  }
  func.func @transform_4(%arg0: i32) -> (i32, i32) {
    %c0_i32 = arith.constant 0 : i32
    %c0_i32_0 = arith.constant 0 : i32
    %c0_i32_1 = arith.constant 0 : i32
    return %c0_i32, %c0_i32_0 : i32, i32
  }
  func.func @transform_5(%arg0: i32) -> (i32, i32) {
    %c0_i32 = arith.constant 0 : i32
    %c0_i32_0 = arith.constant 0 : i32
    return %arg0, %c0_i32 : i32, i32
  }
}

</mosaic_0001>

<sc_bundles>
// kernel: kernel.5.cloned.1.call-start
scs
__scs_entry_jumppad:
0x0: {  	(pc) =	sbr.rel $0x88, $3  }
0x1: {  	(tag) =	ssettag $0x0;
	lr =	simm.s32 $0x1  }
0x2: {  	[smem:$0x3F9C] =	sst lr;
	_ =	strace $0xD0000000  }
0x3: {  	_ = 	snop  }
0x4: {  	_ = 	snop  }
0x5: {  	_ = 	snop  }
0x6: {  	_ = 	snop  }
0x7: {  	_ = 	snop  }
__scs_overlays_trampoline_lowered:
0x8: {  	[smem:$0x3FAB] =	sst s0  }
0x9: {  	[smem:$0x3FAC] =	sst s1  }
0xa: {  	[smem:$0x3FAD] =	sst s2  }
0xb: {  	[smem:$0x3FAE] =	sst s3  }
0xc: {  	[smem:$0x3FAF] =	sst s4  }
0xd: {  	[smem:$0x3FB0] =	sst s5  }
0xe: {  	[smem:$0x3FB1] =	sst s6  }
0xf: {  	[smem:$0x3FB2] =	sst s7  }
0x10: {  	[smem:$0x3FB3] =	sst s8  }
0x11: {  	[smem:$0x3FB4] =	sst s9;
	s0 =	simm.s32 @!p0 $0x0  }
0x12: {  	s1 =	sld [smem:$0x3F9A];
	s0 =	simm.s32 @p0 $0x1  }
0x13: {  	[smem:$0x3FB5] =	sst s0;
	s0 =	simm.s32 @!p1 $0x0  }
0x14: {  	s2 =	sld [smem:$0x3F99];
	s0 =	simm.s32 @p1 $0x1  }
0x15: {  	[smem:$0x3FB6] =	sst s0;
	s0 =	simm.s32 @!p2 $0x0  }
0x16: {  	s3 =	sld [smem:$0x3FDB];
	s0 =	simm.s32 @p2 $0x1  }
0x17: {  	s4 =	simm.s32 $0x1BF5;
	[smem:$0x3FB8] =	sst s0  }
0x18: {  	s0 =	sld [smem:$0x3F9B];
	_ =	swait.ge [sflag:s4], $0x0  }
0x19: {  	s7 =	sld [smem:$0x3F9C]  }
0x1a: {  	s8 =	sadd.s32 $0xFFFFE003, lr  }
0x1b: {  	s9 =	sadd.s32 $0xFFFFFEF7, lr;
	s5 =	simm.s32 $0xFFFFFFFF;
	p2 =	slt.u32 s8, $0xFFFFF086  }
0x1c: {  	p1 =	slt.u32 s9, $0xF7A;
	s5 =	simm.s32 @!p2 $0x0  }
0x1d: {  	s5 =	simm.s32 @p1 $0x1;
	p0 =	seq.s32 s7, s2  }
0x1e: {  	s7 =	smul.u32 @!p0 $0xF7A, s2;
	p2 =	seq.s32 @!p0 s5, $0x0  }
0x1f: {  	s9 =	smul.u32 $0xF7A, s1;
	s8 =	simm.s32 @!p0 $0x1BF5;
	p2 =	por !p2, p0  }
0x20: {  	[sflag:s8] =	ssyncset.s32 @!p0 $0xFFFFF086;
	s6 =	sadd.s32 @!p0 s3, s7;
	s7 =	simm.s32 @!p0 $0x108  }
0x21: {  	s3 =	sadd.s32 s3, s9;
	s6 =	sadd.s32 @!p0 $0x88, s6;
	s7 =	simm.s32 @p2 $0x1082  }
0x22: {  	[simem:s7], [sflag:s8] =	dma.local @!p0 [hbm:s6], $0xF7A  }
0x23: {  	s9 =	sor.u32 $0xD0000000, s2;
	s6 =	simm.s32 $0x108;
	_ =	swait.ge @!p0 [sflag:s8], $0x0  }
0x24: {  	s3 =	sadd.s32 $0x88, s3;
	s6 =	simm.s32 @!p1 $0x1082;
	[sflag:s4] =	ssyncset.s32 $0xFFFFF086  }
0x25: {  	[simem:s6], [sflag:s4] =	dma.local [hbm:s3], $0xF7A  }
0x26: {  	[smem:$0x3F9C] =	sst s1;
	(tag) =	ssettag s2;
	_ =	strace s9  }
0x27: {  	s1 =	sld [smem:$0x3FAC]  }
0x28: {  	s2 =	sld [smem:$0x3FAD]  }
0x29: {  	s4 =	sld [smem:$0x3FAF]  }
0x2a: {  	p0 =	seq.s32 s5, $0x0;
	s5 =	sld [smem:$0x3FB0]  }
0x2b: {  	s6 =	sld [smem:$0x3FB1]  }
0x2c: {  	s7 =	sld [smem:$0x3FB2]  }
0x2d: {  	s3 =	simm.s32 $0x108;
	s8 =	sld [smem:$0x3FB3]  }
0x2e: {  	s3 =	simm.s32 @!p0 $0x1082;
	s9 =	sld [smem:$0x3FB4]  }
0x2f: {  	lr =	sadd.s32 s0, s3;
	s0 =	sld [smem:$0x3FAB]  }
0x30: {  	s3 =	sld [smem:$0x3FAE]  }
0x31: {  	[smem:$0x3FB7] =	sst s10  }
0x32: {  	s10 =	sld [smem:$0x3FB5];
	_ =	sdelay $0x3  }
0x33: {  	p0 =	seq.s32 s10, $0x1;
	s10 =	sld [smem:$0x3FB7];
	_ =	sdelay $0x3  }
0x34: {  	[smem:$0x3FB7] =	sst s10  }
0x35: {  	s10 =	sld [smem:$0x3FB6];
	_ =	sdelay $0x3  }
0x36: {  	p1 =	seq.s32 s10, $0x1;
	s10 =	sld [smem:$0x3FB7];
	_ =	sdelay $0x3  }
0x37: {  	[smem:$0x3FB7] =	sst s10  }
0x38: {  	s10 =	sld [smem:$0x3FB8]  }
0x39: {  	_ = 	snop;
	(pc) =	sbr.ind lr, $3  }
0x3a: {  	_ = 	snop  }
0x3b: {  	_ = 	snop  }
0x3c: {  	p2 =	seq.s32 s10, $0x1;
	s10 =	sld [smem:$0x3FB7]  }
0x3d: {  	_ =	shalt  }
0x3e: {  	_ =	shalt  }
0x3f: {  	_ =	shalt  }
0x40: {  	_ =	shalt  }
0x41: {  	_ =	shalt  }
0x42: {  	_ =	shalt  }
0x43: {  	_ =	shalt  }
0x44: {  	_ =	shalt  }
0x45: {  	_ =	shalt  }
0x46: {  	_ =	shalt  }
0x47: {  	_ =	shalt  }
0x48: {  	_ =	shalt  }
0x49: {  	_ =	shalt  }
0x4a: {  	_ =	shalt  }
0x4b: {  	_ =	shalt  }
0x4c: {  	_ =	shalt  }
0x4d: {  	_ =	shalt  }
0x4e: {  	_ =	shalt  }
0x4f: {  	_ =	shalt  }
0x50: {  	_ =	shalt  }
0x51: {  	_ =	shalt  }
0x52: {  	_ =	shalt  }
0x53: {  	_ =	shalt  }
0x54: {  	_ =	shalt  }
0x55: {  	_ =	shalt  }
0x56: {  	_ =	shalt  }
0x57: {  	_ =	shalt  }
0x58: {  	_ =	shalt  }
0x59: {  	_ =	shalt  }
0x5a: {  	_ =	shalt  }
0x5b: {  	_ =	shalt  }
0x5c: {  	_ =	shalt  }
0x5d: {  	_ =	shalt  }
0x5e: {  	_ =	shalt  }
0x5f: {  	_ =	shalt  }
0x60: {  	_ =	shalt  }
0x61: {  	_ =	shalt  }
0x62: {  	_ =	shalt  }
0x63: {  	_ =	shalt  }
0x64: {  	_ =	shalt  }
0x65: {  	_ =	shalt  }
0x66: {  	_ =	shalt  }
0x67: {  	_ =	shalt  }
0x68: {  	_ =	shalt  }
0x69: {  	_ =	shalt  }
0x6a: {  	_ =	shalt  }
0x6b: {  	_ =	shalt  }
0x6c: {  	_ =	shalt  }
0x6d: {  	_ =	shalt  }
0x6e: {  	_ =	shalt  }
0x6f: {  	_ =	shalt  }
0x70: {  	_ =	shalt  }
0x71: {  	_ =	shalt  }
0x72: {  	_ =	shalt  }
0x73: {  	_ =	shalt  }
0x74: {  	_ =	shalt  }
0x75: {  	_ =	shalt  }
0x76: {  	_ =	shalt  }
0x77: {  	_ =	shalt  }
0x78: {  	_ =	shalt  }
0x79: {  	_ =	shalt  }
0x7a: {  	_ =	shalt  }
0x7b: {  	_ =	shalt  }
0x7c: {  	_ =	shalt  }
0x7d: {  	_ =	shalt  }
0x7e: {  	_ =	shalt  }
0x7f: {  	_ =	shalt  }
0x80: {  	_ =	shalt  }
0x81: {  	_ =	shalt  }
0x82: {  	_ =	shalt  }
0x83: {  	_ =	shalt  }
0x84: {  	_ =	shalt  }
0x85: {  	_ =	shalt  }
0x86: {  	_ =	shalt  }
0x87: {  	_ =	shalt  }
.Lfunc_end0:
.L_simem_size_0:
called_computation_lowered:
.L_overlay_start_0:
0x88: {  	s2 =	sld [smem:$0x3FD9]  }
0x89: {  	s3 =	sld [smem:$0x3FFE];
	_ =	sdelay $0x1  }
0x8a: {  	s1 =	srdreg.scid  }
0x8b: {  	s0 =	sand.u32 $0x1, s1  }
0x8c: {  	s17 =	sshll.u32 s0, $0xA;
	s2 =	sadd.s32 s3, s2  }
0x8d: {  	s2 =	sadd.s32 s2, s17  }
0x8e: {  	[smem:$0x3FC3] =	sst s2  }
0x8f: {  	_ = 	snop  }
0x90: {  	s2 =	sld [smem:$0x3FD0];
	(tm) =	ssettm $0x1  }
0x91: {  	s18 =	sld [smem:$0x3FFB];
	_ =	sdelay $0x3  }
0x92: {  	_ =	strace s18  }
0x93: {  	s3 =	sld [smem:$0x3FFC];
	_ =	sdelay $0x3  }
0x94: {  	_ =	strace s3  }
0x95: {  	s3 =	sld [smem:$0x3FFD];
	_ =	sdelay $0x3  }
0x96: {  	_ =	strace s3  }
0x97: {  	_ =	strace $0x8FFFFFFF  }
0x98: {  	s19 =	sld [smem:$0x3FDB];
	_ =	sdelay $0x1  }
0x99: {  	s4 =	simm.s32 $_scs_section_size  }
0x9a: {  	s5 =	simm.s32 $_size__tile_overlayer_lowered;
	s6 =	simm.s32 $_tile_overlayer_lowered  }
0x9b: {  	s22 =	simm.s32 $0x1BFF;
	s21 =	sshll.u32 s6, $0x1;
	s3 =	sadd.s32 s4, s19  }
0x9c: {  	s7 =	simm.s32 $0x0;
	s20 =	sshll.u32 s5, $0x1;
	s5 =	sadd.s32 s21, s3  }
0x9d: {  	[timem:s7], [sflag:s22] =	dma.local [hbm:s5], s20  }
0x9e: {  	_ =	swait.ge [sflag:s22], s20  }
0x9f: {  	s4 =	ssub.s32 $0x0, s20;
	[sflag:s22] =	ssyncset.done $0x0  }
0xa0: {  	[sflag:s22] =	ssyncadd.s32 s4;
	_ =	sdelay $0x1  }
0xa1: {  	s23 =	simm.s32 $0x1B8B  }
0xa2: {  	_ =	swait.ge [sflag:s23], $0x1  }
0xa3: {  	[sflag:s23] =	ssyncset.done $0x0  }
0xa4: {  	s25 =	simm.s32 $0x1B8E;
	s24 =	sld [smem:$0x3FFE];
	[sflag:s23] =	ssyncadd.s32 $0xFFFFFFFF  }
0xa5: {  	s26 =	simm.s32 $execute0_lowered;
	[smem:$0x3FD2] =	sst s25  }
0xa6: {  	s5 =	sshll.u32 s26, $0x1;
	_ =	strace $0x80000046;
	[dreg:$0x1] =	wrdreg $0xFFFFFFFF  }
0xa7: {  	s28 =	simm.s32 $_size_execute0_lowered;
	s3 =	sadd.s32 s3, s5;
	[dreg:$0x0] =	wrdreg $0x0  }
0xa8: {  	s5 =	sshll.u32 s28, $0x1;
	[dreg:$0x2] =	wrdreg s3  }
0xa9: {  	[dreg:$0x3] =	wrdreg s5  }
0xaa: {  	[dreg:$0x4] =	wrdreg $0xC0  }
0xab: {  	_ =	task [dreg:s7], $0x5FFFF  }
0xac: {  	[dreg:$0x1] =	wrdreg $0xFFFFFFFF  }
0xad: {  	[dreg:$0x0] =	wrdreg $0x60  }
0xae: {  	[dreg:$0x2] =	wrdreg s24  }
0xaf: {  	[dreg:$0x3] =	wrdreg s2  }
0xb0: {  	[dreg:$0x4] =	wrdreg $0x9  }
0xb1: {  	_ =	task.clear_ibuf [dreg:s7], $0x5FFFF;
	_ =	strace $0x90000046  }
0xb2: {  	s29 =	simm.s32 $0x9;
	_ =	strace $0x80000048  }
0xb3: {  	_ =	swait.ge [sflag:s29], $0x1  }
0xb4: {  	[sflag:s29] =	ssyncadd.s32 $0xFFFFFFFF  }
0xb5: {  	_ =	strace $0x90000048  }
0xb6: {  	_ =	sfence  }
0xb7: {  	s30 =	sld [smem:$0x0];
	_ =	sdelay $0x2  }
0xb8: {  	s31 =	sshll.u32 s1, $0xD;
	s1 =	sshrl.u32 s1, $0x2  }
0xb9: {  	s3 =	sand.u32 $0x4000, s31;
	s1 =	sadd.s32 s1, s30  }
0xba: {  	s0 =	sor.u32 s3, s0;
	s1 =	sshll.u32 s1, $0x11  }
0xbb: {  	s0 =	sor.u32 s1, s0  }
0xbc: {  	s0 =	sadd.s32 $0x8F2B, s0  }
0xbd: {  	[sflag:s0] =	ssyncadd.remote.s32 $0x1  }
0xbe: {  	_ =	sfence.sel $0xFFFF  }
0xbf: {  	[dreg:$0x0] =	wrdreg $0xFFFFFFFF;
	(pc) =	sbr.abs _section_cstart, $3  }
0xc0: {  	[dreg:$0x1] =	wrdreg $0xFFFFFFFF  }
0xc1: {  	_ =	task.clear_ibuf [dreg:s7], $0x2FFFF;
	_ =	strace $0x9FFFFFFF  }
0xc2: {  	(tm) =	ssettm $0x7FFFFFFF  }
0xc3: {  	_ =	shalt  }
tec
execute0_lowered:
.L_overlay_start_1:
0x0: {  	(tag) =	ssettag $0x1  }
0x1: {  	s0 =	rddreg [dreg:$0x0]  }
0x2: {  	s1 =	rddreg [dreg:$0x1]  }
0x3: {  	s5 =	simm.s32 $0x0;
	s2 =	srdreg.scid;
	s3 =	stileid.u32  }
0x4: {  	s15 =	simm.s32 $0x1;
	s17 =	simm.s32 $0x1B380;
	s18 =	simm.s32 $0xD080  }
0x5: {  	s19 =	simm.s32 $0x11100;
	s20 =	simm.s32 $0x15180;
	s21 =	simm.s32 $0x2  }
0x6: {  	[smem:$0x7FF] =	sst s5;
	s2 =	sand.u32 $0x1, s2;
	s4 =	sshll.u32 s3, $0x1  }
0x7: {  	s3 =	sadd.s32 $0x10200, s0;
	s26 =	sadd.s32 $0xB200, s0;
	s28 =	sadd.s32 $0x6200, s0  }
0x8: {  	s29 =	sadd.s32 $0x1200, s0;
	s0 =	sadd.s32 $0x1000, s0;
	s6 =	sor.u32 s2, s4  }
0x9: {  	_ =	strace $0x80000047;
	[dreg:$0x3] =	wrdreg s26;
	s9 =	smul.u32 $0x1400, s6  }
.Ltmp0:
0xa: {  	s2 =	ssub.s32 $0x2, s2;
	[dreg:$0x4] =	wrdreg s28;
	(pc) =	sbr.rel .LBB2_1-.Ltmp0, $4  }
0xb: {  	[dreg:$0x5] =	wrdreg s29;
	s7 =	smul.u32 $0x140, s6;
	s8 =	sshrl.u32 s2, $0x1  }
0xc: {  	v2 =	vimm.s32 $0x7F807F80;
	v3 =	vimm.s32 $0x0;
	[dreg:$0x6] =	wrdreg s0;
	s30 =	ssub.s32 s2, s8;
	s1 =	sadd.s32 s1, s9  }
0xd: {  	v4 =	vlaneseq.u32;
	v5 =	vimm.s32 $0xF;
	v6 =	vimm.s32 $0x140;
	s31 =	sadd.s32 $0x140, s7;
	s0 =	smax.u32 s30, $0x1;
	[dreg:$0x7] =	wrdreg s1  }
0xe: {  	v7 =	vimm.f32 $0.0e+00;
	s4 =	simm.s32 $0x4;
	v0 =	vmov s7;
	[dreg:$0x8] =	wrdreg s0;
	v1 =	vmov s31;
	s1 =	simm.s32 $0x0  }
.LBB2_36:
0xf: {  	s0 =	rddreg [dreg:$0x7];
	s4 =	simm.s32 $0x4  }
0x10: {  	[hbm4b:s0+s5] =	stream.linear.scatter [tilespmem:s5], [sflag:$0x4], $0xA000, $0x38;
	[tilespmem:$0x1B480] =	vst v63  }
0x11: {  	_ =	swait.ge [sflag:s4], $0xA000  }
0x12: {  	s1 =	sadd.s32 $0x1, s1;
	s31 =	rddreg [dreg:$0x8]  }
0x13: {  	p0 =	sne.s32 s1, s31  }
.Ltmp1:
0x14: {  	_ = 	snop;
	(pc) =	sbr.rel @!p0 .LBB2_37-.Ltmp1, $3  }
0x15: {  	_ =	sdelay $0x1  }
0x16: {  	[sflag:s4] =	ssyncset.done $0x0  }
0x17: {  	[sflag:s4] =	ssyncadd.s32 $0xFFFF6000  }
.LBB2_1:
0x18: {  	[dreg:$0x9] =	wrdreg s1  }
0x19: {  	s0 =	rddreg [dreg:$0x6];
	s31 =	simm.s32 $0x1B200  }
0x1a: {  	[tilespmem:s31], [sflag:$0x4] =	stream.linear.gather [hbm4b:s0+s5], $0x80, $0x38;
	[tilespmem:$0x1B480] =	vst v63  }
0x1b: {  	_ =	swait.ge [sflag:s4], $0x80  }
0x1c: {  	[sflag:s4] =	ssyncset.done $0x0  }
0x1d: {  	s1 =	simm.s32 $0x200;
	s0 =	simm.s32 $0x0;
	[sflag:s4] =	ssyncadd.s32 $0xFFFFFF80  }
.LBB2_2:
0x1e: {  	p0 =	sne.s32 s1, $0x28000;
	[tilespmem:s0+$0x70] =	vst v2  }
0x1f: {  	[tilespmem:s0+$0x0] =	vst v2  }
0x20: {  	[tilespmem:s0+$0x10] =	vst v2  }
.Ltmp2:
0x21: {  	[tilespmem:s0+$0x20] =	vst v2;
	(pc) =	sbr.rel @p0 .LBB2_2-.Ltmp2, $4  }
0x22: {  	[tilespmem:s0+$0x30] =	vst v2  }
0x23: {  	[tilespmem:s0+$0x40] =	vst v2  }
0x24: {  	[tilespmem:s0+$0x50] =	vst v2  }
0x25: {  	[tilespmem:s0+$0x60] =	vst v2;
	s0 =	sshra.s32 s1, $0x2;
	s1 =	sadd.s32 $0x200, s1  }
0x26: {  	[tilespmem:s0+$0x70] =	vst v2  }
0x27: {  	[tilespmem:s0+$0x0] =	vst v2  }
0x28: {  	[tilespmem:s0+$0x10] =	vst v2  }
0x29: {  	[tilespmem:s0+$0x20] =	vst v2  }
0x2a: {  	[tilespmem:s0+$0x30] =	vst v2  }
0x2b: {  	[tilespmem:s0+$0x40] =	vst v2  }
0x2c: {  	[tilespmem:s0+$0x50] =	vst v2  }
0x2d: {  	[tilespmem:s0+$0x60] =	vst v2;
	s2 =	simm.s32 $0x0;
	s26 =	rddreg [dreg:$0x4];
	s1 =	simm.s32 $0xA080  }
0x2e: {  	[tilespmem:s1], [sflag:$0x3] =	stream.linear.gather [hbm4b:s26+s2], $0x800, $0x38;
	[tilespmem:$0x1B480] =	vst v63  }
.Ltmp3:
0x2f: {  	s28 =	rddreg [dreg:$0x3];
	(pc) =	sbr.rel .LBB2_4-.Ltmp3, $4  }
0x30: {  	s29 =	simm.s32 $0xB080;
	s30 =	rddreg [dreg:$0x5]  }
0x31: {  	[tilespmem:s29], [sflag:$0x3] =	stream.linear.gather [hbm4b:s28+s2], $0x800, $0x38;
	[tilespmem:$0x1B480] =	vst v63  }
0x32: {  	s31 =	simm.s32 $0xC080;
	p0 =	por $0x0, $0x0;
	s26 =	simm.s32 $0x0  }
0x33: {  	v8 =	vimm.s32 $0x0;
	[tilespmem:s31], [sflag:$0x3] =	stream.linear.gather [hbm4b:s30+s2], $0x800, $0x38;
	[tilespmem:$0x1B480] =	vst v63  }
.LBB2_31:
0x34: {  	p1 =	slt.s32 s28, $0x1;
	s0 =	sshll.u32 s28, $0x5  }
0x35: {  	v8 =	vld @!p1 [tilespmem:s0+$0xD080];
	_ =	sdelay $0x4  }
0x36: {  	[tilespmem:$0xD080] =	vst @!p1 v8  }
0x37: {  	v8 =	vld @!p1 [tilespmem:s0+$0x11100];
	_ =	sdelay $0x4  }
0x38: {  	[tilespmem:$0x11100] =	vst @!p1 v8  }
0x39: {  	v8 =	vld @!p1 [tilespmem:s0+$0x15180];
	_ =	sdelay $0x4  }
0x3a: {  	[tilespmem:$0x15180] =	vst @!p1 v8  }
0x3b: {  	v8 =	vld @!p1 [tilespmem:s0+$0xD090];
	_ =	sdelay $0x4  }
0x3c: {  	[tilespmem:$0xD090] =	vst @!p1 v8  }
0x3d: {  	v8 =	vld @!p1 [tilespmem:s0+$0x11110];
	_ =	sdelay $0x4  }
0x3e: {  	[tilespmem:$0x11110] =	vst @!p1 v8  }
0x3f: {  	p2 =	sne.s32 s26, $0x4F;
	v8 =	vld @!p1 [tilespmem:s0+$0x15190]  }
.Ltmp4:
0x40: {  	_ = 	snop;
	(pc) =	sbr.rel @!p2 .LBB2_32-.Ltmp4, $3  }
0x41: {  	_ =	sdelay $0x1  }
0x42: {  	s0 =	ssub.s32 s29, s0  }
0x43: {  	p0 =	por !p0, !p0;
	[tilespmem:$0x15190] =	vst @!p1 v8;
	v8 =	vmov s0  }
.LBB2_4:
0x44: {  	s1 =	simm.s32 $0x3  }
0x45: {  	_ =	swait.ge [sflag:s1], $0x800  }
0x46: {  	[sflag:s1] =	ssyncset.done $0x0  }
0x47: {  	[sflag:s1] =	ssyncadd.s32 $0xFFFFF800  }
0x48: {  	_ =	swait.ge [sflag:s1], $0x800  }
0x49: {  	s28 =	smov.u32 s26;
	[sflag:s1] =	ssyncset.done $0x0  }
0x4a: {  	s0 =	sshll.u32 s26, $0xB;
	s26 =	sadd.s32 $0x1, s26;
	[sflag:s1] =	ssyncadd.s32 $0xFFFFF800  }
0x4b: {  	p1 =	seq.s32 s28, $0x4E;
	s29 =	sand.u32 $0x800, s0;
	_ =	swait.ge [sflag:s1], $0x800  }
0x4c: {  	s0 =	sshll.u32 @!p1 s26, $0x8;
	[sflag:s1] =	ssyncset.done $0x0;
	s2 =	rddreg [dreg:$0x4]  }
0x4d: {  	s7 =	simm.s32 @!p1 $0x0;
	s4 =	rddreg [dreg:$0x3];
	[sflag:s1] =	ssyncadd.s32 $0xFFFFF800  }
0x4e: {  	s1 =	ssub.s32 @!p1 $0xA880, s29;
	s2 =	sadd.s32 @!p1 s2, s0;
	s8 =	sadd.s32 @!p1 s4, s0  }
0x4f: {  	[tilespmem:s1], [sflag:$0x3] =	stream.linear.gather @!p1 [hbm4b:s2+s7], $0x800, $0x38;
	[tilespmem:$0x1B480] =	vst v63  }
0x50: {  	s4 =	rddreg [dreg:$0x5];
	s1 =	simm.s32 $0x1;
	s2 =	ssub.s32 @!p1 $0xB880, s29  }
0x51: {  	[tilespmem:s2], [sflag:$0x3] =	stream.linear.gather @!p1 [hbm4b:s8+s7], $0x800, $0x38;
	[tilespmem:$0x1B480] =	vst v63  }
0x52: {  	s0 =	sadd.s32 @!p1 s4, s0;
	s1 =	simm.s32 @!p0 $0x0;
	s2 =	ssub.s32 @!p1 $0xC880, s29  }
0x53: {  	[tilespmem:s2], [sflag:$0x3] =	stream.linear.gather @!p1 [hbm4b:s0+s7], $0x800, $0x38;
	[tilespmem:$0x1B480] =	vst v63  }
0x54: {  	s9 =	simm.s32 $0x1;
	s7 =	sshll.u32 s1, $0xB  }
0x55: {  	s10 =	simm.s32 $0x2;
	s11 =	simm.s32 $0x3;
	s13 =	sor.u32 $0xA0C0, s7  }
0x56: {  	s12 =	simm.s32 $0x4;
	s16 =	simm.s32 $0x6;
	s22 =	simm.s32 $0x7;
	v10 =	vmov s9;
	v11 =	vmov s10;
	v12 =	vmov s11;
	v16 =	vld [tilespmem:s13+$0x30]  }
0x57: {  	v13 =	vmov s12;
	v15 =	vmov s16;
	v21 =	vmov s22;
	s8 =	simm.s32 $0x0;
	v17 =	vld [tilespmem:s13+$0xFFFFFFD0]  }
0x58: {  	v10 =	vand.u32 $0xFFFFFFF9, v10;
	v11 =	vand.u32 $0xFFFFFFFA, v11;
	v9 =	vmov s8;
	v19 =	vld [tilespmem:s13+$0xFFFFFFE0]  }
0x59: {  	s14 =	simm.s32 $0x5;
	v18 =	vbroadcast v10, $0x0;
	v10 =	vand.u32 $0xFFFFFFFC, v13;
	v9 =	vand.u32 $0xFFFFFFF8, v9;
	v13 =	vld [tilespmem:s13+$0xFFFFFFF0]  }
0x5a: {  	v12 =	vand.u32 $0xFFFFFFFB, v12;
	v14 =	vbroadcast v9, $0x0;
	v9 =	vmov s14;
	v20 =	vld [tilespmem:s13+$0x0]  }
0x5b: {  	v11 =	vbroadcast v11, $0x0;
	v12 =	vbroadcast v12, $0x0;
	v9 =	vand.u32 $0xFFFFFFFD, v9;
	v23 =	vld [tilespmem:s13+$0x10]  }
0x5c: {  	v15 =	vand.u32 $0xFFFFFFFE, v15;
	v22 =	vbroadcast v10, $0x0;
	v10 =	vbroadcast v9, $0x0  }
0x5d: {  	v9 =	vbroadcast v15, $0x0;
	vm0 =	vge.s32 v16, v0;
	vm1 =	vlt.s32 v16, v1  }
0x5e: {  	v15 =	vld [tilespmem:s13+$0xFFFFFFC0];
	vm2 =	vge.s32 v17, v0;
	vm3 =	vlt.s32 v17, v1;
	vm14 =	vge.s32 v19, v0  }
0x5f: {  	vm4 =	vlt.s32 v19, v1;
	vm9 =	vge.s32 v13, v0;
	vm10 =	vlt.s32 v13, v1  }
0x60: {  	s24 =	simm.s32 $0xA;
	s25 =	simm.s32 $0xB;
	vm11 =	vge.s32 v20, v0;
	vm5 =	vlt.s32 v20, v1;
	vm12 =	vge.s32 v23, v0  }
0x61: {  	vm6 =	vlt.s32 v23, v1;
	v19 =	vmov s24;
	v20 =	vmov s25  }
0x62: {  	v16 =	vld [tilespmem:s13+$0x20];
	vm0 =	vmand vm0, vm1;
	vm15 =	vmand vm2, vm3;
	vm1 =	vmand vm14, vm4  }
0x63: {  	vm13 =	vge.s32 v15, v0;
	vm7 =	vlt.s32 v15, v1;
	v17 =	vmpcnt.ones.xlane vm0  }
0x64: {  	s0 =	simm.s32 $0x1B280;
	vm4 =	vmand vm11, vm5;
	vm5 =	vmand vm13, vm7;
	v13 =	vmpcnt.ones.xlane vm15  }
0x65: {  	vm2 =	vmand vm9, vm10;
	v23 =	vmpcnt.ones.xlane vm4;
	v15 =	vmpcnt.ones.xlane vm5;
	[tilespmem:v21+s0+$0x0] =	vst.idx.msk $0x1, v17  }
0x66: {  	s30 =	simm.s32 $0xD;
	vm3 =	vmand vm12, vm6;
	v17 =	vmpcnt.ones.xlane vm1;
	[tilespmem:v18+s0+$0x0] =	vst.idx.msk $0x1, v13;
	v18 =	vmpcnt.ones.xlane vm2  }
0x67: {  	s1 =	simm.s32 $0x8;
	v21 =	vmov s30;
	[tilespmem:v22+s0+$0x0] =	vst.idx.msk $0x1, v23;
	vm14 =	vge.s32 v16, v0;
	vm15 =	vlt.s32 v16, v1  }
0x68: {  	s23 =	simm.s32 $0x9;
	s9 =	simm.s32 $0xC;
	v16 =	vmov s1;
	[tilespmem:v14+s0+$0x0] =	vst.idx.msk $0x1, v15;
	v14 =	vmpcnt.ones.xlane vm3;
	vm0 =	vmand vm14, vm15  }
0x69: {  	s31 =	simm.s32 $0xE;
	s2 =	sadd.s32 $0x80, s13;
	v15 =	vand.u32 $0xFFFFFFF8, v16;
	v16 =	vmov s23;
	[tilespmem:v11+s0+$0x0] =	vst.idx.msk $0x1, v17;
	v17 =	vmov s9  }
0x6a: {  	s7 =	simm.s32 $0x10;
	[tilespmem:v12+s0+$0x0] =	vst.idx.msk $0x1, v18;
	v18 =	vmov s31;
	v13 =	vmpcnt.ones.xlane vm0;
	v11 =	vbroadcast v15, $0x0;
	v15 =	vld [tilespmem:s2+$0x30]  }
.LBB2_5:
0x6b: {  	p2 =	slt.u32 s7, $0x78;
	v12 =	vld [tilespmem:s2+$0xFFFFFFD0];
	v16 =	vand.u32 $0xFFFFFFF9, v16;
	v19 =	vand.u32 $0xFFFFFFFA, v19;
	v20 =	vand.u32 $0xFFFFFFFB, v20;
	[tilespmem:v10+s0+$0x0] =	vst.idx.msk $0x1, v14  }
0x6c: {  	v10 =	vand.u32 $0xFFFFFFFC, v17;
	v17 =	vand.u32 $0xFFFFFFFD, v21;
	v14 =	vbroadcast v16, $0x0;
	v16 =	vld [tilespmem:s2+$0xFFFFFFE0];
	[tilespmem:v9+s0+$0x0] =	vst.idx.msk $0x1, v13  }
0x6d: {  	s8 =	sadd.s32 $0x7, s1;
	s1 =	smov.u32 s7;
	v19 =	vbroadcast v19, $0x0;
	v21 =	vbroadcast v20, $0x0;
	v9 =	vand.u32 $0xFFFFFFFE, v18;
	v13 =	vld [tilespmem:s2+$0xFFFFFFF0]  }
0x6e: {  	v22 =	vbroadcast v10, $0x0;
	v10 =	vbroadcast v17, $0x0;
	v17 =	vmov s8;
	v18 =	vld [tilespmem:s2+$0x0]  }
0x6f: {  	v9 =	vbroadcast v9, $0x0;
	v20 =	vld [tilespmem:s2+$0x10];
	vm0 =	vge.s32 v15, v0;
	vm1 =	vlt.s32 v15, v1  }
0x70: {  	vm2 =	vge.s32 v12, v0;
	vm3 =	vlt.s32 v12, v1;
	v12 =	vld [tilespmem:s2+$0x20];
	vm0 =	vmand vm0, vm1  }
0x71: {  	v15 =	vld [tilespmem:s2+$0xFFFFFFC0];
	vm1 =	vge.s32 v16, v0;
	vm4 =	vlt.s32 v16, v1;
	v16 =	vmpcnt.ones.xlane vm0  }
0x72: {  	vm0 =	vmand vm2, vm3;
	vm2 =	vge.s32 v13, v0;
	vm3 =	vlt.s32 v13, v1  }
0x73: {  	vm1 =	vmand vm1, vm4;
	vm4 =	vge.s32 v18, v0;
	vm5 =	vlt.s32 v18, v1;
	[tilespmem:v17+s0+$0x0] =	vst.idx.msk $0x1, v16  }
0x74: {  	vm2 =	vmand vm2, vm3;
	vm3 =	vge.s32 v20, v0;
	vm6 =	vlt.s32 v20, v1  }
0x75: {  	vm4 =	vmand vm4, vm5;
	vm5 =	vge.s32 v12, v0;
	vm7 =	vlt.s32 v12, v1  }
0x76: {  	vm3 =	vmand vm3, vm6;
	vm8 =	vge.s32 v15, v0;
	vm9 =	vlt.s32 v15, v1  }
0x77: {  	v12 =	vmpcnt.ones.xlane vm0;
	vm0 =	vmand vm5, vm7;
	vm6 =	vmand vm8, vm9  }
0x78: {  	v15 =	vmpcnt.ones.xlane vm1;
	v13 =	vmpcnt.ones.xlane vm6  }
.Ltmp5:
0x79: {  	v18 =	vmpcnt.ones.xlane vm2;
	v23 =	vmpcnt.ones.xlane vm4;
	[tilespmem:v14+s0+$0x0] =	vst.idx.msk $0x1, v12;
	(pc) =	sbr.rel @p2 .LBB2_5-.Ltmp5, $4  }
0x7a: {  	s8 =	sadd.s32 $0x1, s7;
	v12 =	vmov s7;
	v14 =	vmpcnt.ones.xlane vm3;
	[tilespmem:v11+s0+$0x0] =	vst.idx.msk $0x1, v13;
	v13 =	vmpcnt.ones.xlane vm0  }
0x7b: {  	s9 =	sadd.s32 $0x3, s7;
	s10 =	sadd.s32 $0x4, s7;
	v16 =	vmov s8;
	s8 =	sadd.s32 $0x2, s7;
	v11 =	vand.u32 $0xFFFFFFF8, v12;
	v12 =	vimm.s32 $0x0;
	[tilespmem:v19+s0+$0x0] =	vst.idx.msk $0x1, v15  }
0x7c: {  	s2 =	sadd.s32 $0x80, s2;
	v17 =	vmov s10;
	v20 =	vmov s9;
	s9 =	sadd.s32 $0x6, s7;
	v19 =	vmov s8;
	s8 =	sadd.s32 $0x5, s7;
	[tilespmem:v21+s0+$0x0] =	vst.idx.msk $0x1, v18  }
0x7d: {  	v11 =	vbroadcast v11, $0x0;
	s7 =	sadd.s32 $0x8, s7;
	v21 =	vmov s8;
	v18 =	vmov s9;
	v15 =	vld [tilespmem:s2+$0x30];
	[tilespmem:v22+s0+$0x0] =	vst.idx.msk $0x1, v23  }
0x7e: {  	v22 =	vld [tilespmem:s2+$0xFFFFFFD0]  }
0x7f: {  	v23 =	vld [tilespmem:s2+$0xFFFFFFE0]  }
0x80: {  	v16 =	vand.u32 $0xFFFFFFF9, v16;
	v19 =	vand.u32 $0xFFFFFFFA, v19;
	v20 =	vand.u32 $0xFFFFFFFB, v20;
	v24 =	vld [tilespmem:s2+$0xFFFFFFF0]  }
0x81: {  	v17 =	vand.u32 $0xFFFFFFFC, v17;
	v21 =	vand.u32 $0xFFFFFFFD, v21;
	v57 =	vld [tilespmem:s2+$0xFFFFFFC0];
	v16 =	vbroadcast v16, $0x0  }
0x82: {  	v18 =	vand.u32 $0xFFFFFFFE, v18;
	s1 =	sadd.s32 $0x7, s1;
	v25 =	vld [tilespmem:s2+$0x0];
	v19 =	vbroadcast v19, $0x0;
	v20 =	vbroadcast v20, $0x0  }
0x83: {  	v59 =	vld [tilespmem:s2+$0x10];
	v17 =	vbroadcast v17, $0x0;
	v21 =	vbroadcast v21, $0x0;
	v58 =	vmov s1  }
0x84: {  	v18 =	vbroadcast v18, $0x0;
	vm0 =	vge.s32 v15, v0;
	vm1 =	vlt.s32 v15, v1  }
0x85: {  	vm2 =	vge.s32 v22, v0;
	vm3 =	vlt.s32 v22, v1;
	vm0 =	vmand vm0, vm1  }
0x86: {  	vm1 =	vge.s32 v23, v0;
	vm4 =	vlt.s32 v23, v1;
	vm5 =	vlt.s32 v24, v1  }
0x87: {  	v60 =	vld [tilespmem:s2+$0x20];
	vm13 =	vge.s32 v57, v0;
	vm6 =	vlt.s32 v57, v1;
	vm14 =	vge.s32 v25, v0  }
0x88: {  	[tilespmem:v10+s0+$0x0] =	vst.idx.msk $0x1, v14;
	vm15 =	vlt.s32 v59, v1;
	vm2 =	vmand vm2, vm3;
	v10 =	vmpcnt.ones.xlane vm0  }
0x89: {  	[tilespmem:v9+s0+$0x0] =	vst.idx.msk $0x1, v13;
	s0 =	simm.s32 $0x1B280;
	vm3 =	vge.s32 v24, v0;
	vm1 =	vmand vm1, vm4;
	v9 =	vmpcnt.ones.xlane vm2  }
0x8a: {  	vm0 =	vmand vm13, vm6;
	vm2 =	vlt.s32 v25, v1;
	v61 =	vmpcnt.ones.xlane vm1;
	[tilespmem:v58+s0+$0x0] =	vst.idx.msk $0x1, v10  }
0x8b: {  	vm3 =	vmand vm3, vm5;
	v10 =	vmpcnt.ones.xlane vm0;
	vm0 =	vge.s32 v59, v0;
	[tilespmem:v16+s0+$0x0] =	vst.idx.msk $0x1, v9  }
0x8c: {  	vm1 =	vmand vm14, vm2;
	vm2 =	vge.s32 v60, v0;
	v9 =	vmpcnt.ones.xlane vm3;
	[tilespmem:v19+s0+$0x0] =	vst.idx.msk $0x1, v61  }
0x8d: {  	vm3 =	vlt.s32 v60, v1;
	vm0 =	vmand vm0, vm15;
	[tilespmem:v11+s0+$0x0] =	vst.idx.msk $0x1, v10;
	v10 =	vmpcnt.ones.xlane vm1  }
0x8e: {  	vm1 =	vmand vm2, vm3;
	v11 =	vmpcnt.ones.xlane vm0;
	[tilespmem:v20+s0+$0x0] =	vst.idx.msk $0x1, v9  }
0x8f: {  	v9 =	vmpcnt.ones.xlane vm1;
	[tilespmem:v17+s0+$0x0] =	vst.idx.msk $0x1, v10  }
0x90: {  	[tilespmem:v21+s0+$0x0] =	vst.idx.msk $0x1, v11  }
0x91: {  	[tilespmem:v18+s0+$0x0] =	vst.idx.msk $0x1, v9  }
0x92: {  	v9 =	vld [tilespmem:s0+$0x0];
	_ =	sdelay $0x4  }
0x93: {  	vm0 =	vgt.s32 v9, $0x0  }
0x94: {  	(xrf0) =	vadd.scan.msk.s32 $0xffff, v9;
	v10 =	vsel vm0, $0x1, v3  }
0x95: {  	(xrf0) =	vadd.scan.msk.s32 $0xffff, v10;
	_ =	sdelay $0x4  }
0x96: {  	v10, _, _ =	vpop (xrf0)  }
0x97: {  	p2 =	por $0x1, $0x1;
	v9 =	vsub.s32 v8, v9;
	v62, _, _ =	vpop (xrf0)  }
.Ltmp6:
0x98: {  	v11 =	vperm.xlane v10, v5;
	v9 =	vadd.s32 v10, v9;
	v10 =	vadd.s32 v62, v12;
	(pc) =	sbr.rel @!p2 .LBB2_8-.Ltmp6, $4  }
0x99: {  	v10 =	vadd.s32 $0xFFFFFFFF, v10  }
0x9a: {  	v63 =	vperm.xlane v62, v5  }
0x9b: {  	s31 =	simm.s32 $0x0  }
0x9c: {  	s1 =	simm.s32 $0x10;
	[tilespmem:s0+$0x0] =	vst v9;
	v8 =	vadd.s32 v8, v11;
	v11 =	vor.u32 s31, v4;
	v9 =	vadd.s32 v12, v63  }
.LBB2_7:
0x9d: {  	p2 =	sne.s32 s1, $0x70  }
0x9e: {  	[tilespmem:v10+s17+$0x0] =	vst.idx.msk vm0, v11;
	s0 =	sadd.s32 $0x10, s0;
	s2 =	smov.u32 s1;
	s1 =	sadd.s32 $0x10, s1  }
0x9f: {  	v10 =	vld [tilespmem:s0+$0x0];
	_ =	sdelay $0x4  }
0xa0: {  	vm0 =	vgt.s32 v10, $0x0;
	(xrf0) =	vadd.scan.msk.s32 $0xffff, v10  }
0xa1: {  	v11 =	vsel vm0, $0x1, v3  }
0xa2: {  	(xrf0) =	vadd.scan.msk.s32 $0xffff, v11;
	_ =	sdelay $0x3  }
0xa3: {  	v13 =	vsub.s32 v8, v10;
	v11, _, _ =	vpop (xrf0)  }
0xa4: {  	v12 =	vadd.s32 v11, v13;
	v11 =	vperm.xlane v11, v5  }
0xa5: {  	[tilespmem:s0+$0x0] =	vst v12;
	v10, _, _ =	vpop (xrf0)  }
0xa6: {  	v12 =	vadd.s32 v10, v9;
	v8 =	vadd.s32 v8, v11;
	v11 =	vperm.xlane v10, v5  }
.Ltmp7:
0xa7: {  	v10 =	vadd.s32 $0xFFFFFFFF, v12;
	(pc) =	sbr.rel @p2 .LBB2_7-.Ltmp7, $2  }
0xa8: {  	v9 =	vadd.s32 v9, v11;
	_ =	sdelay $0x2  }
0xa9: {  	v11 =	vor.u32 s2, v4  }
.LBB2_8:
0xaa: {  	(v2sf) =	vpush v9, $0x0;
	_ =	sdelay $0xe  }
0xab: {  	s0 =	spop (v2sf)  }
0xac: {  	s1 =	sadd.s32 $0x3, s0  }
0xad: {  	s2 =	sand.u32 $0x3, s1  }
0xae: {  	s30 =	sshra.s32 s1, $0x1F;
	p3 =	slt.s32 s1, $0x1;
	p2 =	sne.s32 s2, $0x0  }
0xaf: {  	s2 =	sshrl.u32 s30, $0x1E;
	p2 =	por !p3, !p2  }
0xb0: {  	s1 =	sadd.s32 s2, s1;
	s2 =	simm.s32 $0x1;
	p2 =	por !p2, !p2  }
0xb1: {  	s1 =	sshrl.u32 s1, $0x2;
	s2 =	simm.s32 @!p2 $0x0  }
0xb2: {  	s1 =	ssub.s32 s1, s2  }
0xb3: {  	s12 =	sshll.u32 s1, $0x2  }
0xb4: {  	p3 =	slt.s32 s12, $0x1  }
.Ltmp8:
0xb5: {  	_ = 	snop;
	(pc) =	sbr.rel @p3 .LBB2_20-.Ltmp8, $4  }
0xb6: {  	s31 =	sand.u32 $0x3, s0  }
0xb7: {  	p2 =	seq.s32 s31, $0x0  }
0xb8: {  	[tilespmem:v10+s17+$0x0] =	vst.idx.msk vm0, v11;
	v9 =	vimm.s32 @!p2 $0x0  }
0xb9: {  	[tilespmem:s0+$0x1B380] =	vst @!p2 v9  }
0xba: {  	s0 =	simm.s32 $0x1B382  }
0xbb: {  	v9 =	vld [tilespmem:s0+$0x1]  }
0xbc: {  	v10 =	vld [tilespmem:s0+$0xFFFFFFFF]  }
0xbd: {  	v11 =	vld [tilespmem:s0+$0x0]  }
0xbe: {  	p5 =	sgt.s32 s12, $0x4;
	v12 =	vld [tilespmem:s0+$0xFFFFFFFE]  }
.Ltmp9:
0xbf: {  	_ = 	snop;
	(pc) =	sbr.rel @!p5 .LBB2_10-.Ltmp9, $4  }
0xc0: {  	(v2sf) =	vpush v9, $0x0  }
0xc1: {  	(v2sf) =	vpush v10, $0x0  }
0xc2: {  	p2 =	por $0x0, $0x0;
	(v2sf) =	vpush v11, $0x0  }
0xc3: {  	p3 =	por $0x0, $0x0;
	p4 =	por $0x0, $0x0;
	s0 =	simm.s32 $0x1B386;
	(v2sf) =	vpush v12, $0x0  }
0xc4: {  	_ =	sdelay $0xa  }
0xc5: {  	s7 =	spop (v2sf)  }
0xc6: {  	v9 =	vld [tilespmem:s0+$0x1];
	s1 =	sshll.u32 s7, $0x4  }
0xc7: {  	v10 =	vld [tilespmem:s0+$0xFFFFFFFF];
	s8 =	sadd.s32 s29, s1  }
0xc8: {  	v11 =	vld [tilespmem:s0+$0x0];
	s2 =	spop (v2sf);
	s1 =	sand.u32 $0x70, s1;
	s8 =	sand.u32 $0xFFFFFF80, s8  }
0xc9: {  	v12 =	vld [tilespmem:s0+$0xFFFFFFFE];
	s9 =	spop (v2sf);
	s1 =	sor.u32 s1, s8  }
0xca: {  	s24 =	sshll.u32 s2, $0x4;
	s10 =	spop (v2sf);
	v18 =	vld [tilespmem:s1+$0xA080]  }
0xcb: {  	v14 =	vld [tilespmem:s2+$0x1B280];
	s25 =	sshll.u32 s9, $0x4;
	s14 =	sadd.s32 s29, s24;
	s11 =	sshll.u32 s10, $0x4  }
0xcc: {  	(v2sf) =	vpush v9, $0x0;
	v9 =	vld [tilespmem:s9+$0x1B280];
	s31 =	sand.u32 $0xFFFFFF80, s14;
	s8 =	sand.u32 $0x70, s24;
	s13 =	sadd.s32 s29, s11  }
0xcd: {  	v13 =	vld [tilespmem:s10+$0x1B280];
	s11 =	sand.u32 $0x70, s11;
	s2 =	sor.u32 s8, s31;
	s13 =	sand.u32 $0xFFFFFF80, s13  }
0xce: {  	s30 =	sadd.s32 s29, s25;
	v17 =	vld [tilespmem:s2+$0xA080];
	s13 =	sor.u32 s11, s13  }
0xcf: {  	s0 =	sand.u32 $0x70, s25;
	s10 =	sand.u32 $0xFFFFFF80, s30;
	v15 =	vld [tilespmem:s13+$0xA080];
	vm0 =	vge.s32 v18, v0;
	vm1 =	vlt.s32 v18, v1  }
0xd0: {  	(v2sf) =	vpush v10, $0x0;
	s14 =	sor.u32 s0, s10;
	vm12 =	vmand vm0, vm1  }
0xd1: {  	(v2sf) =	vpush v11, $0x0;
	v10 =	vld [tilespmem:s14+$0xA080];
	v11 =	vsel vm12, $0x1, v3  }
0xd2: {  	(v2sf) =	vpush v12, $0x0;
	v16 =	vperm.xlane v14, v3;
	(xrf0) =	vadd.scan.msk.s32 $0xffff, v11  }
0xd3: {  	p5 =	sgt.s32 s12, $0x8;
	v12 =	vperm.xlane v9, v3;
	v20 =	vperm.xlane v13, v3;
	vm4 =	vge.s32 v17, v0;
	v11 =	vld [tilespmem:s7+$0x1B280]  }
.Ltmp10:
0xd4: {  	vm5 =	vlt.s32 v17, v1;
	vm6 =	vge.s32 v15, v0;
	vm7 =	vlt.s32 v15, v1;
	(pc) =	sbr.rel @!p5 .LBB2_12-.Ltmp10, $4  }
0xd5: {  	v14 =	vsub.s32 v17, v0;
	vm10 =	vmand vm4, vm5;
	vm11 =	vmand vm6, vm7  }
0xd6: {  	vm6 =	vge.s32 v10, v0;
	vm7 =	vlt.s32 v10, v1;
	v13 =	vsel vm11, $0x1, v3  }
0xd7: {  	v9 =	vsub.s32 v15, v0;
	v15 =	vsel vm10, $0x1, v3;
	vm9 =	vmand vm6, vm7;
	(xrf0) =	vadd.scan.msk.s32 $0xffff, v13  }
0xd8: {  	p2 =	por $0x1, $0x1;
	s0 =	simm.s32 $0x1B38A;
	v29 =	vsel vm9, $0x1, v3;
	(xrf0) =	vadd.scan.msk.s32 $0xffff, v15;
	v32 =	vperm.xlane v11, v3;
	v11 =	vsub.s32 v10, v0;
	v34, _, _ =	vpop (xrf0)  }
0xd9: {  	_ =	sdelay $0x1  }
0xda: {  	v13 =	vadd.s32 v34, v32;
	s8 =	spop (v2sf)  }
0xdb: {  	v10 =	vld [tilespmem:s0+$0x1];
	v17 =	vadd.s32 $0xFFFFFFFF, v13;
	s7 =	sshll.u32 s8, $0x4  }
0xdc: {  	v15 =	vld [tilespmem:s0+$0xFFFFFFFF];
	s10 =	sadd.s32 s29, s7  }
0xdd: {  	v19 =	vld [tilespmem:s0+$0xFFFFFFFE];
	s7 =	sand.u32 $0x70, s7;
	s5 =	sand.u32 $0xFFFFFF80, s10  }
0xde: {  	v13 =	vld [tilespmem:s0+$0x0];
	s9 =	spop (v2sf);
	s7 =	sor.u32 s7, s5  }
0xdf: {  	(xrf0) =	vadd.scan.msk.s32 $0xffff, v29;
	v18 =	vsub.s32 v18, v0;
	s11 =	spop (v2sf);
	v35 =	vld [tilespmem:s7+$0xA080]  }
0xe0: {  	s16 =	sshll.u32 s9, $0x4;
	v23 =	vld [tilespmem:s9+$0x1B280];
	[tilespmem:v17+s18+$0x0] =	vst.idx.msk vm12, v18;
	s6 =	spop (v2sf);
	s23 =	sshll.u32 s11, $0x4  }
0xe1: {  	vm3 =	vmmov vm12;
	v22, _, _ =	vpop (xrf0);
	s24 =	sadd.s32 s29, s16;
	v18 =	vld [tilespmem:s1+$0xB080];
	s0 =	sand.u32 $0x70, s16;
	s10 =	sshll.u32 s6, $0x4  }
0xe2: {  	(v2sf) =	vpush v10, $0x0;
	v10 =	vadd.s32 v22, v20;
	v21 =	vld [tilespmem:s6+$0x1B280];
	s25 =	sadd.s32 s29, s23;
	s24 =	sand.u32 $0xFFFFFF80, s24;
	s31 =	sand.u32 $0x70, s23  }
0xe3: {  	v20, _, _ =	vpop (xrf0);
	v10 =	vadd.s32 $0xFFFFFFFF, v10;
	v22 =	vld [tilespmem:s11+$0x1B280];
	s22 =	sadd.s32 s29, s10;
	s9 =	sand.u32 $0xFFFFFF80, s25;
	s23 =	sor.u32 s0, s24  }
0xe4: {  	(v2sf) =	vpush v15, $0x0;
	v15 =	vadd.s32 v20, v16;
	s10 =	sand.u32 $0x70, s10;
	s22 =	sand.u32 $0xFFFFFF80, s22;
	s30 =	sor.u32 s31, s9;
	v25 =	vld [tilespmem:s23+$0xA080]  }
0xe5: {  	v16, _, _ =	vpop (xrf0);
	(v2sf) =	vpush v13, $0x0;
	v13 =	vadd.s32 $0xFFFFFFFF, v15;
	s22 =	sor.u32 s10, s22;
	v26 =	vld [tilespmem:s30+$0xA080]  }
0xe6: {  	vm6 =	vmmov vm11;
	v12 =	vadd.s32 v16, v12;
	vm2 =	vge.s32 v35, v0;
	v24 =	vld [tilespmem:s22+$0xA080]  }
0xe7: {  	v15 =	vadd.s32 $0xFFFFFFFF, v12;
	vm4 =	vlt.s32 v35, v1;
	[tilespmem:v17+s19+$0x0] =	vst.idx.msk vm3, v18;
	v20 =	vperm.xlane v21, v3;
	v21 =	vld [tilespmem:s8+$0x1B280]  }
0xe8: {  	vm0 =	vmmov vm10;
	vm1 =	vmmov vm9;
	[tilespmem:v10+s18+$0x0] =	vst.idx.msk vm11, v9;
	vm12 =	vmand vm2, vm4;
	v18 =	vld [tilespmem:s1+$0xC080]  }
0xe9: {  	(v2sf) =	vpush v19, $0x0;
	v12 =	vperm.xlane v22, v3;
	v22 =	vld [tilespmem:s13+$0xB080];
	v19 =	vsel vm12, $0x1, v3  }
0xea: {  	v16 =	vperm.xlane v23, v3;
	[tilespmem:v13+s18+$0x0] =	vst.idx.msk vm10, v14;
	(xrf0) =	vadd.scan.msk.s32 $0xffff, v19;
	v14 =	vsub.s32 v25, v0  }
0xeb: {  	p5 =	sgt.s32 s12, $0xC;
	vm2 =	vge.s32 v24, v0;
	vm4 =	vlt.s32 v24, v1;
	v9 =	vsub.s32 v24, v0  }
.Ltmp11:
0xec: {  	[tilespmem:v15+s18+$0x0] =	vst.idx.msk vm9, v11;
	vm11 =	vmand vm2, vm4;
	vm2 =	vge.s32 v25, v0;
	vm4 =	vlt.s32 v25, v1;
	(pc) =	sbr.rel @!p5 .LBB2_14-.Ltmp11, $4  }
0xed: {  	v32 =	vperm.xlane v21, v3;
	[tilespmem:v17+s20+$0x0] =	vst.idx.msk vm3, v18;
	v18 =	vimm.s32 $0x0;
	vm10 =	vmand vm2, vm4  }
0xee: {  	[tilespmem:v10+s19+$0x0] =	vst.idx.msk vm6, v22;
	vm2 =	vge.s32 v26, v0;
	vm4 =	vlt.s32 v26, v1;
	v11 =	vsel vm11, $0x1, v3  }
0xef: {  	v19 =	vld [tilespmem:s2+$0xB080];
	v18 =	vsel vm6, $0xFFFFFFFF, v18;
	v23 =	vsel vm10, $0x1, v3;
	vm9 =	vmand vm2, vm4;
	(xrf0) =	vadd.scan.msk.s32 $0xffff, v11  }
0xf0: {  	p3 =	por $0x1, $0x1;
	s0 =	simm.s32 $0x1B38E;
	v17 =	vld [tilespmem:s14+$0xB080];
	v11 =	vsub.s32 v26, v0;
	v34, _, _ =	vpop (xrf0);
	[tilespmem:$0x1FFF0] =	vst v18;
	v29 =	vsel vm9, $0x1, v3;
	(xrf0) =	vadd.scan.msk.s32 $0xffff, v23  }
0xf1: {  	[dreg:$0xb] =	wrdreg s28  }
0xf2: {  	[dreg:$0xa] =	wrdreg s26;
	v18 =	vadd.s32 v34, v32  }
0xf3: {  	s8 =	spop (v2sf);
	v21 =	vld [tilespmem:s0+$0x1];
	v24 =	vadd.s32 $0xFFFFFFFF, v18  }
0xf4: {  	v22 =	vld [tilespmem:s0+$0xFFFFFFFF];
	s1 =	sshll.u32 s8, $0x4  }
0xf5: {  	(xrf0) =	vadd.scan.msk.s32 $0xffff, v29;
	v25 =	vld [tilespmem:s0+$0x0];
	s10 =	sadd.s32 s29, s1  }
0xf6: {  	v26 =	vld [tilespmem:s0+$0xFFFFFFFE];
	s9 =	spop (v2sf);
	s1 =	sand.u32 $0x70, s1;
	s5 =	sand.u32 $0xFFFFFF80, s10;
	v23, _, _ =	vpop (xrf0)  }
0xf7: {  	v28 =	vsub.s32 v35, v0;
	s11 =	spop (v2sf);
	v30 =	vld [tilespmem:s9+$0x1B280];
	s1 =	sor.u32 s1, s5;
	v20 =	vadd.s32 v23, v20  }
0xf8: {  	vm13 =	vmmov vm12;
	v18 =	vld [tilespmem:s1+$0xA080];
	v29, _, _ =	vpop (xrf0);
	v23 =	vadd.s32 $0xFFFFFFFF, v20;
	[tilespmem:v24+s18+$0x0] =	vst.idx.msk vm12, v28;
	s6 =	spop (v2sf)  }
0xf9: {  	v16 =	vadd.s32 v29, v16;
	(v2sf) =	vpush v21, $0x0;
	v28 =	vld [tilespmem:s7+$0xB080];
	s10 =	sshll.u32 s6, $0x4  }
0xfa: {  	s16 =	sshll.u32 s9, $0x4;
	s24 =	sshll.u32 s11, $0x4;
	v29 =	vld [tilespmem:s11+$0x1B280];
	v21 =	vadd.s32 $0xFFFFFFFF, v16;
	(v2sf) =	vpush v22, $0x0;
	s31 =	sadd.s32 s29, s10  }
0xfb: {  	s25 =	sadd.s32 s29, s16;
	v27 =	vld [tilespmem:s6+$0x1B280];
	v20, _, _ =	vpop (xrf0);
	(v2sf) =	vpush v25, $0x0;
	s10 =	sand.u32 $0x70, s10;
	s31 =	sand.u32 $0xFFFFFF80, s31  }
0xfc: {  	s4 =	sand.u32 $0x70, s16;
	s25 =	sand.u32 $0xFFFFFF80, s25;
	v12 =	vadd.s32 v20, v12;
	(v2sf) =	vpush v26, $0x0;
	v26 =	vld [tilespmem:s8+$0x1B280];
	s0 =	sor.u32 s10, s31  }
0xfd: {  	vm3 =	vmmov vm9;
	s26 =	sadd.s32 s29, s24;
	vm2 =	vge.s32 v18, v0;
	vm9 =	vlt.s32 v18, v1;
	s31 =	sor.u32 s4, s25;
	[tilespmem:v23+s18+$0x0] =	vst.idx.msk vm11, v9;
	v31 =	vld [tilespmem:s0+$0xA080]  }
0xfe: {  	vm5 =	vmmov vm11;
	s28 =	sand.u32 $0x70, s24;
	s9 =	sand.u32 $0xFFFFFF80, s26;
	v22 =	vadd.s32 $0xFFFFFFFF, v12;
	vm12 =	vmand vm2, vm9;
	v62 =	vld [tilespmem:s31+$0xA080];
	[tilespmem:v24+s19+$0x0] =	vst.idx.msk vm13, v28  }
0xff: {  	vm7 =	vmmov vm6;
	vm4 =	vmmov vm10;
	s10 =	sor.u32 s28, s9;
	v9 =	vsel vm12, $0x1, v3;
	[tilespmem:v21+s18+$0x0] =	vst.idx.msk vm10, v14;
	v14 =	vld [tilespmem:s7+$0xC080]  }
0x100: {  	vm6 =	vmmov vm0;
	[tilespmem:v13+s19+$0x0] =	vst.idx.msk vm0, v19;
	v16 =	vperm.xlane v30, v3;
	v25 =	vld [tilespmem:s10+$0xA080];
	(xrf0) =	vadd.scan.msk.s32 $0xffff, v9  }
0x101: {  	vm8 =	vmmov vm1;
	[tilespmem:v15+s19+$0x0] =	vst.idx.msk vm1, v17;
	v12 =	vperm.xlane v29, v3;
	v20 =	vperm.xlane v27, v3  }
0x102: {  	p5 =	sgt.s32 s12, $0x10;
	vm2 =	vge.s32 v31, v0;
	vm9 =	vlt.s32 v31, v1;
	v9 =	vsub.s32 v31, v0;
	v31 =	vld [tilespmem:s22+$0xB080]  }
.Ltmp12:
0x103: {  	v27 =	vld [tilespmem:s23+$0xB080];
	[tilespmem:v22+s18+$0x0] =	vst.idx.msk vm3, v11;
	vm11 =	vmand vm2, vm9;
	vm2 =	vge.s32 v62, v0;
	vm9 =	vlt.s32 v62, v1;
	(pc) =	sbr.rel @!p5 .LBB2_16-.Ltmp12, $4  }
0x104: {  	v32 =	vperm.xlane v26, v3;
	v28 =	vld [tilespmem:s30+$0xB080];
	[tilespmem:v24+s20+$0x0] =	vst.idx.msk vm13, v14;
	v14 =	vsub.s32 v62, v0;
	vm10 =	vmand vm2, vm9  }
0x105: {  	v33 =	vld [tilespmem:s13+$0xC080];
	v26 =	vmovc v10;
	vm2 =	vge.s32 v25, v0;
	vm9 =	vlt.s32 v25, v1;
	v11 =	vsel vm11, $0x1, v3  }
0x106: {  	v30 =	vld [tilespmem:s2+$0xC080];
	v24 =	vmov v13;
	v34, _, _ =	vpop (xrf0);
	v63 =	vsel vm10, $0x1, v3;
	vm9 =	vmand vm2, vm9;
	(xrf0) =	vadd.scan.msk.s32 $0xffff, v11  }
0x107: {  	p4 =	por $0x1, $0x1;
	s8 =	simm.s32 $0x1B392;
	s7 =	simm.s32 $0x10;
	v11 =	vsub.s32 v25, v0;
	v25 =	vmovc v15;
	v29 =	vsel vm9, $0x1, v3;
	(xrf0) =	vadd.scan.msk.s32 $0xffff, v63;
	[tilespmem:v23+s19+$0x0] =	vst.idx.msk vm5, v31;
	v31 =	vld [tilespmem:s14+$0xC080]  }
.LBB2_17:
0x108: {  	v35 =	vld [tilespmem:s8+$0x1];
	s7 =	sadd.s32 $0x4, s7;
	s9 =	spop (v2sf);
	v32 =	vadd.s32 v34, v32;
	(xrf0) =	vadd.scan.msk.s32 $0xffff, v29;
	[tilespmem:v21+s19+$0x0] =	vst.idx.msk vm4, v27;
	vm13 =	vmmov vm12  }
0x109: {  	v27 =	vld [tilespmem:s8+$0xFFFFFFFF];
	p5 =	slt.s32 s7, s12;
	s4 =	sshll.u32 s9, $0x4;
	s11 =	spop (v2sf);
	v34 =	vadd.s32 $0xFFFFFFFF, v32;
	[tilespmem:v22+s19+$0x0] =	vst.idx.msk vm3, v28  }
0x10a: {  	v28 =	vld [tilespmem:s8+$0x0];
	s24 =	sshll.u32 s11, $0x4;
	s25 =	sadd.s32 s29, s4;
	s5 =	spop (v2sf);
	[tilespmem:v26+s20+$0x0] =	vst.idx.msk vm7, v33;
	v26 =	vmov v23;
	vm7 =	vmmov vm5;
	vm5 =	vmmov vm11  }
0x10b: {  	s4 =	sand.u32 $0x70, s4;
	v29 =	vld [tilespmem:s8+$0xFFFFFFFE];
	s25 =	sand.u32 $0xFFFFFF80, s25;
	s6 =	spop (v2sf);
	[tilespmem:v24+s20+$0x0] =	vst.idx.msk vm6, v30;
	v24 =	vmov v21;
	vm6 =	vmmov vm4;
	vm4 =	vmmov vm10  }
0x10c: {  	s16 =	sshll.u32 s5, $0x4;
	v30 =	vld [tilespmem:s6+$0x1B280];
	s6 =	sshll.u32 s6, $0x4;
	s4 =	sor.u32 s4, s25;
	v21, _, _ =	vpop (xrf0);
	[tilespmem:v25+s20+$0x0] =	vst.idx.msk vm8, v31;
	v25 =	vmov v22;
	vm8 =	vmmov vm3;
	vm3 =	vmmov vm9  }
0x10d: {  	s26 =	sadd.s32 s29, s24;
	s28 =	sadd.s32 s29, s16;
	(v2sf) =	vpush v35, $0x0;
	s25 =	sadd.s32 s29, s6;
	v31 =	vadd.s32 v21, v20;
	v21 =	vsub.s32 v18, v0;
	v18 =	vld [tilespmem:s4+$0xA080];
	v22, _, _ =	vpop (xrf0)  }
0x10e: {  	(v2sf) =	vpush v27, $0x0;
	s25 =	sand.u32 $0xFFFFFF80, s25;
	v27 =	vld [tilespmem:s11+$0x1B280];
	s11 =	sand.u32 $0xFFFFFF80, s26;
	s26 =	sand.u32 $0xFFFFFF80, s28;
	v23 =	vadd.s32 $0xFFFFFFFF, v31;
	v16 =	vadd.s32 v22, v16;
	[tilespmem:v34+s18+$0x0] =	vst.idx.msk vm13, v21;
	v20, _, _ =	vpop (xrf0)  }
0x10f: {  	s24 =	sand.u32 $0x70, s24;
	s16 =	sand.u32 $0x70, s16;
	s6 =	sand.u32 $0x70, s6;
	(v2sf) =	vpush v28, $0x0;
	v21 =	vadd.s32 $0xFFFFFFFF, v16;
	v12 =	vadd.s32 v20, v12;
	v28 =	vld [tilespmem:s1+$0xB080]  }
0x110: {  	s6 =	sor.u32 s6, s25;
	s24 =	sor.u32 s24, s11;
	s11 =	sor.u32 s16, s26;
	(v2sf) =	vpush v29, $0x0;
	v29 =	vld [tilespmem:s5+$0x1B280];
	v22 =	vadd.s32 $0xFFFFFFFF, v12  }
0x111: {  	v20 =	vperm.xlane v30, v3;
	v30 =	vld [tilespmem:s6+$0xA080]  }
0x112: {  	v31 =	vld [tilespmem:s24+$0xA080];
	vm2 =	vge.s32 v18, v0;
	vm9 =	vlt.s32 v18, v1  }
0x113: {  	v16 =	vperm.xlane v27, v3;
	v35 =	vld [tilespmem:s11+$0xA080];
	vm12 =	vmand vm2, vm9;
	[tilespmem:v23+s18+$0x0] =	vst.idx.msk vm5, v9  }
0x114: {  	v32 =	vld [tilespmem:s9+$0x1B280];
	v9 =	vsel vm12, $0x1, v3;
	[tilespmem:v34+s19+$0x0] =	vst.idx.msk vm13, v28  }
0x115: {  	v12 =	vperm.xlane v29, v3;
	(xrf0) =	vadd.scan.msk.s32 $0xffff, v9;
	[tilespmem:v21+s18+$0x0] =	vst.idx.msk vm4, v14;
	v14 =	vld [tilespmem:s1+$0xC080];
	s1 =	smov.u32 s4  }
0x116: {  	vm2 =	vge.s32 v30, v0;
	vm9 =	vlt.s32 v30, v1;
	v9 =	vsub.s32 v30, v0;
	v36 =	vld [tilespmem:s0+$0xB080]  }
.Ltmp13:
0x117: {  	vm11 =	vmand vm2, vm9;
	vm2 =	vge.s32 v31, v0;
	vm9 =	vlt.s32 v31, v1;
	v27 =	vld [tilespmem:s31+$0xB080];
	[tilespmem:v22+s18+$0x0] =	vst.idx.msk vm3, v11;
	(pc) =	sbr.rel @p5 .LBB2_17-.Ltmp13, $4  }
0x118: {  	vm10 =	vmand vm2, vm9;
	vm2 =	vge.s32 v35, v0;
	vm9 =	vlt.s32 v35, v1;
	v28 =	vld [tilespmem:s10+$0xB080]  }
0x119: {  	v11 =	vsel vm11, $0x1, v3;
	v37 =	vsel vm10, $0x1, v3;
	vm9 =	vmand vm2, vm9;
	v33 =	vld [tilespmem:s22+$0xC080];
	s22 =	smov.u32 s0;
	s0 =	smov.u32 s6  }
0x11a: {  	v32 =	vperm.xlane v32, v3;
	v29 =	vsel vm9, $0x1, v3;
	(xrf0) =	vadd.scan.msk.s32 $0xffff, v11;
	[tilespmem:v34+s20+$0x0] =	vst.idx.msk vm13, v14;
	v30 =	vld [tilespmem:s23+$0xC080];
	s23 =	smov.u32 s31;
	s31 =	smov.u32 s24  }
0x11b: {  	s8 =	sadd.s32 $0x4, s8;
	v14 =	vsub.s32 v31, v0;
	v11 =	vsub.s32 v35, v0;
	(xrf0) =	vadd.scan.msk.s32 $0xffff, v37;
	v34, _, _ =	vpop (xrf0);
	[tilespmem:v23+s19+$0x0] =	vst.idx.msk vm5, v36;
	v31 =	vld [tilespmem:s30+$0xC080];
	s30 =	smov.u32 s10;
	s10 =	smov.u32 s11  }
0x11c: {  	s26 =	rddreg [dreg:$0xa]  }
0x11d: {  	s28 =	rddreg [dreg:$0xb]  }
.LBB2_19:
0x11e: {  	s4 =	spop (v2sf)  }
0x11f: {  	s5 =	sshll.u32 s4, $0x4  }
0x120: {  	s6 =	sadd.s32 s29, s5  }
0x121: {  	s24 =	spop (v2sf);
	s5 =	sand.u32 $0x70, s5;
	s6 =	sand.u32 $0xFFFFFF80, s6  }
0x122: {  	s11 =	spop (v2sf);
	s9 =	sor.u32 s5, s6  }
0x123: {  	s16 =	spop (v2sf);
	v35 =	vld [tilespmem:s9+$0xA080]  }
0x124: {  	v32 =	vadd.s32 @p2 v34, v32;
	(xrf0) =	vadd.scan.msk.s32 @p2 $0xffff, v29;
	vm12 =	vmmov @p2 vm12;
	s7 =	sshll.u32 s16, $0x4  }
0x125: {  	v32 =	vadd.s32 @p2 $0xFFFFFFFF, v32;
	s12 =	sadd.s32 s29, s7  }
0x126: {  	s8 =	sshll.u32 s24, $0x4;
	s5 =	sand.u32 $0x70, s7;
	s6 =	sand.u32 $0xFFFFFF80, s12  }
0x127: {  	v18 =	vsub.s32 @p2 v18, v0;
	s25 =	sadd.s32 s29, s8;
	s7 =	sor.u32 s5, s6  }
0x128: {  	v34, _, _ =	vpop @p2 (xrf0);
	s8 =	sand.u32 $0x70, s8;
	s12 =	sshll.u32 s11, $0x4;
	s5 =	sand.u32 $0xFFFFFF80, s25;
	v63 =	vld [tilespmem:s7+$0xA080];
	vm2 =	vge.s32 v35, v0;
	vm13 =	vlt.s32 v35, v1  }
0x129: {  	v41 =	vld [tilespmem:s4+$0x1B280];
	v37, _, _ =	vpop @p2 (xrf0);
	s29 =	sadd.s32 s29, s12;
	s8 =	sor.u32 s8, s5;
	vm2 =	vmand vm2, vm13  }
0x12a: {  	vm11 =	vmmov @p2 vm11;
	v20 =	vadd.s32 @p2 v34, v20;
	[tilespmem:v32+s18+$0x0] =	vst.idx.msk @p2 vm12, v18;
	v18, _, _ =	vpop @p2 (xrf0);
	s25 =	sand.u32 $0x70, s12;
	s6 =	sand.u32 $0xFFFFFF80, s29;
	v36 =	vld [tilespmem:s8+$0xA080];
	v39 =	vsel vm2, $0x1, v3  }
0x12b: {  	v20 =	vadd.s32 @p2 $0xFFFFFFFF, v20;
	v12 =	vadd.s32 @p2 v18, v12;
	v18 =	vld @p2 [tilespmem:s1+$0xB080];
	s29 =	sor.u32 s25, s6;
	(xrf0) =	vadd.scan.msk.s32 $0xffff, v39  }
0x12c: {  	vm15 =	vmmov @p2 vm10;
	vm10 =	vmmov @p2 vm9;
	v38 =	vld [tilespmem:s29+$0xA080]  }
0x12d: {  	v16 =	vadd.s32 @p2 v37, v16;
	vm13 =	vge.s32 v63, v0;
	vm14 =	vlt.s32 v63, v1  }
0x12e: {  	[tilespmem:v26+s20+$0x0] =	vst.idx.msk @p4 vm7, v33;
	v16 =	vadd.s32 @p2 $0xFFFFFFFF, v16;
	v43 =	vperm.xlane v41, v3;
	vm9 =	vmand vm13, vm14  }
0x12f: {  	[tilespmem:v21+s19+$0x0] =	vst.idx.msk @p3 vm4, v27;
	v44 =	vld [tilespmem:s24+$0x1B280];
	vm7 =	vge.s32 v36, v0;
	vm13 =	vlt.s32 v36, v1;
	v45 =	vsel vm9, $0x1, v3  }
0x130: {  	v42 =	vld [tilespmem:s16+$0x1B280];
	v12 =	vadd.s32 @p2 $0xFFFFFFFF, v12;
	[tilespmem:v20+s18+$0x0] =	vst.idx.msk @p2 vm11, v9;
	vm13 =	vmand vm7, vm13;
	(xrf0) =	vadd.scan.msk.s32 $0xffff, v45  }
0x131: {  	[tilespmem:v32+s19+$0x0] =	vst.idx.msk @p2 vm12, v18;
	vm7 =	vge.s32 v38, v0;
	vm14 =	vlt.s32 v38, v1;
	v47 =	vsel vm13, $0x1, v3;
	v46, _, _ =	vpop (xrf0)  }
0x132: {  	v9 =	vld @p2 [tilespmem:s1+$0xC080];
	vm14 =	vmand vm7, vm14;
	vm7 =	vmmov vm2;
	(xrf0) =	vadd.scan.msk.s32 $0xffff, v47;
	v27 =	vadd.s32 v46, v43  }
0x133: {  	[tilespmem:v16+s18+$0x0] =	vst.idx.msk @p2 vm15, v14;
	v27 =	vadd.s32 $0xFFFFFFFF, v27  }
0x134: {  	[tilespmem:v22+s19+$0x0] =	vst.idx.msk @p3 vm3, v28;
	vm0 =	vmmov @p2 vm15;
	v13 =	vpsel p2, v16, v13;
	v18 =	vld @p2 [tilespmem:s31+$0xB080]  }
0x135: {  	vm1 =	vmmov @p2 vm10;
	v28 =	vperm.xlane v44, v3;
	v26 =	vperm.xlane v42, v3;
	[tilespmem:v12+s18+$0x0] =	vst.idx.msk @p2 vm10, v11;
	v11 =	vld @p2 [tilespmem:s0+$0xB080]  }
0x136: {  	[tilespmem:v24+s20+$0x0] =	vst.idx.msk @p4 vm6, v30;
	v50 =	vsub.s32 v35, v0;
	vm10 =	vmmov @p3 vm4;
	v12 =	vpsel p2, v12, v15;
	v24 =	vld @p2 [tilespmem:s10+$0xB080];
	v51, _, _ =	vpop (xrf0)  }
0x137: {  	vm4 =	vmmov vm9;
	v49 =	vsel vm14, $0x1, v3;
	[tilespmem:v32+s20+$0x0] =	vst.idx.msk @p2 vm12, v9;
	v15 =	vadd.s32 v51, v26  }
0x138: {  	v48 =	vld [tilespmem:s11+$0x1B280];
	(xrf0) =	vadd.scan.msk.s32 $0xffff, v49;
	v9 =	vadd.s32 $0xFFFFFFFF, v15;
	v52, _, _ =	vpop (xrf0);
	[tilespmem:v27+s18+$0x0] =	vst.idx.msk vm7, v50  }
0x139: {  	[tilespmem:v25+s20+$0x0] =	vst.idx.msk @p4 vm8, v31;
	vm15 =	vmmov vm13;
	v54 =	vadd.s32 v52, v28;
	v53 =	vld [tilespmem:s9+$0xB080]  }
0x13a: {  	v16 =	vpsel p2, v18, v19;
	[tilespmem:v20+s19+$0x0] =	vst.idx.msk @p2 vm11, v11;
	v11 =	vadd.s32 $0xFFFFFFFF, v54  }
0x13b: {  	[tilespmem:v13+s19+$0x0] =	vst.idx.msk @p2 vm0, v16;
	v17 =	vpsel p2, v24, v17  }
0x13c: {  	v56 =	vsub.s32 v63, v0;
	[tilespmem:v12+s19+$0x0] =	vst.idx.msk @p2 vm1, v17  }
0x13d: {  	v14 =	vperm.xlane v48, v3;
	[tilespmem:v9+s18+$0x0] =	vst.idx.msk vm4, v56  }
0x13e: {  	v57 =	vsub.s32 v36, v0;
	v55, _, _ =	vpop (xrf0);
	[tilespmem:v27+s19+$0x0] =	vst.idx.msk vm7, v53  }
0x13f: {  	vm2 =	vmmov @p3 vm5;
	v18 =	vld @p3 [tilespmem:s22+$0xC080];
	vm12 =	vmmov vm14;
	v14 =	vadd.s32 v55, v14;
	[tilespmem:v11+s18+$0x0] =	vst.idx.msk vm15, v57  }
0x140: {  	vm2 =	vmmov @p3 vm2;
	v15 =	vmov @p3 v23;
	v14 =	vadd.s32 $0xFFFFFFFF, v14;
	v25 =	vld [tilespmem:$0x1FFF0]  }
0x141: {  	vm8 =	vmmov @p3 vm10;
	v16 =	vmov @p3 v21;
	v21 =	vld @p3 [tilespmem:s23+$0xC080];
	v15 =	vpsel p3, v15, v0  }
0x142: {  	vm3 =	vmmov @p3 vm3;
	v16 =	vpsel p3, v16, v0  }
0x143: {  	vm3 =	vmmov @p3 vm3;
	v17 =	vmov @p3 v22;
	v23 =	vld @p3 [tilespmem:s30+$0xC080]  }
0x144: {  	v59 =	vsub.s32 v38, v0;
	v17 =	vpsel p3, v17, v0;
	v60 =	vld [tilespmem:s7+$0xB080]  }
0x145: {  	v18 =	vpsel p3, v18, v0;
	v58 =	vld [tilespmem:s9+$0xC080];
	[tilespmem:v14+s18+$0x0] =	vst.idx.msk vm12, v59;
	vm9 =	vnez.u8 v25  }
0x146: {  	s13 =	smov.u32 @p2 s0;
	v10 =	vpsel p2, v20, v10;
	v20 =	vpsel p3, v21, v0;
	v61 =	vld [tilespmem:s8+$0xB080];
	[tilespmem:v15+s20+$0x0] =	vst.idx.msk @p3 vm2, v18;
	vm9 =	vmmov @p2 vm11  }
0x147: {  	s1 =	smov.u32 @p2 s31;
	[tilespmem:v16+s20+$0x0] =	vst.idx.msk @p3 vm8, v20;
	v16 =	vld @p2 [tilespmem:s13+$0xC080];
	vm2 =	vmmov @p2 vm9  }
0x148: {  	s0 =	smov.u32 @p2 s10;
	s2 =	smov.u32 @p2 s1;
	vm0 =	vmmov @p2 vm0;
	v18 =	vpsel p3, v23, v0;
	v62 =	vld [tilespmem:s29+$0xB080];
	vm2 =	vmmov @p2 vm2  }
0x149: {  	v10 =	vpsel p2, v10, v0;
	s14 =	smov.u32 @p2 s0;
	vm0 =	vmmov @p2 vm0;
	[tilespmem:v17+s20+$0x0] =	vst.idx.msk @p3 vm3, v18;
	v17 =	vld @p2 [tilespmem:s2+$0xC080]  }
0x14a: {  	vm13 =	vmmov vm4;
	v13 =	vpsel p2, v13, v0;
	v18 =	vld @p2 [tilespmem:s14+$0xC080];
	[tilespmem:v9+s19+$0x0] =	vst.idx.msk vm4, v60  }
0x14b: {  	vm14 =	vmmov vm15;
	vm1 =	vmmov @p2 vm1;
	v19 =	vld [tilespmem:s7+$0xC080];
	[tilespmem:v11+s19+$0x0] =	vst.idx.msk vm15, v61  }
0x14c: {  	vm1 =	vmmov @p2 vm1;
	[tilespmem:v27+s20+$0x0] =	vst.idx.msk vm7, v58;
	v63 =	vld [tilespmem:s8+$0xC080]  }
0x14d: {  	v12 =	vpsel p2, v12, v0;
	v16 =	vpsel p2, v16, v0;
	[tilespmem:v14+s19+$0x0] =	vst.idx.msk vm12, v62  }
0x14e: {  	v17 =	vpsel p2, v17, v0;
	[tilespmem:v10+s20+$0x0] =	vst.idx.msk @p2 vm2, v16;
	v10 =	vld [tilespmem:s29+$0xC080]  }
0x14f: {  	[tilespmem:v13+s20+$0x0] =	vst.idx.msk @p2 vm0, v17  }
0x150: {  	[tilespmem:v9+s20+$0x0] =	vst.idx.msk vm13, v19  }
0x151: {  	[tilespmem:v11+s20+$0x0] =	vst.idx.msk vm14, v63;
	v16 =	vpsel p2, v18, v0  }
0x152: {  	[tilespmem:v12+s20+$0x0] =	vst.idx.msk @p2 vm1, v16  }
0x153: {  	vm15 =	vmmov vm12;
	[tilespmem:v14+s20+$0x0] =	vst.idx.msk vm12, v10  }
.LBB2_20:
0x154: {  	(v2sf) =	vpush v8, $0x0;
	_ =	sdelay $0xe  }
0x155: {  	s29 =	spop (v2sf)  }
0x156: {  	s0 =	sand.u32 $0x1F, s29  }
0x157: {  	s1 =	sshra.s32 s29, $0x1F;
	p2 =	slt.s32 s29, $0x1;
	p3 =	sne.s32 s0, $0x0  }
0x158: {  	s24 =	sshrl.u32 s1, $0x1B;
	p2 =	por !p2, !p3  }
0x159: {  	s1 =	simm.s32 $0x1;
	s0 =	sadd.s32 s24, s29;
	p2 =	por !p2, !p2  }
0x15a: {  	s0 =	sshra.s32 s0, $0x5;
	s1 =	simm.s32 @!p2 $0x0  }
0x15b: {  	s2 =	sand.u32 $0x7, s28;
	s0 =	ssub.s32 s0, s1  }
0x15c: {  	p2 =	seq.s32 s2, $0x7;
	s28 =	smov.u32 s0  }
0x15d: {  	s28 =	simm.s32 @!p2 $0x0  }
0x15e: {  	s28 =	smov.u32 @p1 s0  }
0x15f: {  	p1 =	sgt.s32 s28, $0x0  }
0x160: {  	s0 =	simm.s32 @p1 $0x20  }
0x161: {  	s1 =	simm.s32 @p1 $0x11100;
	s2 =	simm.s32 @p1 $0x19200;
	p2 =	seq.s32 @p1 s28, $0x1  }
0x162: {  	[tilespmem:s2], [sflag:$0x1] =	stream.indirect.gather @p1 [hbm4b:s3+s0], $0x80, s1, s0, $0xb8;
	[tilespmem:$0x1B480] =	vst v63  }
0x163: {  	p2 =	por p2, !p1  }
0x164: {  	s0 =	simm.s32 @!p2 $0x20;
	s1 =	simm.s32 @!p2 $0x11120;
	s2 =	simm.s32 @!p2 $0x1A200  }
0x165: {  	[tilespmem:s2], [sflag:$0x2] =	stream.indirect.gather @!p2 [hbm4b:s3+s0], $0x80, s1, s0, $0xb8;
	[tilespmem:$0x1B480] =	vst v63  }
0x166: {  	s0 =	simm.s32 $0x1  }
0x167: {  	s25 =	sshra.s32 s28, $0x1F;
	s0 =	simm.s32 @!p1 $0x0  }
0x168: {  	s30 =	sand.u32 $0x1, s28;
	s0 =	sadd.s32 s0, s25  }
0x169: {  	p6 =	seq.s32 s30, $0x1;
	p5 =	sne.s32 s0, $0x1  }
0x16a: {  	s31 =	sshrl.u32 s28, $0x1F;
	p1 =	por !p5, !p6  }
0x16b: {  	s1 =	simm.s32 $0x1;
	s0 =	sadd.s32 s31, s28;
	p1 =	por !p1, !p1  }
0x16c: {  	s0 =	sshra.s32 s0, $0x1;
	s1 =	simm.s32 @!p1 $0x0  }
0x16d: {  	s0 =	ssub.s32 s0, s1  }
0x16e: {  	p1 =	slt.s32 s0, $0x1  }
.Ltmp14:
0x16f: {  	_ = 	snop;
	(pc) =	sbr.rel @p1 .LBB2_27-.Ltmp14, $1  }
0x170: {  	_ =	sdelay $0x3  }
0x171: {  	s30 =	simm.s32 $0x0;
	s31 =	simm.s32 $0x15180  }
0x172: {  	s1 =	simm.s32 $0xD080;
	s22 =	simm.s32 $0xD0A0;
	s23 =	simm.s32 $0x151A0  }
.LBB2_22:
0x173: {  	v8 =	vmov s1;
	_ =	sdelay $0x1  }
0x174: {  	_ =	swait.ge [sflag:s15], $0x1000  }
0x175: {  	[sflag:s15] =	ssyncset.done $0x0  }
0x176: {  	s4 =	simm.s32 $0x0;
	[sflag:s15] =	ssyncadd.s32 $0xFFFFF000  }
0x177: {  	v9 =	vld.idx.msk [tilespmem:v8+s4+$0x0 ss:$0x1], $0xffff;
	_ =	sdelay $0x4  }
0x178: {  	s2 =	simm.s32 $0x19240;
	(v2sf) =	vpush v9, $0x0  }
0x179: {  	v10 =	vld [tilespmem:s2+$0xFFFFFFC0]  }
0x17a: {  	v11 =	vld [tilespmem:s2+$0x30]  }
0x17b: {  	v12 =	vld [tilespmem:s2+$0x20]  }
0x17c: {  	v13 =	vld [tilespmem:s2+$0x10]  }
0x17d: {  	v14 =	vld [tilespmem:s2+$0x0]  }
0x17e: {  	v15 =	vld [tilespmem:s2+$0xFFFFFFF0];
	v9 =	vmov s31  }
0x17f: {  	v16 =	vld [tilespmem:s2+$0xFFFFFFE0]  }
0x180: {  	v17 =	vld [tilespmem:s2+$0xFFFFFFD0]  }
0x181: {  	v18 =	vld [tilespmem:$0x1B270]  }
0x182: {  	v20 =	vld [tilespmem:$0x1B260]  }
0x183: {  	v19 =	vld.idx.msk [tilespmem:v9+s4+$0x0 ss:$0x1], $0xffff  }
0x184: {  	v21 =	vld [tilespmem:$0x1B240]  }
0x185: {  	v22 =	vld [tilespmem:$0x1B220]  }
0x186: {  	v23 =	vld [tilespmem:$0x1B210]  }
0x187: {  	v24 =	vld [tilespmem:$0x1B230];
	s25 =	spop (v2sf)  }
0x188: {  	v25 =	vld [tilespmem:$0x1B250];
	v19 =	vperm.xlane v19, v3;
	s4 =	sshll.u32 s25, $0x9  }
0x189: {  	v26 =	vld [tilespmem:$0x1B200];
	s4 =	sshra.s32 s4, $0x2  }
0x18a: {  	v19 =	vpack.i.f32.bf16 v19, v19;
	v27 =	vld [tilespmem:s4+$0x20]  }
0x18b: {  	v22 =	vmul.bf16 v22, v19;
	v28 =	vld [tilespmem:s4+$0x10]  }
0x18c: {  	v23 =	vmul.bf16 v23, v19;
	v29 =	vld [tilespmem:s4+$0x30]  }
0x18d: {  	v24 =	vmul.bf16 v24, v19;
	v16 =	vadd.bf16 v22, v16;
	v58 =	vld [tilespmem:s4+$0x40]  }
0x18e: {  	v21 =	vmul.bf16 v21, v19;
	v17 =	vadd.bf16 v23, v17;
	v59 =	vld [tilespmem:s4+$0x50]  }
0x18f: {  	v25 =	vmul.bf16 v25, v19;
	v15 =	vadd.bf16 v24, v15;
	v60 =	vld [tilespmem:s4+$0x60];
	v16 =	vmin.bf16 v27, v16  }
0x190: {  	v20 =	vmul.bf16 v20, v19;
	v14 =	vadd.bf16 v21, v14;
	v61 =	vld [tilespmem:s4+$0x70];
	v17 =	vmin.bf16 v28, v17;
	[tilespmem:s4+$0x20] =	vst v16  }
0x191: {  	v18 =	vmul.bf16 v18, v19;
	v13 =	vadd.bf16 v25, v13;
	v62 =	vld [tilespmem:s4+$0x0];
	v15 =	vmin.bf16 v29, v15;
	[tilespmem:s4+$0x10] =	vst v17  }
0x192: {  	v63 =	vmul.bf16 v26, v19;
	v12 =	vadd.bf16 v20, v12;
	v14 =	vmin.bf16 v58, v14;
	[tilespmem:s4+$0x30] =	vst v15  }
0x193: {  	v11 =	vadd.bf16 v18, v11;
	v13 =	vmin.bf16 v59, v13;
	[tilespmem:s4+$0x40] =	vst v14  }
0x194: {  	v10 =	vadd.bf16 v63, v10;
	v12 =	vmin.bf16 v60, v12;
	[tilespmem:s4+$0x50] =	vst v13  }
0x195: {  	v11 =	vmin.bf16 v61, v11;
	[tilespmem:s4+$0x60] =	vst v12  }
0x196: {  	v10 =	vmin.bf16 v62, v10;
	[tilespmem:s4+$0x70] =	vst v11  }
0x197: {  	s8 =	simm.s32 $0x1;
	s7 =	simm.s32 $0x8;
	[tilespmem:s4+$0x0] =	vst v10  }
.LBB2_23:
0x198: {  	p1 =	sne.s32 s7, $0x7C;
	v10 =	vld.idx.msk [tilespmem:v8+s8+$0x0 ss:$0x1], $0xffff;
	_ =	sdelay $0x5  }
0x199: {  	s2 =	sadd.s32 $0x80, s2;
	(v2sf) =	vpush v10, $0x0  }
0x19a: {  	v10 =	vld [tilespmem:s2+$0xFFFFFFC0]  }
0x19b: {  	v11 =	vld [tilespmem:s2+$0x30]  }
0x19c: {  	v12 =	vld [tilespmem:s2+$0x20]  }
0x19d: {  	v13 =	vld [tilespmem:s2+$0x10]  }
0x19e: {  	v14 =	vld [tilespmem:s2+$0x0]  }
0x19f: {  	v15 =	vld [tilespmem:s2+$0xFFFFFFF0]  }
0x1a0: {  	v16 =	vld [tilespmem:s2+$0xFFFFFFE0]  }
0x1a1: {  	v17 =	vld [tilespmem:s2+$0xFFFFFFD0]  }
0x1a2: {  	v18 =	vld [tilespmem:$0x1B270]  }
0x1a3: {  	v19 =	vld.idx.msk [tilespmem:v9+s8+$0x0 ss:$0x1], $0xffff  }
0x1a4: {  	v20 =	vld [tilespmem:$0x1B260]  }
0x1a5: {  	v21 =	vld [tilespmem:$0x1B240]  }
0x1a6: {  	v22 =	vld [tilespmem:$0x1B220]  }
0x1a7: {  	v23 =	vld [tilespmem:$0x1B210]  }
0x1a8: {  	v24 =	vld [tilespmem:$0x1B230];
	s4 =	spop (v2sf)  }
0x1a9: {  	v19 =	vperm.xlane v19, v3;
	s4 =	sshll.u32 s4, $0x9;
	v25 =	vld [tilespmem:$0x1B250]  }
0x1aa: {  	v26 =	vld [tilespmem:$0x1B200];
	s4 =	sshra.s32 s4, $0x2  }
0x1ab: {  	v19 =	vpack.i.f32.bf16 v19, v19;
	v27 =	vld [tilespmem:s4+$0x20]  }
0x1ac: {  	v22 =	vmul.bf16 v22, v19;
	v28 =	vld [tilespmem:s4+$0x10];
	v23 =	vmul.bf16 v23, v19  }
0x1ad: {  	v21 =	vmul.bf16 v21, v19;
	v29 =	vld [tilespmem:s4+$0x30];
	v24 =	vmul.bf16 v24, v19  }
0x1ae: {  	v16 =	vadd.bf16 v22, v16;
	v17 =	vadd.bf16 v23, v17;
	v22 =	vld [tilespmem:s4+$0x40];
	v23 =	vmul.bf16 v25, v19  }
0x1af: {  	v20 =	vmul.bf16 v20, v19;
	v14 =	vadd.bf16 v21, v14;
	v15 =	vadd.bf16 v24, v15;
	v21 =	vld [tilespmem:s4+$0x50]  }
0x1b0: {  	v18 =	vmul.bf16 v18, v19;
	v16 =	vmin.bf16 v27, v16;
	v13 =	vadd.bf16 v23, v13;
	v23 =	vld [tilespmem:s4+$0x60]  }
0x1b1: {  	v12 =	vadd.bf16 v20, v12;
	v19 =	vmul.bf16 v26, v19;
	v17 =	vmin.bf16 v28, v17;
	[tilespmem:s4+$0x20] =	vst v16;
	v16 =	vld [tilespmem:s4+$0x70]  }
0x1b2: {  	v11 =	vadd.bf16 v18, v11;
	v20 =	vld [tilespmem:s4+$0x0];
	[tilespmem:s4+$0x10] =	vst v17;
	v15 =	vmin.bf16 v29, v15  }
0x1b3: {  	v10 =	vadd.bf16 v19, v10;
	[tilespmem:s4+$0x30] =	vst v15;
	v14 =	vmin.bf16 v22, v14  }
.Ltmp15:
0x1b4: {  	[tilespmem:s4+$0x40] =	vst v14;
	v13 =	vmin.bf16 v21, v13;
	(pc) =	sbr.rel @p1 .LBB2_23-.Ltmp15, $4  }
0x1b5: {  	[tilespmem:s4+$0x50] =	vst v13;
	v12 =	vmin.bf16 v23, v12  }
0x1b6: {  	[tilespmem:s4+$0x60] =	vst v12;
	v11 =	vmin.bf16 v16, v11  }
0x1b7: {  	v10 =	vmin.bf16 v20, v10;
	[tilespmem:s4+$0x70] =	vst v11  }
0x1b8: {  	s8 =	sshra.s32 s7, $0x2;
	s7 =	sadd.s32 $0x4, s7;
	[tilespmem:s4+$0x0] =	vst v10  }
0x1b9: {  	_ =	sdelay $0x3  }
0x1ba: {  	v8 =	vld.idx.msk [tilespmem:v8+s8+$0x0 ss:$0x1], $0xffff;
	_ =	sdelay $0x4  }
0x1bb: {  	(v2sf) =	vpush v8, $0x0  }
0x1bc: {  	v17 =	vld [tilespmem:$0x1B270]  }
0x1bd: {  	v9 =	vld.idx.msk [tilespmem:v9+s8+$0x0 ss:$0x1], $0xffff  }
0x1be: {  	v18 =	vld [tilespmem:$0x1B260]  }
0x1bf: {  	v19 =	vld [tilespmem:$0x1B240]  }
0x1c0: {  	v20 =	vld [tilespmem:$0x1B220]  }
0x1c1: {  	v21 =	vld [tilespmem:$0x1B210]  }
0x1c2: {  	v22 =	vld [tilespmem:$0x1B230]  }
0x1c3: {  	s2 =	sadd.s32 $0x80, s2;
	v23 =	vld [tilespmem:$0x1B250]  }
0x1c4: {  	v10 =	vld [tilespmem:s2+$0x30]  }
0x1c5: {  	v11 =	vld [tilespmem:s2+$0x20]  }
0x1c6: {  	v12 =	vld [tilespmem:s2+$0x10]  }
0x1c7: {  	v13 =	vld [tilespmem:s2+$0x0]  }
0x1c8: {  	v14 =	vld [tilespmem:s2+$0xFFFFFFF0]  }
0x1c9: {  	v15 =	vld [tilespmem:s2+$0xFFFFFFE0]  }
0x1ca: {  	v16 =	vld [tilespmem:s2+$0xFFFFFFD0];
	s16 =	spop (v2sf)  }
0x1cb: {  	v8 =	vld [tilespmem:s2+$0xFFFFFFC0];
	v9 =	vperm.xlane v9, v3;
	s2 =	sshll.u32 s16, $0x9  }
0x1cc: {  	v24 =	vld [tilespmem:$0x1B200];
	s4 =	sshra.s32 s2, $0x2  }
0x1cd: {  	v9 =	vpack.i.f32.bf16 v9, v9;
	v25 =	vld [tilespmem:s4+$0x20]  }
0x1ce: {  	v20 =	vmul.bf16 v20, v9;
	v26 =	vld [tilespmem:s4+$0x10]  }
0x1cf: {  	v21 =	vmul.bf16 v21, v9;
	v27 =	vld [tilespmem:s4+$0x30]  }
0x1d0: {  	v22 =	vmul.bf16 v22, v9;
	v15 =	vadd.bf16 v20, v15;
	v37 =	vld [tilespmem:s4+$0x40]  }
0x1d1: {  	v19 =	vmul.bf16 v19, v9;
	v23 =	vmul.bf16 v23, v9;
	v16 =	vadd.bf16 v21, v16;
	v38 =	vld [tilespmem:s4+$0x50]  }
0x1d2: {  	v18 =	vmul.bf16 v18, v9;
	v14 =	vadd.bf16 v22, v14;
	v39 =	vld [tilespmem:s4+$0x60];
	v15 =	vmin.bf16 v25, v15  }
0x1d3: {  	v17 =	vmul.bf16 v17, v9;
	v13 =	vadd.bf16 v19, v13;
	v41 =	vld [tilespmem:s4+$0x0];
	v16 =	vmin.bf16 v26, v16;
	[tilespmem:s4+$0x20] =	vst v15  }
0x1d4: {  	v9 =	vmul.bf16 v24, v9;
	v12 =	vadd.bf16 v23, v12;
	v40 =	vld [tilespmem:s4+$0x70];
	v14 =	vmin.bf16 v27, v14;
	[tilespmem:s4+$0x10] =	vst v16  }
0x1d5: {  	v11 =	vadd.bf16 v18, v11;
	s2 =	sshll.u32 s30, $0x1;
	v13 =	vmin.bf16 v37, v13;
	[tilespmem:s4+$0x30] =	vst v14  }
0x1d6: {  	v8 =	vadd.bf16 v9, v8;
	s5 =	sadd.s32 $0x2, s2;
	v12 =	vmin.bf16 v38, v12;
	[tilespmem:s4+$0x40] =	vst v13  }
0x1d7: {  	v10 =	vadd.bf16 v17, v10;
	p1 =	sge.s32 s5, s28;
	v9 =	vmin.bf16 v39, v11;
	[tilespmem:s4+$0x50] =	vst v12  }
0x1d8: {  	s5 =	sshll.u32 @!p1 s5, $0x7;
	v8 =	vmin.bf16 v41, v8;
	[tilespmem:s4+$0x60] =	vst v9  }
0x1d9: {  	s5 =	sshra.s32 @!p1 s5, $0x2;
	v9 =	vmin.bf16 v40, v10;
	[tilespmem:s4+$0x0] =	vst v8  }
0x1da: {  	s6 =	simm.s32 @!p1 $0x19200;
	v8 =	vmov s22;
	[tilespmem:s4+$0x70] =	vst v9;
	s4 =	sadd.s32 @!p1 $0x11100, s5;
	s5 =	simm.s32 @!p1 $0x20  }
0x1db: {  	[tilespmem:s6], [sflag:$0x1] =	stream.indirect.gather @!p1 [hbm4b:s3+s5], $0x80, s4, s5, $0xb8;
	[tilespmem:$0x1B480] =	vst v63  }
0x1dc: {  	_ =	swait.ge [sflag:s21], $0x1000  }
0x1dd: {  	[sflag:s21] =	ssyncset.done $0x0  }
0x1de: {  	s24 =	simm.s32 $0x0;
	[sflag:s21] =	ssyncadd.s32 $0xFFFFF000  }
0x1df: {  	v9 =	vld.idx.msk [tilespmem:v8+s24+$0x0 ss:$0x1], $0xffff;
	_ =	sdelay $0x4  }
0x1e0: {  	s7 =	simm.s32 $0x1A270;
	(v2sf) =	vpush v9, $0x0  }
0x1e1: {  	v10 =	vld [tilespmem:s7+$0xFFFFFF90]  }
0x1e2: {  	v11 =	vld [tilespmem:s7+$0x0]  }
0x1e3: {  	v42 =	vld [tilespmem:s7+$0xFFFFFFF0]  }
0x1e4: {  	v43 =	vld [tilespmem:s7+$0xFFFFFFE0]  }
0x1e5: {  	v44 =	vld [tilespmem:s7+$0xFFFFFFD0]  }
0x1e6: {  	v45 =	vld [tilespmem:s7+$0xFFFFFFC0];
	v9 =	vmov s23  }
0x1e7: {  	v46 =	vld [tilespmem:s7+$0xFFFFFFB0]  }
0x1e8: {  	v47 =	vld [tilespmem:s7+$0xFFFFFFA0]  }
0x1e9: {  	v48 =	vld [tilespmem:$0x1B270]  }
0x1ea: {  	v50 =	vld [tilespmem:$0x1B260]  }
0x1eb: {  	v49 =	vld.idx.msk [tilespmem:v9+s24+$0x0 ss:$0x1], $0xffff  }
0x1ec: {  	v51 =	vld [tilespmem:$0x1B240]  }
0x1ed: {  	v52 =	vld [tilespmem:$0x1B220]  }
0x1ee: {  	v53 =	vld [tilespmem:$0x1B210]  }
0x1ef: {  	v54 =	vld [tilespmem:$0x1B230];
	s25 =	spop (v2sf)  }
0x1f0: {  	v55 =	vld [tilespmem:$0x1B250];
	v19 =	vperm.xlane v49, v3;
	s4 =	sshll.u32 s25, $0x9  }
0x1f1: {  	v56 =	vld [tilespmem:$0x1B200];
	s4 =	sshra.s32 s4, $0x2  }
0x1f2: {  	v19 =	vpack.i.f32.bf16 v19, v19;
	v57 =	vld [tilespmem:s4+$0x20]  }
0x1f3: {  	v22 =	vmul.bf16 v52, v19;
	v28 =	vld [tilespmem:s4+$0x10]  }
0x1f4: {  	v23 =	vmul.bf16 v53, v19;
	v29 =	vld [tilespmem:s4+$0x30]  }
0x1f5: {  	v24 =	vmul.bf16 v54, v19;
	v16 =	vadd.bf16 v22, v46;
	v58 =	vld [tilespmem:s4+$0x40]  }
0x1f6: {  	v21 =	vmul.bf16 v51, v19;
	v17 =	vadd.bf16 v23, v47;
	v59 =	vld [tilespmem:s4+$0x50]  }
0x1f7: {  	v25 =	vmul.bf16 v55, v19;
	v15 =	vadd.bf16 v24, v45;
	v60 =	vld [tilespmem:s4+$0x60];
	v16 =	vmin.bf16 v57, v16  }
0x1f8: {  	v20 =	vmul.bf16 v50, v19;
	v14 =	vadd.bf16 v21, v44;
	v61 =	vld [tilespmem:s4+$0x70];
	v17 =	vmin.bf16 v28, v17;
	[tilespmem:s4+$0x20] =	vst v16  }
0x1f9: {  	v18 =	vmul.bf16 v48, v19;
	v13 =	vadd.bf16 v25, v43;
	v62 =	vld [tilespmem:s4+$0x0];
	v15 =	vmin.bf16 v29, v15;
	[tilespmem:s4+$0x10] =	vst v17  }
0x1fa: {  	v63 =	vmul.bf16 v56, v19;
	v12 =	vadd.bf16 v20, v42;
	v14 =	vmin.bf16 v58, v14;
	[tilespmem:s4+$0x30] =	vst v15  }
0x1fb: {  	v11 =	vadd.bf16 v18, v11;
	v13 =	vmin.bf16 v59, v13;
	[tilespmem:s4+$0x40] =	vst v14  }
0x1fc: {  	v10 =	vadd.bf16 v63, v10;
	v12 =	vmin.bf16 v60, v12;
	[tilespmem:s4+$0x50] =	vst v13  }
0x1fd: {  	v11 =	vmin.bf16 v61, v11;
	[tilespmem:s4+$0x60] =	vst v12  }
0x1fe: {  	v10 =	vmin.bf16 v62, v10;
	[tilespmem:s4+$0x70] =	vst v11  }
0x1ff: {  	s9 =	simm.s32 $0x1;
	s8 =	simm.s32 $0x8;
	[tilespmem:s4+$0x0] =	vst v10  }
.LBB2_25:
0x200: {  	p1 =	sne.s32 s8, $0x7C;
	v10 =	vld.idx.msk [tilespmem:v8+s9+$0x0 ss:$0x1], $0xffff;
	_ =	sdelay $0x5  }
0x201: {  	s7 =	sadd.s32 $0x80, s7;
	(v2sf) =	vpush v10, $0x0  }
0x202: {  	v10 =	vld [tilespmem:s7+$0xFFFFFF90]  }
0x203: {  	v11 =	vld [tilespmem:s7+$0x0]  }
0x204: {  	v12 =	vld [tilespmem:s7+$0xFFFFFFF0]  }
0x205: {  	v13 =	vld [tilespmem:s7+$0xFFFFFFE0]  }
0x206: {  	v14 =	vld [tilespmem:s7+$0xFFFFFFD0]  }
0x207: {  	v15 =	vld [tilespmem:s7+$0xFFFFFFC0]  }
0x208: {  	v16 =	vld [tilespmem:s7+$0xFFFFFFB0]  }
0x209: {  	v17 =	vld [tilespmem:s7+$0xFFFFFFA0]  }
0x20a: {  	v18 =	vld [tilespmem:$0x1B270]  }
0x20b: {  	v19 =	vld.idx.msk [tilespmem:v9+s9+$0x0 ss:$0x1], $0xffff  }
0x20c: {  	v20 =	vld [tilespmem:$0x1B260]  }
0x20d: {  	v21 =	vld [tilespmem:$0x1B240]  }
0x20e: {  	v22 =	vld [tilespmem:$0x1B220]  }
0x20f: {  	v23 =	vld [tilespmem:$0x1B210]  }
0x210: {  	v24 =	vld [tilespmem:$0x1B230];
	s4 =	spop (v2sf)  }
0x211: {  	v19 =	vperm.xlane v19, v3;
	s4 =	sshll.u32 s4, $0x9;
	v25 =	vld [tilespmem:$0x1B250]  }
0x212: {  	v26 =	vld [tilespmem:$0x1B200];
	s4 =	sshra.s32 s4, $0x2  }
0x213: {  	v19 =	vpack.i.f32.bf16 v19, v19;
	v27 =	vld [tilespmem:s4+$0x20]  }
0x214: {  	v22 =	vmul.bf16 v22, v19;
	v28 =	vld [tilespmem:s4+$0x10];
	v23 =	vmul.bf16 v23, v19  }
0x215: {  	v21 =	vmul.bf16 v21, v19;
	v29 =	vld [tilespmem:s4+$0x30];
	v24 =	vmul.bf16 v24, v19  }
0x216: {  	v16 =	vadd.bf16 v22, v16;
	v17 =	vadd.bf16 v23, v17;
	v22 =	vld [tilespmem:s4+$0x40];
	v23 =	vmul.bf16 v25, v19  }
0x217: {  	v20 =	vmul.bf16 v20, v19;
	v14 =	vadd.bf16 v21, v14;
	v15 =	vadd.bf16 v24, v15;
	v21 =	vld [tilespmem:s4+$0x50]  }
0x218: {  	v18 =	vmul.bf16 v18, v19;
	v16 =	vmin.bf16 v27, v16;
	v13 =	vadd.bf16 v23, v13;
	v23 =	vld [tilespmem:s4+$0x60]  }
0x219: {  	v12 =	vadd.bf16 v20, v12;
	v19 =	vmul.bf16 v26, v19;
	v17 =	vmin.bf16 v28, v17;
	[tilespmem:s4+$0x20] =	vst v16;
	v16 =	vld [tilespmem:s4+$0x70]  }
0x21a: {  	v11 =	vadd.bf16 v18, v11;
	v20 =	vld [tilespmem:s4+$0x0];
	[tilespmem:s4+$0x10] =	vst v17;
	v15 =	vmin.bf16 v29, v15  }
0x21b: {  	v10 =	vadd.bf16 v19, v10;
	[tilespmem:s4+$0x30] =	vst v15;
	v14 =	vmin.bf16 v22, v14  }
.Ltmp16:
0x21c: {  	[tilespmem:s4+$0x40] =	vst v14;
	v13 =	vmin.bf16 v21, v13;
	(pc) =	sbr.rel @p1 .LBB2_25-.Ltmp16, $4  }
0x21d: {  	[tilespmem:s4+$0x50] =	vst v13;
	v12 =	vmin.bf16 v23, v12  }
0x21e: {  	[tilespmem:s4+$0x60] =	vst v12;
	v11 =	vmin.bf16 v16, v11  }
0x21f: {  	v10 =	vmin.bf16 v20, v10;
	[tilespmem:s4+$0x70] =	vst v11  }
0x220: {  	s9 =	sshra.s32 s8, $0x2;
	s8 =	sadd.s32 $0x4, s8;
	[tilespmem:s4+$0x0] =	vst v10  }
0x221: {  	_ =	sdelay $0x3  }
0x222: {  	v8 =	vld.idx.msk [tilespmem:v8+s9+$0x0 ss:$0x1], $0xffff;
	_ =	sdelay $0x4  }
0x223: {  	(v2sf) =	vpush v8, $0x0  }
0x224: {  	v17 =	vld [tilespmem:$0x1B270]  }
0x225: {  	v9 =	vld.idx.msk [tilespmem:v9+s9+$0x0 ss:$0x1], $0xffff  }
0x226: {  	v18 =	vld [tilespmem:$0x1B260]  }
0x227: {  	v19 =	vld [tilespmem:$0x1B240]  }
0x228: {  	v20 =	vld [tilespmem:$0x1B220]  }
0x229: {  	v21 =	vld [tilespmem:$0x1B210]  }
0x22a: {  	v22 =	vld [tilespmem:$0x1B230]  }
0x22b: {  	s4 =	sadd.s32 $0x80, s7;
	v23 =	vld [tilespmem:$0x1B250]  }
0x22c: {  	v10 =	vld [tilespmem:s4+$0x0]  }
0x22d: {  	v11 =	vld [tilespmem:s4+$0xFFFFFFF0]  }
0x22e: {  	v12 =	vld [tilespmem:s4+$0xFFFFFFE0]  }
0x22f: {  	v13 =	vld [tilespmem:s4+$0xFFFFFFD0]  }
0x230: {  	v14 =	vld [tilespmem:s4+$0xFFFFFFC0]  }
0x231: {  	v15 =	vld [tilespmem:s4+$0xFFFFFFB0]  }
0x232: {  	v16 =	vld [tilespmem:s4+$0xFFFFFFA0];
	s25 =	spop (v2sf)  }
0x233: {  	v8 =	vld [tilespmem:s4+$0xFFFFFF90];
	v9 =	vperm.xlane v9, v3;
	s4 =	sshll.u32 s25, $0x9  }
0x234: {  	v24 =	vld [tilespmem:$0x1B200];
	s4 =	sshra.s32 s4, $0x2  }
0x235: {  	v9 =	vpack.i.f32.bf16 v9, v9;
	v25 =	vld [tilespmem:s4+$0x20]  }
0x236: {  	v20 =	vmul.bf16 v20, v9;
	v26 =	vld [tilespmem:s4+$0x10]  }
0x237: {  	v21 =	vmul.bf16 v21, v9;
	v27 =	vld [tilespmem:s4+$0x30]  }
0x238: {  	v22 =	vmul.bf16 v22, v9;
	v15 =	vadd.bf16 v20, v15;
	v57 =	vld [tilespmem:s4+$0x40]  }
0x239: {  	v19 =	vmul.bf16 v19, v9;
	v16 =	vadd.bf16 v21, v16;
	v58 =	vld [tilespmem:s4+$0x50]  }
0x23a: {  	v23 =	vmul.bf16 v23, v9;
	v14 =	vadd.bf16 v22, v14;
	v59 =	vld [tilespmem:s4+$0x60];
	v15 =	vmin.bf16 v25, v15  }
0x23b: {  	v18 =	vmul.bf16 v18, v9;
	v13 =	vadd.bf16 v19, v13;
	v60 =	vld [tilespmem:s4+$0x70];
	v16 =	vmin.bf16 v26, v16;
	[tilespmem:s4+$0x20] =	vst v15  }
0x23c: {  	v17 =	vmul.bf16 v17, v9;
	v12 =	vadd.bf16 v23, v12;
	v61 =	vld [tilespmem:s4+$0x0];
	v14 =	vmin.bf16 v27, v14;
	[tilespmem:s4+$0x10] =	vst v16  }
0x23d: {  	v9 =	vmul.bf16 v24, v9;
	v11 =	vadd.bf16 v18, v11;
	v13 =	vmin.bf16 v57, v13;
	[tilespmem:s4+$0x30] =	vst v14  }
0x23e: {  	s2 =	sadd.s32 $0x3, s2;
	v10 =	vadd.bf16 v17, v10;
	v12 =	vmin.bf16 v58, v12;
	[tilespmem:s4+$0x40] =	vst v13  }
0x23f: {  	p1 =	sge.s32 s2, s28;
	v8 =	vadd.bf16 v9, v8;
	v62 =	vmin.bf16 v59, v11;
	[tilespmem:s4+$0x50] =	vst v12  }
0x240: {  	s2 =	sshll.u32 @!p1 s2, $0x7;
	v63 =	vmin.bf16 v60, v10;
	[tilespmem:s4+$0x60] =	vst v62  }
0x241: {  	s30 =	sadd.s32 $0x1, s30;
	s2 =	sshra.s32 @!p1 s2, $0x2;
	v8 =	vmin.bf16 v61, v8;
	[tilespmem:s4+$0x70] =	vst v63  }
0x242: {  	s5 =	simm.s32 @!p1 $0x1A200;
	s2 =	sadd.s32 @!p1 $0x11100, s2;
	[tilespmem:s4+$0x0] =	vst v8;
	s4 =	simm.s32 @!p1 $0x20  }
0x243: {  	[tilespmem:s5], [sflag:$0x2] =	stream.indirect.gather @!p1 [hbm4b:s3+s4], $0x80, s2, s4, $0xb8;
	[tilespmem:$0x1B480] =	vst v63  }
0x244: {  	p1 =	sne.s32 s30, s0  }
.Ltmp17:
0x245: {  	_ = 	snop;
	(pc) =	sbr.rel @p1 .LBB2_22-.Ltmp17, $3  }
0x246: {  	_ =	sdelay $0x1  }
0x247: {  	s31 =	sadd.s32 $0x40, s31  }
0x248: {  	s1 =	sadd.s32 $0x40, s1;
	s22 =	sadd.s32 $0x40, s22;
	s23 =	sadd.s32 $0x40, s23  }
.LBB2_27:
0x249: {  	s1 =	sshll.u32 s0, $0x1  }
0x24a: {  	p1 =	sge.s32 s1, s28  }
.Ltmp18:
0x24b: {  	_ = 	snop;
	(pc) =	sbr.rel @p1 .LBB2_31-.Ltmp18, $1  }
0x24c: {  	_ =	sdelay $0x3  }
0x24d: {  	s0 =	sshll.u32 s0, $0x8  }
0x24e: {  	s1 =	sshra.s32 s0, $0x2  }
0x24f: {  	s0 =	sadd.s32 $0xD080, s1  }
0x250: {  	v8 =	vmov s0;
	_ =	sdelay $0x1  }
0x251: {  	_ =	swait.ge [sflag:s15], $0x1000  }
0x252: {  	[sflag:s15] =	ssyncset.done $0x0  }
0x253: {  	s2 =	simm.s32 $0x0;
	[sflag:s15] =	ssyncadd.s32 $0xFFFFF000  }
0x254: {  	v9 =	vld.idx.msk [tilespmem:v8+s2+$0x0 ss:$0x1], $0xffff;
	_ =	sdelay $0x4  }
0x255: {  	(v2sf) =	vpush v9, $0x0  }
0x256: {  	v18 =	vld [tilespmem:$0x1B270]  }
0x257: {  	v20 =	vld [tilespmem:$0x1B260]  }
0x258: {  	v21 =	vld [tilespmem:$0x1B240]  }
0x259: {  	v22 =	vld [tilespmem:$0x1B220]  }
0x25a: {  	s1 =	sadd.s32 $0x15180, s1;
	v23 =	vld [tilespmem:$0x1B210]  }
0x25b: {  	v24 =	vld [tilespmem:$0x1B230];
	v9 =	vmov s1  }
0x25c: {  	v25 =	vld [tilespmem:$0x1B250]  }
0x25d: {  	s0 =	simm.s32 $0x19240;
	v26 =	vld [tilespmem:$0x1B200]  }
0x25e: {  	v10 =	vld [tilespmem:s0+$0xFFFFFFC0]  }
0x25f: {  	v11 =	vld [tilespmem:s0+$0x30]  }
0x260: {  	v19 =	vld.idx.msk [tilespmem:v9+s2+$0x0 ss:$0x1], $0xffff  }
0x261: {  	v12 =	vld [tilespmem:s0+$0x20]  }
0x262: {  	v13 =	vld [tilespmem:s0+$0x10]  }
0x263: {  	v14 =	vld [tilespmem:s0+$0x0]  }
0x264: {  	v15 =	vld [tilespmem:s0+$0xFFFFFFF0];
	s31 =	spop (v2sf)  }
0x265: {  	v16 =	vld [tilespmem:s0+$0xFFFFFFE0];
	v19 =	vperm.xlane v19, v3;
	s1 =	sshll.u32 s31, $0x9  }
0x266: {  	v17 =	vld [tilespmem:s0+$0xFFFFFFD0];
	s4 =	sshra.s32 s1, $0x2  }
0x267: {  	v19 =	vpack.i.f32.bf16 v19, v19;
	v27 =	vld [tilespmem:s4+$0x20]  }
0x268: {  	v22 =	vmul.bf16 v22, v19;
	v28 =	vld [tilespmem:s4+$0x10]  }
0x269: {  	v23 =	vmul.bf16 v23, v19;
	v29 =	vld [tilespmem:s4+$0x30]  }
0x26a: {  	v24 =	vmul.bf16 v24, v19;
	v16 =	vadd.bf16 v22, v16;
	v58 =	vld [tilespmem:s4+$0x40]  }
0x26b: {  	v21 =	vmul.bf16 v21, v19;
	v17 =	vadd.bf16 v23, v17;
	v59 =	vld [tilespmem:s4+$0x50]  }
0x26c: {  	v25 =	vmul.bf16 v25, v19;
	v15 =	vadd.bf16 v24, v15;
	v60 =	vld [tilespmem:s4+$0x60];
	v16 =	vmin.bf16 v27, v16  }
0x26d: {  	v20 =	vmul.bf16 v20, v19;
	v14 =	vadd.bf16 v21, v14;
	v61 =	vld [tilespmem:s4+$0x70];
	v17 =	vmin.bf16 v28, v17;
	[tilespmem:s4+$0x20] =	vst v16  }
0x26e: {  	v18 =	vmul.bf16 v18, v19;
	v13 =	vadd.bf16 v25, v13;
	v62 =	vld [tilespmem:s4+$0x0];
	v15 =	vmin.bf16 v29, v15;
	[tilespmem:s4+$0x10] =	vst v17  }
0x26f: {  	v63 =	vmul.bf16 v26, v19;
	v12 =	vadd.bf16 v20, v12;
	v14 =	vmin.bf16 v58, v14;
	[tilespmem:s4+$0x30] =	vst v15  }
0x270: {  	v11 =	vadd.bf16 v18, v11;
	v13 =	vmin.bf16 v59, v13;
	[tilespmem:s4+$0x40] =	vst v14  }
0x271: {  	v10 =	vadd.bf16 v63, v10;
	v12 =	vmin.bf16 v60, v12;
	[tilespmem:s4+$0x50] =	vst v13  }
0x272: {  	v11 =	vmin.bf16 v61, v11;
	[tilespmem:s4+$0x60] =	vst v12  }
0x273: {  	v10 =	vmin.bf16 v62, v10;
	[tilespmem:s4+$0x70] =	vst v11  }
0x274: {  	s2 =	simm.s32 $0x1;
	s1 =	simm.s32 $0x8;
	[tilespmem:s4+$0x0] =	vst v10  }
.LBB2_29:
0x275: {  	p1 =	sne.s32 s1, $0x7C;
	v10 =	vld.idx.msk [tilespmem:v8+s2+$0x0 ss:$0x1], $0xffff;
	_ =	sdelay $0x5  }
0x276: {  	s0 =	sadd.s32 $0x80, s0;
	(v2sf) =	vpush v10, $0x0  }
0x277: {  	v10 =	vld [tilespmem:s0+$0xFFFFFFC0]  }
0x278: {  	v11 =	vld [tilespmem:s0+$0x30]  }
0x279: {  	v12 =	vld [tilespmem:s0+$0x20]  }
0x27a: {  	v13 =	vld [tilespmem:s0+$0x10]  }
0x27b: {  	v14 =	vld [tilespmem:s0+$0x0]  }
0x27c: {  	v15 =	vld [tilespmem:s0+$0xFFFFFFF0]  }
0x27d: {  	v16 =	vld [tilespmem:s0+$0xFFFFFFE0]  }
0x27e: {  	v17 =	vld [tilespmem:s0+$0xFFFFFFD0]  }
0x27f: {  	v18 =	vld [tilespmem:$0x1B270]  }
0x280: {  	v19 =	vld.idx.msk [tilespmem:v9+s2+$0x0 ss:$0x1], $0xffff  }
0x281: {  	v20 =	vld [tilespmem:$0x1B260]  }
0x282: {  	v21 =	vld [tilespmem:$0x1B240]  }
0x283: {  	v22 =	vld [tilespmem:$0x1B220]  }
0x284: {  	v23 =	vld [tilespmem:$0x1B210]  }
0x285: {  	v24 =	vld [tilespmem:$0x1B230];
	s2 =	spop (v2sf)  }
0x286: {  	v19 =	vperm.xlane v19, v3;
	s2 =	sshll.u32 s2, $0x9;
	v25 =	vld [tilespmem:$0x1B250]  }
0x287: {  	v26 =	vld [tilespmem:$0x1B200];
	s4 =	sshra.s32 s2, $0x2  }
0x288: {  	v19 =	vpack.i.f32.bf16 v19, v19;
	v27 =	vld [tilespmem:s4+$0x20]  }
0x289: {  	v22 =	vmul.bf16 v22, v19;
	v28 =	vld [tilespmem:s4+$0x10];
	v23 =	vmul.bf16 v23, v19  }
0x28a: {  	v21 =	vmul.bf16 v21, v19;
	v29 =	vld [tilespmem:s4+$0x30];
	v24 =	vmul.bf16 v24, v19  }
0x28b: {  	v16 =	vadd.bf16 v22, v16;
	v17 =	vadd.bf16 v23, v17;
	v22 =	vld [tilespmem:s4+$0x40];
	v23 =	vmul.bf16 v25, v19  }
0x28c: {  	v20 =	vmul.bf16 v20, v19;
	v14 =	vadd.bf16 v21, v14;
	v15 =	vadd.bf16 v24, v15;
	v21 =	vld [tilespmem:s4+$0x50]  }
0x28d: {  	v18 =	vmul.bf16 v18, v19;
	v16 =	vmin.bf16 v27, v16;
	v13 =	vadd.bf16 v23, v13;
	v23 =	vld [tilespmem:s4+$0x60]  }
0x28e: {  	v12 =	vadd.bf16 v20, v12;
	v19 =	vmul.bf16 v26, v19;
	v17 =	vmin.bf16 v28, v17;
	[tilespmem:s4+$0x20] =	vst v16;
	v16 =	vld [tilespmem:s4+$0x70]  }
0x28f: {  	v11 =	vadd.bf16 v18, v11;
	v20 =	vld [tilespmem:s4+$0x0];
	[tilespmem:s4+$0x10] =	vst v17;
	v15 =	vmin.bf16 v29, v15  }
0x290: {  	v10 =	vadd.bf16 v19, v10;
	[tilespmem:s4+$0x30] =	vst v15;
	v14 =	vmin.bf16 v22, v14  }
.Ltmp19:
0x291: {  	[tilespmem:s4+$0x40] =	vst v14;
	v13 =	vmin.bf16 v21, v13;
	(pc) =	sbr.rel @p1 .LBB2_29-.Ltmp19, $4  }
0x292: {  	[tilespmem:s4+$0x50] =	vst v13;
	v12 =	vmin.bf16 v23, v12  }
0x293: {  	[tilespmem:s4+$0x60] =	vst v12;
	v11 =	vmin.bf16 v16, v11  }
0x294: {  	v10 =	vmin.bf16 v20, v10;
	[tilespmem:s4+$0x70] =	vst v11  }
0x295: {  	s2 =	sshra.s32 s1, $0x2;
	s1 =	sadd.s32 $0x4, s1;
	[tilespmem:s4+$0x0] =	vst v10  }
0x296: {  	_ =	sdelay $0x3  }
0x297: {  	v8 =	vld.idx.msk [tilespmem:v8+s2+$0x0 ss:$0x1], $0xffff;
	_ =	sdelay $0x4  }
0x298: {  	(v2sf) =	vpush v8, $0x0  }
0x299: {  	v17 =	vld [tilespmem:$0x1B270]  }
0x29a: {  	v9 =	vld.idx.msk [tilespmem:v9+s2+$0x0 ss:$0x1], $0xffff  }
0x29b: {  	v18 =	vld [tilespmem:$0x1B260]  }
0x29c: {  	v19 =	vld [tilespmem:$0x1B240]  }
0x29d: {  	v20 =	vld [tilespmem:$0x1B220]  }
0x29e: {  	v21 =	vld [tilespmem:$0x1B210]  }
0x29f: {  	v22 =	vld [tilespmem:$0x1B230]  }
0x2a0: {  	s0 =	sadd.s32 $0x80, s0;
	v23 =	vld [tilespmem:$0x1B250]  }
0x2a1: {  	v10 =	vld [tilespmem:s0+$0x30]  }
0x2a2: {  	v11 =	vld [tilespmem:s0+$0x20]  }
0x2a3: {  	v12 =	vld [tilespmem:s0+$0x10]  }
0x2a4: {  	v13 =	vld [tilespmem:s0+$0x0]  }
0x2a5: {  	v14 =	vld [tilespmem:s0+$0xFFFFFFF0]  }
0x2a6: {  	v15 =	vld [tilespmem:s0+$0xFFFFFFE0]  }
0x2a7: {  	v16 =	vld [tilespmem:s0+$0xFFFFFFD0];
	s31 =	spop (v2sf)  }
0x2a8: {  	v8 =	vld [tilespmem:s0+$0xFFFFFFC0];
	v9 =	vperm.xlane v9, v3;
	s0 =	sshll.u32 s31, $0x9  }
0x2a9: {  	v24 =	vld [tilespmem:$0x1B200];
	s0 =	sshra.s32 s0, $0x2  }
0x2aa: {  	v9 =	vpack.i.f32.bf16 v9, v9;
	v25 =	vld [tilespmem:s0+$0x20]  }
0x2ab: {  	v20 =	vmul.bf16 v20, v9;
	v26 =	vld [tilespmem:s0+$0x10]  }
0x2ac: {  	v21 =	vmul.bf16 v21, v9;
	v27 =	vld [tilespmem:s0+$0x30]  }
0x2ad: {  	v22 =	vmul.bf16 v22, v9;
	v15 =	vadd.bf16 v20, v15;
	v57 =	vld [tilespmem:s0+$0x40]  }
0x2ae: {  	v19 =	vmul.bf16 v19, v9;
	v16 =	vadd.bf16 v21, v16;
	v58 =	vld [tilespmem:s0+$0x50]  }
0x2af: {  	v23 =	vmul.bf16 v23, v9;
	v14 =	vadd.bf16 v22, v14;
	v59 =	vld [tilespmem:s0+$0x60];
	v15 =	vmin.bf16 v25, v15  }
0x2b0: {  	v18 =	vmul.bf16 v18, v9;
	v13 =	vadd.bf16 v19, v13;
	v60 =	vld [tilespmem:s0+$0x70];
	v16 =	vmin.bf16 v26, v16;
	[tilespmem:s0+$0x20] =	vst v15  }
0x2b1: {  	v17 =	vmul.bf16 v17, v9;
	v12 =	vadd.bf16 v23, v12;
	v61 =	vld [tilespmem:s0+$0x0];
	v14 =	vmin.bf16 v27, v14;
	[tilespmem:s0+$0x10] =	vst v16  }
0x2b2: {  	v9 =	vmul.bf16 v24, v9;
	v11 =	vadd.bf16 v18, v11;
	v13 =	vmin.bf16 v57, v13;
	[tilespmem:s0+$0x30] =	vst v14  }
.Ltmp20:
0x2b3: {  	v10 =	vadd.bf16 v17, v10;
	v12 =	vmin.bf16 v58, v12;
	[tilespmem:s0+$0x40] =	vst v13;
	(pc) =	sbr.rel .LBB2_31-.Ltmp20, $4  }
0x2b4: {  	v8 =	vadd.bf16 v9, v8;
	v62 =	vmin.bf16 v59, v11;
	[tilespmem:s0+$0x50] =	vst v12  }
0x2b5: {  	v63 =	vmin.bf16 v60, v10;
	[tilespmem:s0+$0x60] =	vst v62  }
0x2b6: {  	v8 =	vmin.bf16 v61, v8;
	[tilespmem:s0+$0x70] =	vst v63  }
0x2b7: {  	[tilespmem:s0+$0x0] =	vst v8  }
.LBB2_10:
.Ltmp21:
0x2b8: {  	(pc) =	sbr.rel .LBB2_19-.Ltmp21, $2  }
0x2b9: {  	_ =	sdelay $0x2  }
0x2ba: {  	_ = 	snop  }
.LBB2_12:
.Ltmp22:
0x2bb: {  	(pc) =	sbr.rel .LBB2_19-.Ltmp22, $2  }
0x2bc: {  	_ =	sdelay $0x2  }
0x2bd: {  	s0 =	smov.u32 s13;
	s31 =	smov.u32 s2;
	s10 =	smov.u32 s14  }
.LBB2_14:
.Ltmp23:
0x2be: {  	_ = 	snop;
	(pc) =	sbr.rel .LBB2_19-.Ltmp23, $4  }
0x2bf: {  	_ = 	snop  }
0x2c0: {  	s0 =	smov.u32 s22  }
0x2c1: {  	s31 =	smov.u32 s23;
	s10 =	smov.u32 s30;
	vm4 =	vmmov vm0;
	v21 =	vmovc v13;
	vm3 =	vmmov vm1;
	v22 =	vmov v15;
	s1 =	smov.u32 s7  }
0x2c2: {  	v23 =	vmovc v10;
	vm5 =	vmmov vm6;
	v18 =	vmovc v35;
	s22 =	smov.u32 s13;
	s23 =	smov.u32 s2;
	s30 =	smov.u32 s14;
	v27 =	vmov v19;
	v28 =	vmov v17  }
.LBB2_16:
.Ltmp24:
0x2c3: {  	(pc) =	sbr.rel .LBB2_19-.Ltmp24, $3  }
0x2c4: {  	_ =	sdelay $0x1  }
0x2c5: {  	s26 =	rddreg [dreg:$0xa]  }
0x2c6: {  	v26 =	vmov v10;
	v24 =	vmov v13;
	v25 =	vmov v15;
	s28 =	rddreg [dreg:$0xb]  }
.LBB2_32:
0x2c7: {  	p0 =	slt.s32 s0, $0x1  }
.Ltmp25:
0x2c8: {  	_ = 	snop;
	(pc) =	sbr.rel @p0 .LBB2_36-.Ltmp25, $2  }
0x2c9: {  	_ =	sdelay $0x2  }
0x2ca: {  	s5 =	simm.s32 $0x0;
	s1 =	rddreg [dreg:$0x9]  }
0x2cb: {  	[tilespmem:s0+$0x11100] =	vst v3  }
0x2cc: {  	[tilespmem:s0+$0xD080] =	vst v6  }
0x2cd: {  	[tilespmem:s0+$0x15180] =	vst v7  }
0x2ce: {  	[tilespmem:s0+$0x11110] =	vst v3  }
0x2cf: {  	[tilespmem:s0+$0xD090] =	vst v6  }
0x2d0: {  	[tilespmem:s0+$0x15190] =	vst v7;
	s29 =	simm.s32 $0x20;
	s1 =	simm.s32 $0x19200  }
0x2d1: {  	[tilespmem:s1], [sflag:$0x1] =	stream.indirect.gather [hbm4b:s3+s29], $0x80, s19, s29, $0xb8;
	[tilespmem:$0x1B480] =	vst v63  }
0x2d2: {  	_ =	swait.ge [sflag:s15], $0x1000  }
0x2d3: {  	[sflag:s15] =	ssyncset.done $0x0  }
0x2d4: {  	s30 =	simm.s32 $0x0;
	[sflag:s15] =	ssyncadd.s32 $0xFFFFF000  }
0x2d5: {  	v8 =	vld [tilespmem:s30+$0xD080];
	_ =	sdelay $0x4  }
0x2d6: {  	s0 =	simm.s32 $0x19240;
	(v2sf) =	vpush v8, $0x0  }
0x2d7: {  	v9 =	vld [tilespmem:s0+$0x30]  }
0x2d8: {  	v10 =	vld [tilespmem:s0+$0x20]  }
0x2d9: {  	v11 =	vld [tilespmem:s0+$0x10]  }
0x2da: {  	v12 =	vld [tilespmem:s0+$0x0]  }
0x2db: {  	v13 =	vld [tilespmem:s0+$0xFFFFFFF0]  }
0x2dc: {  	v14 =	vld [tilespmem:s0+$0xFFFFFFE0]  }
0x2dd: {  	v15 =	vld [tilespmem:s0+$0xFFFFFFD0]  }
0x2de: {  	v16 =	vld [tilespmem:$0x1B270]  }
0x2df: {  	v17 =	vld [tilespmem:$0x1B260]  }
0x2e0: {  	v18 =	vld [tilespmem:s30+$0x15180]  }
0x2e1: {  	v19 =	vld [tilespmem:$0x1B240]  }
0x2e2: {  	v20 =	vld [tilespmem:$0x1B220]  }
0x2e3: {  	v21 =	vld [tilespmem:$0x1B210]  }
0x2e4: {  	v22 =	vld [tilespmem:$0x1B230]  }
0x2e5: {  	v23 =	vld [tilespmem:$0x1B250];
	s31 =	spop (v2sf)  }
0x2e6: {  	v24 =	vld [tilespmem:$0x1B200];
	v18 =	vperm.xlane v18, v3;
	s1 =	sshll.u32 s31, $0x9  }
0x2e7: {  	v8 =	vld [tilespmem:s0+$0xFFFFFFC0];
	s4 =	sshra.s32 s1, $0x2  }
0x2e8: {  	v18 =	vpack.i.f32.bf16 v18, v18;
	v25 =	vld [tilespmem:s4+$0x20]  }
0x2e9: {  	v20 =	vmul.bf16 v20, v18;
	v26 =	vld [tilespmem:s4+$0x10]  }
0x2ea: {  	v21 =	vmul.bf16 v21, v18;
	v27 =	vld [tilespmem:s4+$0x30]  }
0x2eb: {  	v22 =	vmul.bf16 v22, v18;
	v14 =	vadd.bf16 v20, v14;
	v58 =	vld [tilespmem:s4+$0x40]  }
0x2ec: {  	v19 =	vmul.bf16 v19, v18;
	v15 =	vadd.bf16 v21, v15;
	v59 =	vld [tilespmem:s4+$0x50]  }
0x2ed: {  	v23 =	vmul.bf16 v23, v18;
	v13 =	vadd.bf16 v22, v13;
	v60 =	vld [tilespmem:s4+$0x60];
	v14 =	vmin.bf16 v25, v14  }
0x2ee: {  	v17 =	vmul.bf16 v17, v18;
	v12 =	vadd.bf16 v19, v12;
	v61 =	vld [tilespmem:s4+$0x70];
	v15 =	vmin.bf16 v26, v15;
	[tilespmem:s4+$0x20] =	vst v14  }
0x2ef: {  	v16 =	vmul.bf16 v16, v18;
	v11 =	vadd.bf16 v23, v11;
	v62 =	vld [tilespmem:s4+$0x0];
	v13 =	vmin.bf16 v27, v13;
	[tilespmem:s4+$0x10] =	vst v15  }
0x2f0: {  	v63 =	vmul.bf16 v24, v18;
	v10 =	vadd.bf16 v17, v10;
	v12 =	vmin.bf16 v58, v12;
	[tilespmem:s4+$0x30] =	vst v13  }
0x2f1: {  	v9 =	vadd.bf16 v16, v9;
	v11 =	vmin.bf16 v59, v11;
	[tilespmem:s4+$0x40] =	vst v12  }
0x2f2: {  	v8 =	vadd.bf16 v63, v8;
	v10 =	vmin.bf16 v60, v10;
	[tilespmem:s4+$0x50] =	vst v11  }
0x2f3: {  	v9 =	vmin.bf16 v61, v9;
	[tilespmem:s4+$0x60] =	vst v10  }
0x2f4: {  	v8 =	vmin.bf16 v62, v8;
	[tilespmem:s4+$0x70] =	vst v9  }
0x2f5: {  	s2 =	simm.s32 $0x1;
	s1 =	simm.s32 $0x8;
	[tilespmem:s4+$0x0] =	vst v8  }
.LBB2_34:
0x2f6: {  	p0 =	sne.s32 s1, $0x7C;
	v8 =	vld [tilespmem:s2+$0xD080];
	_ =	sdelay $0x4  }
0x2f7: {  	s0 =	sadd.s32 $0x80, s0;
	(v2sf) =	vpush v8, $0x0  }
0x2f8: {  	v8 =	vld [tilespmem:s0+$0xFFFFFFC0]  }
0x2f9: {  	v9 =	vld [tilespmem:s0+$0x30]  }
0x2fa: {  	v10 =	vld [tilespmem:s0+$0x20]  }
0x2fb: {  	v11 =	vld [tilespmem:s0+$0x10]  }
0x2fc: {  	v12 =	vld [tilespmem:s0+$0x0]  }
0x2fd: {  	v13 =	vld [tilespmem:s0+$0xFFFFFFF0]  }
0x2fe: {  	v14 =	vld [tilespmem:s0+$0xFFFFFFE0]  }
0x2ff: {  	v15 =	vld [tilespmem:s0+$0xFFFFFFD0]  }
0x300: {  	v16 =	vld [tilespmem:$0x1B270]  }
0x301: {  	v17 =	vld [tilespmem:$0x1B260]  }
0x302: {  	v18 =	vld [tilespmem:s2+$0x15180]  }
0x303: {  	v19 =	vld [tilespmem:$0x1B240]  }
0x304: {  	v20 =	vld [tilespmem:$0x1B220]  }
0x305: {  	v21 =	vld [tilespmem:$0x1B210]  }
0x306: {  	v22 =	vld [tilespmem:$0x1B230];
	s2 =	spop (v2sf)  }
0x307: {  	v18 =	vperm.xlane v18, v3;
	s2 =	sshll.u32 s2, $0x9;
	v23 =	vld [tilespmem:$0x1B250]  }
0x308: {  	v24 =	vld [tilespmem:$0x1B200];
	s4 =	sshra.s32 s2, $0x2  }
0x309: {  	v18 =	vpack.i.f32.bf16 v18, v18;
	v25 =	vld [tilespmem:s4+$0x20]  }
0x30a: {  	v26 =	vld [tilespmem:s4+$0x10];
	v21 =	vmul.bf16 v21, v18;
	v20 =	vmul.bf16 v20, v18  }
0x30b: {  	v19 =	vmul.bf16 v19, v18;
	v27 =	vld [tilespmem:s4+$0x30];
	v22 =	vmul.bf16 v22, v18  }
0x30c: {  	v15 =	vadd.bf16 v21, v15;
	v14 =	vadd.bf16 v20, v14;
	v20 =	vld [tilespmem:s4+$0x40];
	v21 =	vmul.bf16 v23, v18  }
0x30d: {  	v17 =	vmul.bf16 v17, v18;
	v12 =	vadd.bf16 v19, v12;
	v13 =	vadd.bf16 v22, v13;
	v19 =	vld [tilespmem:s4+$0x50]  }
0x30e: {  	v16 =	vmul.bf16 v16, v18;
	v14 =	vmin.bf16 v25, v14;
	v11 =	vadd.bf16 v21, v11;
	v21 =	vld [tilespmem:s4+$0x60]  }
0x30f: {  	v10 =	vadd.bf16 v17, v10;
	v18 =	vmul.bf16 v24, v18;
	v15 =	vmin.bf16 v26, v15;
	[tilespmem:s4+$0x20] =	vst v14;
	v14 =	vld [tilespmem:s4+$0x70]  }
0x310: {  	v9 =	vadd.bf16 v16, v9;
	v17 =	vld [tilespmem:s4+$0x0];
	[tilespmem:s4+$0x10] =	vst v15;
	v13 =	vmin.bf16 v27, v13  }
0x311: {  	v8 =	vadd.bf16 v18, v8;
	[tilespmem:s4+$0x30] =	vst v13;
	v12 =	vmin.bf16 v20, v12  }
.Ltmp26:
0x312: {  	[tilespmem:s4+$0x40] =	vst v12;
	v11 =	vmin.bf16 v19, v11;
	(pc) =	sbr.rel @p0 .LBB2_34-.Ltmp26, $4  }
0x313: {  	[tilespmem:s4+$0x50] =	vst v11;
	v10 =	vmin.bf16 v21, v10  }
0x314: {  	[tilespmem:s4+$0x60] =	vst v10;
	v9 =	vmin.bf16 v14, v9  }
0x315: {  	v8 =	vmin.bf16 v17, v8;
	[tilespmem:s4+$0x70] =	vst v9  }
0x316: {  	s2 =	sshra.s32 s1, $0x2;
	s1 =	sadd.s32 $0x4, s1;
	[tilespmem:s4+$0x0] =	vst v8  }
0x317: {  	v8 =	vld [tilespmem:s2+$0xD080];
	_ =	sdelay $0x4  }
0x318: {  	(v2sf) =	vpush v8, $0x0  }
0x319: {  	v16 =	vld [tilespmem:$0x1B270]  }
0x31a: {  	v17 =	vld [tilespmem:$0x1B260]  }
0x31b: {  	v18 =	vld [tilespmem:s2+$0x15180]  }
0x31c: {  	v19 =	vld [tilespmem:$0x1B240]  }
0x31d: {  	v20 =	vld [tilespmem:$0x1B220]  }
0x31e: {  	v21 =	vld [tilespmem:$0x1B210]  }
0x31f: {  	v22 =	vld [tilespmem:$0x1B230]  }
0x320: {  	s0 =	sadd.s32 $0x80, s0;
	v23 =	vld [tilespmem:$0x1B250]  }
0x321: {  	v9 =	vld [tilespmem:s0+$0x30]  }
0x322: {  	v10 =	vld [tilespmem:s0+$0x20]  }
0x323: {  	v11 =	vld [tilespmem:s0+$0x10]  }
0x324: {  	v12 =	vld [tilespmem:s0+$0x0]  }
0x325: {  	v13 =	vld [tilespmem:s0+$0xFFFFFFF0]  }
0x326: {  	v14 =	vld [tilespmem:s0+$0xFFFFFFE0]  }
0x327: {  	v15 =	vld [tilespmem:s0+$0xFFFFFFD0];
	s31 =	spop (v2sf)  }
0x328: {  	v8 =	vld [tilespmem:s0+$0xFFFFFFC0];
	v18 =	vperm.xlane v18, v3;
	s0 =	sshll.u32 s31, $0x9  }
0x329: {  	v24 =	vld [tilespmem:$0x1B200];
	s0 =	sshra.s32 s0, $0x2  }
0x32a: {  	v18 =	vpack.i.f32.bf16 v18, v18;
	v25 =	vld [tilespmem:s0+$0x20]  }
0x32b: {  	v20 =	vmul.bf16 v20, v18;
	v26 =	vld [tilespmem:s0+$0x10]  }
0x32c: {  	v21 =	vmul.bf16 v21, v18;
	v27 =	vld [tilespmem:s0+$0x30]  }
0x32d: {  	v22 =	vmul.bf16 v22, v18;
	v14 =	vadd.bf16 v20, v14;
	v58 =	vld [tilespmem:s0+$0x40]  }
0x32e: {  	v19 =	vmul.bf16 v19, v18;
	v15 =	vadd.bf16 v21, v15;
	v59 =	vld [tilespmem:s0+$0x50]  }
0x32f: {  	v23 =	vmul.bf16 v23, v18;
	v13 =	vadd.bf16 v22, v13;
	v60 =	vld [tilespmem:s0+$0x60];
	v14 =	vmin.bf16 v25, v14  }
0x330: {  	v17 =	vmul.bf16 v17, v18;
	v12 =	vadd.bf16 v19, v12;
	v61 =	vld [tilespmem:s0+$0x70];
	v15 =	vmin.bf16 v26, v15;
	[tilespmem:s0+$0x20] =	vst v14  }
0x331: {  	v16 =	vmul.bf16 v16, v18;
	v11 =	vadd.bf16 v23, v11;
	v62 =	vld [tilespmem:s0+$0x0];
	v13 =	vmin.bf16 v27, v13;
	[tilespmem:s0+$0x10] =	vst v15  }
0x332: {  	v63 =	vmul.bf16 v24, v18;
	v10 =	vadd.bf16 v17, v10;
	v12 =	vmin.bf16 v58, v12;
	[tilespmem:s0+$0x30] =	vst v13  }
.Ltmp27:
0x333: {  	v9 =	vadd.bf16 v16, v9;
	v11 =	vmin.bf16 v59, v11;
	[tilespmem:s0+$0x40] =	vst v12;
	(pc) =	sbr.rel .LBB2_36-.Ltmp27, $4  }
0x334: {  	v8 =	vadd.bf16 v63, v8;
	v10 =	vmin.bf16 v60, v10;
	[tilespmem:s0+$0x50] =	vst v11  }
0x335: {  	v9 =	vmin.bf16 v61, v9;
	[tilespmem:s0+$0x60] =	vst v10  }
0x336: {  	v8 =	vmin.bf16 v62, v8;
	[tilespmem:s0+$0x70] =	vst v9  }
0x337: {  	s1 =	rddreg [dreg:$0x9];
	[tilespmem:s0+$0x0] =	vst v8  }
.LBB2_37:
0x338: {  	_ =	sfence.sel $0x180000  }
0x339: {  	[bflag:$0x0] =	sbarrier.arrive $0xFFFF  }
0x33a: {  	_ =	strace $0x90000047  }
0x33b: {  	s0 =	stileid.u32;
	[bflag:$0x2] =	sbarrier.arrive $0xFFFF  }
0x33c: {  	p0 =	sne.s32 s0, $0x0;
	s0 =	rddreg [dreg:$0x2]  }
0x33d: {  	s0 =	sadd.s32 @!p0 $0x100000, s0  }
0x33e: {  	[sflag:s0] =	ssyncadd.tile.s32 @!p0 $0x1;
	_ =	shalt  }
.Lfunc_end2:
_tile_overlayer_lowered:
.L_overlay_start_2:
0x33f: {  	(tag) =	ssettag $0x2  }
0x340: {  	s0 =	rddreg [dreg:$0x0];
	s2 =	stileid.u32  }
0x341: {  	s1 =	rddreg [dreg:$0x1];
	p0 =	sne.s32 s2, $0x0  }
0x342: {  	s3 =	rddreg [dreg:$0x2];
	[bflag:$0x3] =	sbarrier.arrive $0xFFFF;
	s2 =	simm.s32 @!p0 $0x1C04  }
0x343: {  	[timem:s3], [sflag:s2] =	dma.local @!p0 [hbm:s0], s1  }
0x344: {  	s0 =	simm.s32 @!p0 $0x4  }
0x345: {  	_ =	swait.ge @!p0 [sflag:s0], s1  }
0x346: {  	s1 =	ssub.s32 @!p0 $0x0, s1;
	[sflag:s0] =	ssyncset.done @!p0 $0x0  }
0x347: {  	[sflag:s0] =	ssyncadd.s32 @!p0 s1  }
0x348: {  	[bflag:$0x3] =	sbarrier.arrive $0xFFFF  }
0x349: {  	_ =	shalt  }

</sc_bundles>
